<compile_context>
chip_gen: v7x
topology: tpu7x:2x2x1
jax: 0.10.2.dev20260603
libtpu: 0.0.44.dev20260713+nightly
codegen_flags: <defaults>
</compile_context>

<pallas_src>
import functools

import jax
import jax.numpy as jnp
from jax import lax
from jax.experimental import pallas as pl
from jax.experimental.pallas import tpu as pltpu, tpu_sc as plsc

FIELDS = 26
VOCAB = 100000
EMB = 16
B = 4096
EPS = 1e-5

NC = 2
NS = 16
NW = NC * NS
BPW = B // NW
PAIRS_W = BPW * FIELDS
NCHUNKS = PAIRS_W // 128

BLK = 512
D = FIELDS * EMB



def _gather_body(fm2_hbm, fm1_hbm, idx_hbm, rows_hbm, fm1g_hbm,
                 idx_v, rows_v, fm1g_v, sem_a, sem_b):
    wid = lax.axis_index("s") * NC + lax.axis_index("c")

    pltpu.sync_copy(idx_hbm.at[pl.ds(wid * NCHUNKS, NCHUNKS)], idx_v)
    g2s = [
        pltpu.async_copy(fm2_hbm.at[idx_v.at[j]],
                         rows_v.at[pl.ds(j * 128, 128)], sem_a)
        for j in range(NCHUNKS)
    ]
    g1s = [
        pltpu.async_copy(fm1_hbm.at[idx_v.at[j]],
                         fm1g_v.at[pl.ds(j * 128, 128)], sem_b)
        for j in range(NCHUNKS)
    ]
    for h in g2s:
        h.wait()
    for h in g1s:
        h.wait()
    pltpu.sync_copy(rows_v, rows_hbm.at[pl.ds(wid * PAIRS_W, PAIRS_W)])
    pltpu.sync_copy(fm1g_v, fm1g_hbm.at[pl.ds(wid * PAIRS_W, PAIRS_W)])


def _make_sc_gather():
    mesh = plsc.VectorSubcoreMesh(core_axis_name="c", subcore_axis_name="s")
    return functools.partial(
        pl.kernel,
        mesh=mesh,
        compiler_params=pltpu.CompilerParams(use_tc_tiling_on_sc=False),
        out_type=(
            jax.ShapeDtypeStruct((B * FIELDS, EMB), jnp.float32),
            jax.ShapeDtypeStruct((B * FIELDS,), jnp.float32),
        ),
        scratch_types=[
            pltpu.VMEM((NCHUNKS, 128), jnp.int32),
            pltpu.VMEM((PAIRS_W, EMB), jnp.float32),
            pltpu.VMEM((PAIRS_W,), jnp.float32),
            pltpu.SemaphoreType.DMA,
            pltpu.SemaphoreType.DMA,
        ],
    )(_gather_body)



def _dense_body(rows_ref, fm1g_ref, xv_ref, e_ref, m_ref, c_ref, o_ref):
    xve = jnp.dot(xv_ref[...], e_ref[...],
                  preferred_element_type=jnp.float32)
    xe = rows_ref[...] * xve
    sl = jnp.dot(xe, m_ref[...],
                 preferred_element_type=jnp.float32)
    s = sl[:, :EMB]
    deep = sl[:, EMB:]
    q = jnp.sum(xe * xe, axis=1, keepdims=True)
    s2 = jnp.sum(s * s, axis=1, keepdims=True)
    first = jnp.sum(fm1g_ref[...] * xv_ref[...], axis=1, keepdims=True)
    o_ref[...] = first + 0.5 * (s2 - q) + deep + c_ref[...]


def _dense_stage(rows, fm1g, xv, emat, mmat, cmat):
    grid = (B // BLK,)
    return pl.pallas_call(
        _dense_body,
        grid=grid,
        in_specs=[
            pl.BlockSpec((BLK, D), lambda i: (i, 0)),
            pl.BlockSpec((BLK, FIELDS), lambda i: (i, 0)),
            pl.BlockSpec((BLK, FIELDS), lambda i: (i, 0)),
            pl.BlockSpec((FIELDS, D), lambda i: (0, 0)),
            pl.BlockSpec((D, EMB + 1), lambda i: (0, 0)),
            pl.BlockSpec((1, 1), lambda i: (0, 0)),
        ],
        out_specs=pl.BlockSpec((BLK, 1), lambda i: (i, 0)),
        out_shape=jax.ShapeDtypeStruct((B, 1), jnp.float32),
    )(rows, fm1g, xv, emat, mmat, cmat)


_sc_gather_cache = None


def _get_sc_gather():
    global _sc_gather_cache
    if _sc_gather_cache is None:
        _sc_gather_cache = _make_sc_gather()
    return _sc_gather_cache


def kernel(Xi, Xv, fm1, fm2, W1, b1, g1, be1, W2, b2, g2, be2, bias):
    s = 1.0 / jnp.sqrt(1.0 + EPS)
    u = (s * g2) @ W2
    a1 = s * g1 * u
    w_eff = W1.T @ a1
    const = b1 @ a1 + be1 @ u + b2 @ (s * g2) + be2.sum() + bias[0]

    emat = jnp.repeat(jnp.eye(FIELDS, dtype=jnp.float32), EMB, axis=1)
    pmat = jnp.tile(jnp.eye(EMB, dtype=jnp.float32), (FIELDS, 1))
    mmat = jnp.concatenate(
        [pmat, w_eff.astype(jnp.float32)[:, None]], axis=1)
    cmat = jnp.broadcast_to(const, (1, 1)).astype(jnp.float32)

    idx = Xi[:, :, 0].astype(jnp.int32)
    flat = idx + (jnp.arange(FIELDS, dtype=jnp.int32) * VOCAB)[None, :]
    idx_w = flat.reshape(NW * NCHUNKS, 128)

    fm2_flat = fm2.reshape(FIELDS * VOCAB, EMB)
    fm1_flat = fm1.reshape(FIELDS * VOCAB)

    rows_g, fm1_g = _get_sc_gather()(fm2_flat, fm1_flat, idx_w)
    rows = rows_g.reshape(B, D)
    fm1g = fm1_g.reshape(B, FIELDS)

    out = _dense_stage(rows, fm1g, Xv.astype(jnp.float32), emat, mmat, cmat)
    return out.reshape(B)

# --- scband reference (transcript-rebuilt; emitter-appended) ---
"""Pipeline reference for scband-deep-fm-20822001451169 (READ-ONLY COPY).

The authoritative reference and input builder live on the scoring server;
editing this copy changes nothing except your own understanding.
"""

import jax, jax.numpy as jnp
import numpy as np

FIELDS = 26
VOCAB = 100000
EMB = 16
B = 4096
H1 = 32
H2 = 32
EPS = 1e-5


def setup_inputs(seed: int = 0) -> dict:
    key = jax.random.key(seed)
    ks = jax.random.split(key, 12)
    Xi = jax.random.randint(ks[0], (B, FIELDS, 1), 0, VOCAB, dtype=jnp.int32)
    Xv = jax.random.uniform(ks[1], (B, FIELDS), dtype=jnp.float32)
    fm1 = jax.random.normal(ks[2], (FIELDS, VOCAB, 1), dtype=jnp.float32) * 0.02
    fm2 = jax.random.normal(ks[3], (FIELDS, VOCAB, EMB), dtype=jnp.float32) * 0.02
    W1 = jax.random.normal(ks[4], (H1, FIELDS * EMB), dtype=jnp.float32) * 0.05
    b1 = jax.random.normal(ks[5], (H1,), dtype=jnp.float32) * 0.01
    g1 = jnp.ones((H1,), dtype=jnp.float32)
    be1 = jnp.zeros((H1,), dtype=jnp.float32)
    W2 = jax.random.normal(ks[6], (H2, H1), dtype=jnp.float32) * 0.05
    b2 = jax.random.normal(ks[7], (H2,), dtype=jnp.float32) * 0.01
    g2 = jnp.ones((H2,), dtype=jnp.float32)
    be2 = jnp.zeros((H2,), dtype=jnp.float32)
    bias = jax.random.normal(ks[8], (1,), dtype=jnp.float32)
    return dict(Xi=Xi, Xv=Xv, fm1=fm1, fm2=fm2, W1=W1, b1=b1, g1=g1, be1=be1,
                W2=W2, b2=b2, g2=g2, be2=be2, bias=bias)


def reference(Xi, Xv, fm1, fm2, W1, b1, g1, be1, W2, b2, g2, be2, bias):
    # Xi: (B, FIELDS, 1) int; Xv: (B, FIELDS) float
    idx = Xi[:, :, 0]  # (B, FIELDS)

    # FM first-order: per-field 1-dim embedding lookup scaled by feature value
    # emb(Xi[:, i, :]) -> (B, 1, 1); sum over dim 1 -> (B, 1); .t()*Xv[:,i] then .t() -> (B, 1)
    emb1 = jax.vmap(lambda tbl, ids, v: tbl[ids][:, 0] * v, in_axes=(0, 1, 1))(fm1, idx, Xv)  # (FIELDS, B)
    fm_first_order = emb1.T  # (B, FIELDS)  == torch.cat of (B,1) slices

    # FM second-order: per-field EMB-dim embedding lookup scaled by feature value
    emb2 = jax.vmap(lambda tbl, ids, v: tbl[ids] * v[:, None], in_axes=(0, 1, 1))(fm2, idx, Xv)  # (FIELDS, B, EMB)
    fm_sum = emb2.sum(axis=0)                      # (B, EMB)
    fm_sum_sq = fm_sum * fm_sum
    fm_sq_sum = (emb2 * emb2).sum(axis=0)
    fm_second_order = (fm_sum_sq - fm_sq_sum) * 0.5  # (B, EMB)

    # Deep part: concat per-field second-order embeddings -> (B, FIELDS*EMB)
    deep = jnp.transpose(emb2, (1, 0, 2)).reshape(B, FIELDS * EMB)
    # linear_1 + batchNorm_1 (eval mode: running_mean=0, running_var=1) + dropout (eval = identity)
    h = deep @ W1.T + b1
    h = (h - 0.0) / jnp.sqrt(1.0 + EPS) * g1 + be1
    # linear_2 + batchNorm_2 + dropout
    h = h @ W2.T + b2
    h = (h - 0.0) / jnp.sqrt(1.0 + EPS) * g2 + be2

    total_sum = fm_first_order.sum(axis=1) + fm_second_order.sum(axis=1) + h.sum(axis=1) + bias
    return total_sum

if __name__ == "__main__":
    import jax
    _d = setup_inputs()
    print(jax.jit(kernel)(*tuple(_d.values())))

</pallas_src>

<mosaic_0001>
#map = affine_map<(d0, d1) -> (0, 0)>
#map1 = affine_map<(d0, d1) -> (0)>
module attributes {stable_mosaic.version = 14 : i64} {
  func.func @_gather_body(%arg0: i32, %arg1: i32, %arg2: memref<2600000x16xf32, #tpu.memory_space<hbm>>, %arg3: memref<2600000xf32, #tpu.memory_space<hbm>>, %arg4: memref<832x128xi32, #tpu.memory_space<hbm>>, %arg5: memref<106496x16xf32, #tpu.memory_space<hbm>>, %arg6: memref<106496xf32, #tpu.memory_space<hbm>>, %arg7: memref<26x128xi32, #tpu.memory_space<vmem>>, %arg8: memref<3328x16xf32, #tpu.memory_space<vmem>>, %arg9: memref<3328xf32, #tpu.memory_space<vmem>>, %arg10: memref<!tpu.dma_semaphore, #tpu.memory_space<semaphore_mem>>, %arg11: memref<!tpu.dma_semaphore, #tpu.memory_space<semaphore_mem>>) attributes {dimension_semantics = [#tpu.dimension_semantics<core_parallel>, #tpu.dimension_semantics<subcore_parallel>], iteration_bounds = array<i64: 2, 16>, scalar_prefetch = 0 : i64, scratch_operands = 5 : i64, tpu.core_type = #tpu.core_type<sc_vector_subcore>, window_params = [{transform_indices = #map}, {transform_indices = #map1}, {transform_indices = #map}, {transform_indices = #map}, {transform_indices = #map1}]} {
    %mul3A = arith.constant 2 : i32
    %mul3A_0 = arith.muli %arg1, %mul3A : i32
    %add3A = arith.addi %mul3A_0, %arg0 : i32
    %mul3A_1 = arith.constant 26 : i32
    %mul3A_2 = arith.muli %add3A, %mul3A_1 : i32
    "tpu.region"() ({
      %run_scoped3A = tpu.sem_alloc : memref<!tpu.dma_semaphore, #tpu.memory_space<semaphore_mem>>
      %dma_start3A_941 = arith.constant 0 : i32
      %dma_start3A_942 = tpu.memref_slice %arg4[%mul3A_2, %dma_start3A_941] : memref<832x128xi32, #tpu.memory_space<hbm>> -> memref<26x128xi32, #tpu.memory_space<hbm>>
      %dma_start3A_943 = arith.constant 0 : i32
      %dma_start3A_944 = tpu.memref_slice %arg4[%mul3A_2, %dma_start3A_943] : memref<832x128xi32, #tpu.memory_space<hbm>> -> memref<26x128xi32, #tpu.memory_space<hbm>>
      tpu.enqueue_dma source(%dma_start3A_944 : memref<26x128xi32, #tpu.memory_space<hbm>>) target(%arg7 : memref<26x128xi32, #tpu.memory_space<vmem>>) target_semaphore(%run_scoped3A : memref<!tpu.dma_semaphore, #tpu.memory_space<semaphore_mem>>)
      %dma_wait3A_945 = arith.constant 0 : i32
      %dma_wait3A_946 = tpu.memref_slice %arg4[%mul3A_2, %dma_wait3A_945] : memref<832x128xi32, #tpu.memory_space<hbm>> -> memref<26x128xi32, #tpu.memory_space<hbm>>
      %dma_wait3A_947 = arith.constant 0 : i32
      %dma_wait3A_948 = tpu.memref_slice %arg4[%mul3A_2, %dma_wait3A_947] : memref<832x128xi32, #tpu.memory_space<hbm>> -> memref<26x128xi32, #tpu.memory_space<hbm>>
      tpu.wait_dma2 semaphore(%run_scoped3A : memref<!tpu.dma_semaphore, #tpu.memory_space<semaphore_mem>>) src(%dma_wait3A_948 : memref<26x128xi32, #tpu.memory_space<hbm>>) dst(%arg7 : memref<26x128xi32, #tpu.memory_space<vmem>>)
      tpu.yield
    }) : () -> ()
    %dma_start3A = arith.constant 0 : i32
    %dma_start3A_3 = arith.constant 0 : i32
    %dma_start3A_4 = arith.constant 0 : i32
    %dma_start3A_5 = tpu.memref_slice %arg8[%dma_start3A_3, %dma_start3A_4] : memref<3328x16xf32, #tpu.memory_space<vmem>> -> memref<128x16xf32, #tpu.memory_space<vmem>>
    %dma_start3A_6 = arith.constant 0 : i32
    %dma_start3A_7 = tpu.memref_slice %arg7[%dma_start3A, %dma_start3A_6] : memref<26x128xi32, #tpu.memory_space<vmem>> -> memref<1x128xi32, #tpu.memory_space<vmem>>
    %dma_start3A_8 = tpu.memref_squeeze %dma_start3A_7 : memref<1x128xi32, #tpu.memory_space<vmem>> -> memref<128xi32, #tpu.memory_space<vmem>>
    %dma_start3A_9 = arith.constant 0 : i32
    %dma_start3A_10 = arith.constant 0 : i32
    %dma_start3A_11 = tpu.memref_slice %arg2[%dma_start3A_9, %dma_start3A_10] : memref<2600000x16xf32, #tpu.memory_space<hbm>> -> memref<2600000x16xf32, #tpu.memory_space<hbm>>
    tpu.enqueue_indirect_dma source(%dma_start3A_11 : memref<2600000x16xf32, #tpu.memory_space<hbm>>) target(%dma_start3A_5 : memref<128x16xf32, #tpu.memory_space<vmem>>) offsets(%dma_start3A_8 : memref<128xi32, #tpu.memory_space<vmem>>) semaphore(%arg10 : memref<!tpu.dma_semaphore, #tpu.memory_space<semaphore_mem>>)
    %dma_start3A_12 = arith.constant 1 : i32
    %dma_start3A_13 = arith.constant 128 : i32
    %dma_start3A_14 = arith.constant 0 : i32
    %dma_start3A_15 = tpu.memref_slice %arg8[%dma_start3A_13, %dma_start3A_14] : memref<3328x16xf32, #tpu.memory_space<vmem>> -> memref<128x16xf32, #tpu.memory_space<vmem>>
    %dma_start3A_16 = arith.constant 0 : i32
    %dma_start3A_17 = tpu.memref_slice %arg7[%dma_start3A_12, %dma_start3A_16] : memref<26x128xi32, #tpu.memory_space<vmem>> -> memref<1x128xi32, #tpu.memory_space<vmem>>
    %dma_start3A_18 = tpu.memref_squeeze %dma_start3A_17 : memref<1x128xi32, #tpu.memory_space<vmem>> -> memref<128xi32, #tpu.memory_space<vmem>>
    %dma_start3A_19 = arith.constant 0 : i32
    %dma_start3A_20 = arith.constant 0 : i32
    %dma_start3A_21 = tpu.memref_slice %arg2[%dma_start3A_19, %dma_start3A_20] : memref<2600000x16xf32, #tpu.memory_space<hbm>> -> memref<2600000x16xf32, #tpu.memory_space<hbm>>
    tpu.enqueue_indirect_dma source(%dma_start3A_21 : memref<2600000x16xf32, #tpu.memory_space<hbm>>) target(%dma_start3A_15 : memref<128x16xf32, #tpu.memory_space<vmem>>) offsets(%dma_start3A_18 : memref<128xi32, #tpu.memory_space<vmem>>) semaphore(%arg10 : memref<!tpu.dma_semaphore, #tpu.memory_space<semaphore_mem>>)
    %dma_start3A_22 = arith.constant 2 : i32
    %dma_start3A_23 = arith.constant 256 : i32
    %dma_start3A_24 = arith.constant 0 : i32
    %dma_start3A_25 = tpu.memref_slice %arg8[%dma_start3A_23, %dma_start3A_24] : memref<3328x16xf32, #tpu.memory_space<vmem>> -> memref<128x16xf32, #tpu.memory_space<vmem>>
    %dma_start3A_26 = arith.constant 0 : i32
    %dma_start3A_27 = tpu.memref_slice %arg7[%dma_start3A_22, %dma_start3A_26] : memref<26x128xi32, #tpu.memory_space<vmem>> -> memref<1x128xi32, #tpu.memory_space<vmem>>
    %dma_start3A_28 = tpu.memref_squeeze %dma_start3A_27 : memref<1x128xi32, #tpu.memory_space<vmem>> -> memref<128xi32, #tpu.memory_space<vmem>>
    %dma_start3A_29 = arith.constant 0 : i32
    %dma_start3A_30 = arith.constant 0 : i32
    %dma_start3A_31 = tpu.memref_slice %arg2[%dma_start3A_29, %dma_start3A_30] : memref<2600000x16xf32, #tpu.memory_space<hbm>> -> memref<2600000x16xf32, #tpu.memory_space<hbm>>
    tpu.enqueue_indirect_dma source(%dma_start3A_31 : memref<2600000x16xf32, #tpu.memory_space<hbm>>) target(%dma_start3A_25 : memref<128x16xf32, #tpu.memory_space<vmem>>) offsets(%dma_start3A_28 : memref<128xi32, #tpu.memory_space<vmem>>) semaphore(%arg10 : memref<!tpu.dma_semaphore, #tpu.memory_space<semaphore_mem>>)
    %dma_start3A_32 = arith.constant 3 : i32
    %dma_start3A_33 = arith.constant 384 : i32
    %dma_start3A_34 = arith.constant 0 : i32
    %dma_start3A_35 = tpu.memref_slice %arg8[%dma_start3A_33, %dma_start3A_34] : memref<3328x16xf32, #tpu.memory_space<vmem>> -> memref<128x16xf32, #tpu.memory_space<vmem>>
    %dma_start3A_36 = arith.constant 0 : i32
    %dma_start3A_37 = tpu.memref_slice %arg7[%dma_start3A_32, %dma_start3A_36] : memref<26x128xi32, #tpu.memory_space<vmem>> -> memref<1x128xi32, #tpu.memory_space<vmem>>
    %dma_start3A_38 = tpu.memref_squeeze %dma_start3A_37 : memref<1x128xi32, #tpu.memory_space<vmem>> -> memref<128xi32, #tpu.memory_space<vmem>>
    %dma_start3A_39 = arith.constant 0 : i32
    %dma_start3A_40 = arith.constant 0 : i32
    %dma_start3A_41 = tpu.memref_slice %arg2[%dma_start3A_39, %dma_start3A_40] : memref<2600000x16xf32, #tpu.memory_space<hbm>> -> memref<2600000x16xf32, #tpu.memory_space<hbm>>
    tpu.enqueue_indirect_dma source(%dma_start3A_41 : memref<2600000x16xf32, #tpu.memory_space<hbm>>) target(%dma_start3A_35 : memref<128x16xf32, #tpu.memory_space<vmem>>) offsets(%dma_start3A_38 : memref<128xi32, #tpu.memory_space<vmem>>) semaphore(%arg10 : memref<!tpu.dma_semaphore, #tpu.memory_space<semaphore_mem>>)
    %dma_start3A_42 = arith.constant 4 : i32
    %dma_start3A_43 = arith.constant 512 : i32
    %dma_start3A_44 = arith.constant 0 : i32
    %dma_start3A_45 = tpu.memref_slice %arg8[%dma_start3A_43, %dma_start3A_44] : memref<3328x16xf32, #tpu.memory_space<vmem>> -> memref<128x16xf32, #tpu.memory_space<vmem>>
    %dma_start3A_46 = arith.constant 0 : i32
    %dma_start3A_47 = tpu.memref_slice %arg7[%dma_start3A_42, %dma_start3A_46] : memref<26x128xi32, #tpu.memory_space<vmem>> -> memref<1x128xi32, #tpu.memory_space<vmem>>
    %dma_start3A_48 = tpu.memref_squeeze %dma_start3A_47 : memref<1x128xi32, #tpu.memory_space<vmem>> -> memref<128xi32, #tpu.memory_space<vmem>>
    %dma_start3A_49 = arith.constant 0 : i32
    %dma_start3A_50 = arith.constant 0 : i32
    %dma_start3A_51 = tpu.memref_slice %arg2[%dma_start3A_49, %dma_start3A_50] : memref<2600000x16xf32, #tpu.memory_space<hbm>> -> memref<2600000x16xf32, #tpu.memory_space<hbm>>
    tpu.enqueue_indirect_dma source(%dma_start3A_51 : memref<2600000x16xf32, #tpu.memory_space<hbm>>) target(%dma_start3A_45 : memref<128x16xf32, #tpu.memory_space<vmem>>) offsets(%dma_start3A_48 : memref<128xi32, #tpu.memory_space<vmem>>) semaphore(%arg10 : memref<!tpu.dma_semaphore, #tpu.memory_space<semaphore_mem>>)
    %dma_start3A_52 = arith.constant 5 : i32
    %dma_start3A_53 = arith.constant 640 : i32
    %dma_start3A_54 = arith.constant 0 : i32
    %dma_start3A_55 = tpu.memref_slice %arg8[%dma_start3A_53, %dma_start3A_54] : memref<3328x16xf32, #tpu.memory_space<vmem>> -> memref<128x16xf32, #tpu.memory_space<vmem>>
    %dma_start3A_56 = arith.constant 0 : i32
    %dma_start3A_57 = tpu.memref_slice %arg7[%dma_start3A_52, %dma_start3A_56] : memref<26x128xi32, #tpu.memory_space<vmem>> -> memref<1x128xi32, #tpu.memory_space<vmem>>
    %dma_start3A_58 = tpu.memref_squeeze %dma_start3A_57 : memref<1x128xi32, #tpu.memory_space<vmem>> -> memref<128xi32, #tpu.memory_space<vmem>>
    %dma_start3A_59 = arith.constant 0 : i32
    %dma_start3A_60 = arith.constant 0 : i32
    %dma_start3A_61 = tpu.memref_slice %arg2[%dma_start3A_59, %dma_start3A_60] : memref<2600000x16xf32, #tpu.memory_space<hbm>> -> memref<2600000x16xf32, #tpu.memory_space<hbm>>
    tpu.enqueue_indirect_dma source(%dma_start3A_61 : memref<2600000x16xf32, #tpu.memory_space<hbm>>) target(%dma_start3A_55 : memref<128x16xf32, #tpu.memory_space<vmem>>) offsets(%dma_start3A_58 : memref<128xi32, #tpu.memory_space<vmem>>) semaphore(%arg10 : memref<!tpu.dma_semaphore, #tpu.memory_space<semaphore_mem>>)
    %dma_start3A_62 = arith.constant 6 : i32
    %dma_start3A_63 = arith.constant 768 : i32
    %dma_start3A_64 = arith.constant 0 : i32
    %dma_start3A_65 = tpu.memref_slice %arg8[%dma_start3A_63, %dma_start3A_64] : memref<3328x16xf32, #tpu.memory_space<vmem>> -> memref<128x16xf32, #tpu.memory_space<vmem>>
    %dma_start3A_66 = arith.constant 0 : i32
    %dma_start3A_67 = tpu.memref_slice %arg7[%dma_start3A_62, %dma_start3A_66] : memref<26x128xi32, #tpu.memory_space<vmem>> -> memref<1x128xi32, #tpu.memory_space<vmem>>
    %dma_start3A_68 = tpu.memref_squeeze %dma_start3A_67 : memref<1x128xi32, #tpu.memory_space<vmem>> -> memref<128xi32, #tpu.memory_space<vmem>>
    %dma_start3A_69 = arith.constant 0 : i32
    %dma_start3A_70 = arith.constant 0 : i32
    %dma_start3A_71 = tpu.memref_slice %arg2[%dma_start3A_69, %dma_start3A_70] : memref<2600000x16xf32, #tpu.memory_space<hbm>> -> memref<2600000x16xf32, #tpu.memory_space<hbm>>
    tpu.enqueue_indirect_dma source(%dma_start3A_71 : memref<2600000x16xf32, #tpu.memory_space<hbm>>) target(%dma_start3A_65 : memref<128x16xf32, #tpu.memory_space<vmem>>) offsets(%dma_start3A_68 : memref<128xi32, #tpu.memory_space<vmem>>) semaphore(%arg10 : memref<!tpu.dma_semaphore, #tpu.memory_space<semaphore_mem>>)
    %dma_start3A_72 = arith.constant 7 : i32
    %dma_start3A_73 = arith.constant 896 : i32
    %dma_start3A_74 = arith.constant 0 : i32
    %dma_start3A_75 = tpu.memref_slice %arg8[%dma_start3A_73, %dma_start3A_74] : memref<3328x16xf32, #tpu.memory_space<vmem>> -> memref<128x16xf32, #tpu.memory_space<vmem>>
    %dma_start3A_76 = arith.constant 0 : i32
    %dma_start3A_77 = tpu.memref_slice %arg7[%dma_start3A_72, %dma_start3A_76] : memref<26x128xi32, #tpu.memory_space<vmem>> -> memref<1x128xi32, #tpu.memory_space<vmem>>
    %dma_start3A_78 = tpu.memref_squeeze %dma_start3A_77 : memref<1x128xi32, #tpu.memory_space<vmem>> -> memref<128xi32, #tpu.memory_space<vmem>>
    %dma_start3A_79 = arith.constant 0 : i32
    %dma_start3A_80 = arith.constant 0 : i32
    %dma_start3A_81 = tpu.memref_slice %arg2[%dma_start3A_79, %dma_start3A_80] : memref<2600000x16xf32, #tpu.memory_space<hbm>> -> memref<2600000x16xf32, #tpu.memory_space<hbm>>
    tpu.enqueue_indirect_dma source(%dma_start3A_81 : memref<2600000x16xf32, #tpu.memory_space<hbm>>) target(%dma_start3A_75 : memref<128x16xf32, #tpu.memory_space<vmem>>) offsets(%dma_start3A_78 : memref<128xi32, #tpu.memory_space<vmem>>) semaphore(%arg10 : memref<!tpu.dma_semaphore, #tpu.memory_space<semaphore_mem>>)
    %dma_start3A_82 = arith.constant 8 : i32
    %dma_start3A_83 = arith.constant 1024 : i32
    %dma_start3A_84 = arith.constant 0 : i32
    %dma_start3A_85 = tpu.memref_slice %arg8[%dma_start3A_83, %dma_start3A_84] : memref<3328x16xf32, #tpu.memory_space<vmem>> -> memref<128x16xf32, #tpu.memory_space<vmem>>
    %dma_start3A_86 = arith.constant 0 : i32
    %dma_start3A_87 = tpu.memref_slice %arg7[%dma_start3A_82, %dma_start3A_86] : memref<26x128xi32, #tpu.memory_space<vmem>> -> memref<1x128xi32, #tpu.memory_space<vmem>>
    %dma_start3A_88 = tpu.memref_squeeze %dma_start3A_87 : memref<1x128xi32, #tpu.memory_space<vmem>> -> memref<128xi32, #tpu.memory_space<vmem>>
    %dma_start3A_89 = arith.constant 0 : i32
    %dma_start3A_90 = arith.constant 0 : i32
    %dma_start3A_91 = tpu.memref_slice %arg2[%dma_start3A_89, %dma_start3A_90] : memref<2600000x16xf32, #tpu.memory_space<hbm>> -> memref<2600000x16xf32, #tpu.memory_space<hbm>>
    tpu.enqueue_indirect_dma source(%dma_start3A_91 : memref<2600000x16xf32, #tpu.memory_space<hbm>>) target(%dma_start3A_85 : memref<128x16xf32, #tpu.memory_space<vmem>>) offsets(%dma_start3A_88 : memref<128xi32, #tpu.memory_space<vmem>>) semaphore(%arg10 : memref<!tpu.dma_semaphore, #tpu.memory_space<semaphore_mem>>)
    %dma_start3A_92 = arith.constant 9 : i32
    %dma_start3A_93 = arith.constant 1152 : i32
    %dma_start3A_94 = arith.constant 0 : i32
    %dma_start3A_95 = tpu.memref_slice %arg8[%dma_start3A_93, %dma_start3A_94] : memref<3328x16xf32, #tpu.memory_space<vmem>> -> memref<128x16xf32, #tpu.memory_space<vmem>>
    %dma_start3A_96 = arith.constant 0 : i32
    %dma_start3A_97 = tpu.memref_slice %arg7[%dma_start3A_92, %dma_start3A_96] : memref<26x128xi32, #tpu.memory_space<vmem>> -> memref<1x128xi32, #tpu.memory_space<vmem>>
    %dma_start3A_98 = tpu.memref_squeeze %dma_start3A_97 : memref<1x128xi32, #tpu.memory_space<vmem>> -> memref<128xi32, #tpu.memory_space<vmem>>
    %dma_start3A_99 = arith.constant 0 : i32
    %dma_start3A_100 = arith.constant 0 : i32
    %dma_start3A_101 = tpu.memref_slice %arg2[%dma_start3A_99, %dma_start3A_100] : memref<2600000x16xf32, #tpu.memory_space<hbm>> -> memref<2600000x16xf32, #tpu.memory_space<hbm>>
    tpu.enqueue_indirect_dma source(%dma_start3A_101 : memref<2600000x16xf32, #tpu.memory_space<hbm>>) target(%dma_start3A_95 : memref<128x16xf32, #tpu.memory_space<vmem>>) offsets(%dma_start3A_98 : memref<128xi32, #tpu.memory_space<vmem>>) semaphore(%arg10 : memref<!tpu.dma_semaphore, #tpu.memory_space<semaphore_mem>>)
    %dma_start3A_102 = arith.constant 10 : i32
    %dma_start3A_103 = arith.constant 1280 : i32
    %dma_start3A_104 = arith.constant 0 : i32
    %dma_start3A_105 = tpu.memref_slice %arg8[%dma_start3A_103, %dma_start3A_104] : memref<3328x16xf32, #tpu.memory_space<vmem>> -> memref<128x16xf32, #tpu.memory_space<vmem>>
    %dma_start3A_106 = arith.constant 0 : i32
    %dma_start3A_107 = tpu.memref_slice %arg7[%dma_start3A_102, %dma_start3A_106] : memref<26x128xi32, #tpu.memory_space<vmem>> -> memref<1x128xi32, #tpu.memory_space<vmem>>
    %dma_start3A_108 = tpu.memref_squeeze %dma_start3A_107 : memref<1x128xi32, #tpu.memory_space<vmem>> -> memref<128xi32, #tpu.memory_space<vmem>>
    %dma_start3A_109 = arith.constant 0 : i32
    %dma_start3A_110 = arith.constant 0 : i32
    %dma_start3A_111 = tpu.memref_slice %arg2[%dma_start3A_109, %dma_start3A_110] : memref<2600000x16xf32, #tpu.memory_space<hbm>> -> memref<2600000x16xf32, #tpu.memory_space<hbm>>
    tpu.enqueue_indirect_dma source(%dma_start3A_111 : memref<2600000x16xf32, #tpu.memory_space<hbm>>) target(%dma_start3A_105 : memref<128x16xf32, #tpu.memory_space<vmem>>) offsets(%dma_start3A_108 : memref<128xi32, #tpu.memory_space<vmem>>) semaphore(%arg10 : memref<!tpu.dma_semaphore, #tpu.memory_space<semaphore_mem>>)
    %dma_start3A_112 = arith.constant 11 : i32
    %dma_start3A_113 = arith.constant 1408 : i32
    %dma_start3A_114 = arith.constant 0 : i32
    %dma_start3A_115 = tpu.memref_slice %arg8[%dma_start3A_113, %dma_start3A_114] : memref<3328x16xf32, #tpu.memory_space<vmem>> -> memref<128x16xf32, #tpu.memory_space<vmem>>
    %dma_start3A_116 = arith.constant 0 : i32
    %dma_start3A_117 = tpu.memref_slice %arg7[%dma_start3A_112, %dma_start3A_116] : memref<26x128xi32, #tpu.memory_space<vmem>> -> memref<1x128xi32, #tpu.memory_space<vmem>>
    %dma_start3A_118 = tpu.memref_squeeze %dma_start3A_117 : memref<1x128xi32, #tpu.memory_space<vmem>> -> memref<128xi32, #tpu.memory_space<vmem>>
    %dma_start3A_119 = arith.constant 0 : i32
    %dma_start3A_120 = arith.constant 0 : i32
    %dma_start3A_121 = tpu.memref_slice %arg2[%dma_start3A_119, %dma_start3A_120] : memref<2600000x16xf32, #tpu.memory_space<hbm>> -> memref<2600000x16xf32, #tpu.memory_space<hbm>>
    tpu.enqueue_indirect_dma source(%dma_start3A_121 : memref<2600000x16xf32, #tpu.memory_space<hbm>>) target(%dma_start3A_115 : memref<128x16xf32, #tpu.memory_space<vmem>>) offsets(%dma_start3A_118 : memref<128xi32, #tpu.memory_space<vmem>>) semaphore(%arg10 : memref<!tpu.dma_semaphore, #tpu.memory_space<semaphore_mem>>)
    %dma_start3A_122 = arith.constant 12 : i32
    %dma_start3A_123 = arith.constant 1536 : i32
    %dma_start3A_124 = arith.constant 0 : i32
    %dma_start3A_125 = tpu.memref_slice %arg8[%dma_start3A_123, %dma_start3A_124] : memref<3328x16xf32, #tpu.memory_space<vmem>> -> memref<128x16xf32, #tpu.memory_space<vmem>>
    %dma_start3A_126 = arith.constant 0 : i32
    %dma_start3A_127 = tpu.memref_slice %arg7[%dma_start3A_122, %dma_start3A_126] : memref<26x128xi32, #tpu.memory_space<vmem>> -> memref<1x128xi32, #tpu.memory_space<vmem>>
    %dma_start3A_128 = tpu.memref_squeeze %dma_start3A_127 : memref<1x128xi32, #tpu.memory_space<vmem>> -> memref<128xi32, #tpu.memory_space<vmem>>
    %dma_start3A_129 = arith.constant 0 : i32
    %dma_start3A_130 = arith.constant 0 : i32
    %dma_start3A_131 = tpu.memref_slice %arg2[%dma_start3A_129, %dma_start3A_130] : memref<2600000x16xf32, #tpu.memory_space<hbm>> -> memref<2600000x16xf32, #tpu.memory_space<hbm>>
    tpu.enqueue_indirect_dma source(%dma_start3A_131 : memref<2600000x16xf32, #tpu.memory_space<hbm>>) target(%dma_start3A_125 : memref<128x16xf32, #tpu.memory_space<vmem>>) offsets(%dma_start3A_128 : memref<128xi32, #tpu.memory_space<vmem>>) semaphore(%arg10 : memref<!tpu.dma_semaphore, #tpu.memory_space<semaphore_mem>>)
    %dma_start3A_132 = arith.constant 13 : i32
    %dma_start3A_133 = arith.constant 1664 : i32
    %dma_start3A_134 = arith.constant 0 : i32
    %dma_start3A_135 = tpu.memref_slice %arg8[%dma_start3A_133, %dma_start3A_134] : memref<3328x16xf32, #tpu.memory_space<vmem>> -> memref<128x16xf32, #tpu.memory_space<vmem>>
    %dma_start3A_136 = arith.constant 0 : i32
    %dma_start3A_137 = tpu.memref_slice %arg7[%dma_start3A_132, %dma_start3A_136] : memref<26x128xi32, #tpu.memory_space<vmem>> -> memref<1x128xi32, #tpu.memory_space<vmem>>
    %dma_start3A_138 = tpu.memref_squeeze %dma_start3A_137 : memref<1x128xi32, #tpu.memory_space<vmem>> -> memref<128xi32, #tpu.memory_space<vmem>>
    %dma_start3A_139 = arith.constant 0 : i32
    %dma_start3A_140 = arith.constant 0 : i32
    %dma_start3A_141 = tpu.memref_slice %arg2[%dma_start3A_139, %dma_start3A_140] : memref<2600000x16xf32, #tpu.memory_space<hbm>> -> memref<2600000x16xf32, #tpu.memory_space<hbm>>
    tpu.enqueue_indirect_dma source(%dma_start3A_141 : memref<2600000x16xf32, #tpu.memory_space<hbm>>) target(%dma_start3A_135 : memref<128x16xf32, #tpu.memory_space<vmem>>) offsets(%dma_start3A_138 : memref<128xi32, #tpu.memory_space<vmem>>) semaphore(%arg10 : memref<!tpu.dma_semaphore, #tpu.memory_space<semaphore_mem>>)
    %dma_start3A_142 = arith.constant 14 : i32
    %dma_start3A_143 = arith.constant 1792 : i32
    %dma_start3A_144 = arith.constant 0 : i32
    %dma_start3A_145 = tpu.memref_slice %arg8[%dma_start3A_143, %dma_start3A_144] : memref<3328x16xf32, #tpu.memory_space<vmem>> -> memref<128x16xf32, #tpu.memory_space<vmem>>
    %dma_start3A_146 = arith.constant 0 : i32
    %dma_start3A_147 = tpu.memref_slice %arg7[%dma_start3A_142, %dma_start3A_146] : memref<26x128xi32, #tpu.memory_space<vmem>> -> memref<1x128xi32, #tpu.memory_space<vmem>>
    %dma_start3A_148 = tpu.memref_squeeze %dma_start3A_147 : memref<1x128xi32, #tpu.memory_space<vmem>> -> memref<128xi32, #tpu.memory_space<vmem>>
    %dma_start3A_149 = arith.constant 0 : i32
    %dma_start3A_150 = arith.constant 0 : i32
    %dma_start3A_151 = tpu.memref_slice %arg2[%dma_start3A_149, %dma_start3A_150] : memref<2600000x16xf32, #tpu.memory_space<hbm>> -> memref<2600000x16xf32, #tpu.memory_space<hbm>>
    tpu.enqueue_indirect_dma source(%dma_start3A_151 : memref<2600000x16xf32, #tpu.memory_space<hbm>>) target(%dma_start3A_145 : memref<128x16xf32, #tpu.memory_space<vmem>>) offsets(%dma_start3A_148 : memref<128xi32, #tpu.memory_space<vmem>>) semaphore(%arg10 : memref<!tpu.dma_semaphore, #tpu.memory_space<semaphore_mem>>)
    %dma_start3A_152 = arith.constant 15 : i32
    %dma_start3A_153 = arith.constant 1920 : i32
    %dma_start3A_154 = arith.constant 0 : i32
    %dma_start3A_155 = tpu.memref_slice %arg8[%dma_start3A_153, %dma_start3A_154] : memref<3328x16xf32, #tpu.memory_space<vmem>> -> memref<128x16xf32, #tpu.memory_space<vmem>>
    %dma_start3A_156 = arith.constant 0 : i32
    %dma_start3A_157 = tpu.memref_slice %arg7[%dma_start3A_152, %dma_start3A_156] : memref<26x128xi32, #tpu.memory_space<vmem>> -> memref<1x128xi32, #tpu.memory_space<vmem>>
    %dma_start3A_158 = tpu.memref_squeeze %dma_start3A_157 : memref<1x128xi32, #tpu.memory_space<vmem>> -> memref<128xi32, #tpu.memory_space<vmem>>
    %dma_start3A_159 = arith.constant 0 : i32
    %dma_start3A_160 = arith.constant 0 : i32
    %dma_start3A_161 = tpu.memref_slice %arg2[%dma_start3A_159, %dma_start3A_160] : memref<2600000x16xf32, #tpu.memory_space<hbm>> -> memref<2600000x16xf32, #tpu.memory_space<hbm>>
    tpu.enqueue_indirect_dma source(%dma_start3A_161 : memref<2600000x16xf32, #tpu.memory_space<hbm>>) target(%dma_start3A_155 : memref<128x16xf32, #tpu.memory_space<vmem>>) offsets(%dma_start3A_158 : memref<128xi32, #tpu.memory_space<vmem>>) semaphore(%arg10 : memref<!tpu.dma_semaphore, #tpu.memory_space<semaphore_mem>>)
    %dma_start3A_162 = arith.constant 16 : i32
    %dma_start3A_163 = arith.constant 2048 : i32
    %dma_start3A_164 = arith.constant 0 : i32
    %dma_start3A_165 = tpu.memref_slice %arg8[%dma_start3A_163, %dma_start3A_164] : memref<3328x16xf32, #tpu.memory_space<vmem>> -> memref<128x16xf32, #tpu.memory_space<vmem>>
    %dma_start3A_166 = arith.constant 0 : i32
    %dma_start3A_167 = tpu.memref_slice %arg7[%dma_start3A_162, %dma_start3A_166] : memref<26x128xi32, #tpu.memory_space<vmem>> -> memref<1x128xi32, #tpu.memory_space<vmem>>
    %dma_start3A_168 = tpu.memref_squeeze %dma_start3A_167 : memref<1x128xi32, #tpu.memory_space<vmem>> -> memref<128xi32, #tpu.memory_space<vmem>>
    %dma_start3A_169 = arith.constant 0 : i32
    %dma_start3A_170 = arith.constant 0 : i32
    %dma_start3A_171 = tpu.memref_slice %arg2[%dma_start3A_169, %dma_start3A_170] : memref<2600000x16xf32, #tpu.memory_space<hbm>> -> memref<2600000x16xf32, #tpu.memory_space<hbm>>
    tpu.enqueue_indirect_dma source(%dma_start3A_171 : memref<2600000x16xf32, #tpu.memory_space<hbm>>) target(%dma_start3A_165 : memref<128x16xf32, #tpu.memory_space<vmem>>) offsets(%dma_start3A_168 : memref<128xi32, #tpu.memory_space<vmem>>) semaphore(%arg10 : memref<!tpu.dma_semaphore, #tpu.memory_space<semaphore_mem>>)
    %dma_start3A_172 = arith.constant 17 : i32
    %dma_start3A_173 = arith.constant 2176 : i32
    %dma_start3A_174 = arith.constant 0 : i32
    %dma_start3A_175 = tpu.memref_slice %arg8[%dma_start3A_173, %dma_start3A_174] : memref<3328x16xf32, #tpu.memory_space<vmem>> -> memref<128x16xf32, #tpu.memory_space<vmem>>
    %dma_start3A_176 = arith.constant 0 : i32
    %dma_start3A_177 = tpu.memref_slice %arg7[%dma_start3A_172, %dma_start3A_176] : memref<26x128xi32, #tpu.memory_space<vmem>> -> memref<1x128xi32, #tpu.memory_space<vmem>>
    %dma_start3A_178 = tpu.memref_squeeze %dma_start3A_177 : memref<1x128xi32, #tpu.memory_space<vmem>> -> memref<128xi32, #tpu.memory_space<vmem>>
    %dma_start3A_179 = arith.constant 0 : i32
    %dma_start3A_180 = arith.constant 0 : i32
    %dma_start3A_181 = tpu.memref_slice %arg2[%dma_start3A_179, %dma_start3A_180] : memref<2600000x16xf32, #tpu.memory_space<hbm>> -> memref<2600000x16xf32, #tpu.memory_space<hbm>>
    tpu.enqueue_indirect_dma source(%dma_start3A_181 : memref<2600000x16xf32, #tpu.memory_space<hbm>>) target(%dma_start3A_175 : memref<128x16xf32, #tpu.memory_space<vmem>>) offsets(%dma_start3A_178 : memref<128xi32, #tpu.memory_space<vmem>>) semaphore(%arg10 : memref<!tpu.dma_semaphore, #tpu.memory_space<semaphore_mem>>)
    %dma_start3A_182 = arith.constant 18 : i32
    %dma_start3A_183 = arith.constant 2304 : i32
    %dma_start3A_184 = arith.constant 0 : i32
    %dma_start3A_185 = tpu.memref_slice %arg8[%dma_start3A_183, %dma_start3A_184] : memref<3328x16xf32, #tpu.memory_space<vmem>> -> memref<128x16xf32, #tpu.memory_space<vmem>>
    %dma_start3A_186 = arith.constant 0 : i32
    %dma_start3A_187 = tpu.memref_slice %arg7[%dma_start3A_182, %dma_start3A_186] : memref<26x128xi32, #tpu.memory_space<vmem>> -> memref<1x128xi32, #tpu.memory_space<vmem>>
    %dma_start3A_188 = tpu.memref_squeeze %dma_start3A_187 : memref<1x128xi32, #tpu.memory_space<vmem>> -> memref<128xi32, #tpu.memory_space<vmem>>
    %dma_start3A_189 = arith.constant 0 : i32
    %dma_start3A_190 = arith.constant 0 : i32
    %dma_start3A_191 = tpu.memref_slice %arg2[%dma_start3A_189, %dma_start3A_190] : memref<2600000x16xf32, #tpu.memory_space<hbm>> -> memref<2600000x16xf32, #tpu.memory_space<hbm>>
    tpu.enqueue_indirect_dma source(%dma_start3A_191 : memref<2600000x16xf32, #tpu.memory_space<hbm>>) target(%dma_start3A_185 : memref<128x16xf32, #tpu.memory_space<vmem>>) offsets(%dma_start3A_188 : memref<128xi32, #tpu.memory_space<vmem>>) semaphore(%arg10 : memref<!tpu.dma_semaphore, #tpu.memory_space<semaphore_mem>>)
    %dma_start3A_192 = arith.constant 19 : i32
    %dma_start3A_193 = arith.constant 2432 : i32
    %dma_start3A_194 = arith.constant 0 : i32
    %dma_start3A_195 = tpu.memref_slice %arg8[%dma_start3A_193, %dma_start3A_194] : memref<3328x16xf32, #tpu.memory_space<vmem>> -> memref<128x16xf32, #tpu.memory_space<vmem>>
    %dma_start3A_196 = arith.constant 0 : i32
    %dma_start3A_197 = tpu.memref_slice %arg7[%dma_start3A_192, %dma_start3A_196] : memref<26x128xi32, #tpu.memory_space<vmem>> -> memref<1x128xi32, #tpu.memory_space<vmem>>
    %dma_start3A_198 = tpu.memref_squeeze %dma_start3A_197 : memref<1x128xi32, #tpu.memory_space<vmem>> -> memref<128xi32, #tpu.memory_space<vmem>>
    %dma_start3A_199 = arith.constant 0 : i32
    %dma_start3A_200 = arith.constant 0 : i32
    %dma_start3A_201 = tpu.memref_slice %arg2[%dma_start3A_199, %dma_start3A_200] : memref<2600000x16xf32, #tpu.memory_space<hbm>> -> memref<2600000x16xf32, #tpu.memory_space<hbm>>
    tpu.enqueue_indirect_dma source(%dma_start3A_201 : memref<2600000x16xf32, #tpu.memory_space<hbm>>) target(%dma_start3A_195 : memref<128x16xf32, #tpu.memory_space<vmem>>) offsets(%dma_start3A_198 : memref<128xi32, #tpu.memory_space<vmem>>) semaphore(%arg10 : memref<!tpu.dma_semaphore, #tpu.memory_space<semaphore_mem>>)
    %dma_start3A_202 = arith.constant 20 : i32
    %dma_start3A_203 = arith.constant 2560 : i32
    %dma_start3A_204 = arith.constant 0 : i32
    %dma_start3A_205 = tpu.memref_slice %arg8[%dma_start3A_203, %dma_start3A_204] : memref<3328x16xf32, #tpu.memory_space<vmem>> -> memref<128x16xf32, #tpu.memory_space<vmem>>
    %dma_start3A_206 = arith.constant 0 : i32
    %dma_start3A_207 = tpu.memref_slice %arg7[%dma_start3A_202, %dma_start3A_206] : memref<26x128xi32, #tpu.memory_space<vmem>> -> memref<1x128xi32, #tpu.memory_space<vmem>>
    %dma_start3A_208 = tpu.memref_squeeze %dma_start3A_207 : memref<1x128xi32, #tpu.memory_space<vmem>> -> memref<128xi32, #tpu.memory_space<vmem>>
    %dma_start3A_209 = arith.constant 0 : i32
    %dma_start3A_210 = arith.constant 0 : i32
    %dma_start3A_211 = tpu.memref_slice %arg2[%dma_start3A_209, %dma_start3A_210] : memref<2600000x16xf32, #tpu.memory_space<hbm>> -> memref<2600000x16xf32, #tpu.memory_space<hbm>>
    tpu.enqueue_indirect_dma source(%dma_start3A_211 : memref<2600000x16xf32, #tpu.memory_space<hbm>>) target(%dma_start3A_205 : memref<128x16xf32, #tpu.memory_space<vmem>>) offsets(%dma_start3A_208 : memref<128xi32, #tpu.memory_space<vmem>>) semaphore(%arg10 : memref<!tpu.dma_semaphore, #tpu.memory_space<semaphore_mem>>)
    %dma_start3A_212 = arith.constant 21 : i32
    %dma_start3A_213 = arith.constant 2688 : i32
    %dma_start3A_214 = arith.constant 0 : i32
    %dma_start3A_215 = tpu.memref_slice %arg8[%dma_start3A_213, %dma_start3A_214] : memref<3328x16xf32, #tpu.memory_space<vmem>> -> memref<128x16xf32, #tpu.memory_space<vmem>>
    %dma_start3A_216 = arith.constant 0 : i32
    %dma_start3A_217 = tpu.memref_slice %arg7[%dma_start3A_212, %dma_start3A_216] : memref<26x128xi32, #tpu.memory_space<vmem>> -> memref<1x128xi32, #tpu.memory_space<vmem>>
    %dma_start3A_218 = tpu.memref_squeeze %dma_start3A_217 : memref<1x128xi32, #tpu.memory_space<vmem>> -> memref<128xi32, #tpu.memory_space<vmem>>
    %dma_start3A_219 = arith.constant 0 : i32
    %dma_start3A_220 = arith.constant 0 : i32
    %dma_start3A_221 = tpu.memref_slice %arg2[%dma_start3A_219, %dma_start3A_220] : memref<2600000x16xf32, #tpu.memory_space<hbm>> -> memref<2600000x16xf32, #tpu.memory_space<hbm>>
    tpu.enqueue_indirect_dma source(%dma_start3A_221 : memref<2600000x16xf32, #tpu.memory_space<hbm>>) target(%dma_start3A_215 : memref<128x16xf32, #tpu.memory_space<vmem>>) offsets(%dma_start3A_218 : memref<128xi32, #tpu.memory_space<vmem>>) semaphore(%arg10 : memref<!tpu.dma_semaphore, #tpu.memory_space<semaphore_mem>>)
    %dma_start3A_222 = arith.constant 22 : i32
    %dma_start3A_223 = arith.constant 2816 : i32
    %dma_start3A_224 = arith.constant 0 : i32
    %dma_start3A_225 = tpu.memref_slice %arg8[%dma_start3A_223, %dma_start3A_224] : memref<3328x16xf32, #tpu.memory_space<vmem>> -> memref<128x16xf32, #tpu.memory_space<vmem>>
    %dma_start3A_226 = arith.constant 0 : i32
    %dma_start3A_227 = tpu.memref_slice %arg7[%dma_start3A_222, %dma_start3A_226] : memref<26x128xi32, #tpu.memory_space<vmem>> -> memref<1x128xi32, #tpu.memory_space<vmem>>
    %dma_start3A_228 = tpu.memref_squeeze %dma_start3A_227 : memref<1x128xi32, #tpu.memory_space<vmem>> -> memref<128xi32, #tpu.memory_space<vmem>>
    %dma_start3A_229 = arith.constant 0 : i32
    %dma_start3A_230 = arith.constant 0 : i32
    %dma_start3A_231 = tpu.memref_slice %arg2[%dma_start3A_229, %dma_start3A_230] : memref<2600000x16xf32, #tpu.memory_space<hbm>> -> memref<2600000x16xf32, #tpu.memory_space<hbm>>
    tpu.enqueue_indirect_dma source(%dma_start3A_231 : memref<2600000x16xf32, #tpu.memory_space<hbm>>) target(%dma_start3A_225 : memref<128x16xf32, #tpu.memory_space<vmem>>) offsets(%dma_start3A_228 : memref<128xi32, #tpu.memory_space<vmem>>) semaphore(%arg10 : memref<!tpu.dma_semaphore, #tpu.memory_space<semaphore_mem>>)
    %dma_start3A_232 = arith.constant 23 : i32
    %dma_start3A_233 = arith.constant 2944 : i32
    %dma_start3A_234 = arith.constant 0 : i32
    %dma_start3A_235 = tpu.memref_slice %arg8[%dma_start3A_233, %dma_start3A_234] : memref<3328x16xf32, #tpu.memory_space<vmem>> -> memref<128x16xf32, #tpu.memory_space<vmem>>
    %dma_start3A_236 = arith.constant 0 : i32
    %dma_start3A_237 = tpu.memref_slice %arg7[%dma_start3A_232, %dma_start3A_236] : memref<26x128xi32, #tpu.memory_space<vmem>> -> memref<1x128xi32, #tpu.memory_space<vmem>>
    %dma_start3A_238 = tpu.memref_squeeze %dma_start3A_237 : memref<1x128xi32, #tpu.memory_space<vmem>> -> memref<128xi32, #tpu.memory_space<vmem>>
    %dma_start3A_239 = arith.constant 0 : i32
    %dma_start3A_240 = arith.constant 0 : i32
    %dma_start3A_241 = tpu.memref_slice %arg2[%dma_start3A_239, %dma_start3A_240] : memref<2600000x16xf32, #tpu.memory_space<hbm>> -> memref<2600000x16xf32, #tpu.memory_space<hbm>>
    tpu.enqueue_indirect_dma source(%dma_start3A_241 : memref<2600000x16xf32, #tpu.memory_space<hbm>>) target(%dma_start3A_235 : memref<128x16xf32, #tpu.memory_space<vmem>>) offsets(%dma_start3A_238 : memref<128xi32, #tpu.memory_space<vmem>>) semaphore(%arg10 : memref<!tpu.dma_semaphore, #tpu.memory_space<semaphore_mem>>)
    %dma_start3A_242 = arith.constant 24 : i32
    %dma_start3A_243 = arith.constant 3072 : i32
    %dma_start3A_244 = arith.constant 0 : i32
    %dma_start3A_245 = tpu.memref_slice %arg8[%dma_start3A_243, %dma_start3A_244] : memref<3328x16xf32, #tpu.memory_space<vmem>> -> memref<128x16xf32, #tpu.memory_space<vmem>>
    %dma_start3A_246 = arith.constant 0 : i32
    %dma_start3A_247 = tpu.memref_slice %arg7[%dma_start3A_242, %dma_start3A_246] : memref<26x128xi32, #tpu.memory_space<vmem>> -> memref<1x128xi32, #tpu.memory_space<vmem>>
    %dma_start3A_248 = tpu.memref_squeeze %dma_start3A_247 : memref<1x128xi32, #tpu.memory_space<vmem>> -> memref<128xi32, #tpu.memory_space<vmem>>
    %dma_start3A_249 = arith.constant 0 : i32
    %dma_start3A_250 = arith.constant 0 : i32
    %dma_start3A_251 = tpu.memref_slice %arg2[%dma_start3A_249, %dma_start3A_250] : memref<2600000x16xf32, #tpu.memory_space<hbm>> -> memref<2600000x16xf32, #tpu.memory_space<hbm>>
    tpu.enqueue_indirect_dma source(%dma_start3A_251 : memref<2600000x16xf32, #tpu.memory_space<hbm>>) target(%dma_start3A_245 : memref<128x16xf32, #tpu.memory_space<vmem>>) offsets(%dma_start3A_248 : memref<128xi32, #tpu.memory_space<vmem>>) semaphore(%arg10 : memref<!tpu.dma_semaphore, #tpu.memory_space<semaphore_mem>>)
    %dma_start3A_252 = arith.constant 25 : i32
    %dma_start3A_253 = arith.constant 3200 : i32
    %dma_start3A_254 = arith.constant 0 : i32
    %dma_start3A_255 = tpu.memref_slice %arg8[%dma_start3A_253, %dma_start3A_254] : memref<3328x16xf32, #tpu.memory_space<vmem>> -> memref<128x16xf32, #tpu.memory_space<vmem>>
    %dma_start3A_256 = arith.constant 0 : i32
    %dma_start3A_257 = tpu.memref_slice %arg7[%dma_start3A_252, %dma_start3A_256] : memref<26x128xi32, #tpu.memory_space<vmem>> -> memref<1x128xi32, #tpu.memory_space<vmem>>
    %dma_start3A_258 = tpu.memref_squeeze %dma_start3A_257 : memref<1x128xi32, #tpu.memory_space<vmem>> -> memref<128xi32, #tpu.memory_space<vmem>>
    %dma_start3A_259 = arith.constant 0 : i32
    %dma_start3A_260 = arith.constant 0 : i32
    %dma_start3A_261 = tpu.memref_slice %arg2[%dma_start3A_259, %dma_start3A_260] : memref<2600000x16xf32, #tpu.memory_space<hbm>> -> memref<2600000x16xf32, #tpu.memory_space<hbm>>
    tpu.enqueue_indirect_dma source(%dma_start3A_261 : memref<2600000x16xf32, #tpu.memory_space<hbm>>) target(%dma_start3A_255 : memref<128x16xf32, #tpu.memory_space<vmem>>) offsets(%dma_start3A_258 : memref<128xi32, #tpu.memory_space<vmem>>) semaphore(%arg10 : memref<!tpu.dma_semaphore, #tpu.memory_space<semaphore_mem>>)
    %dma_start3A_262 = arith.constant 0 : i32
    %dma_start3A_263 = arith.constant 0 : i32
    %dma_start3A_264 = tpu.memref_slice %arg9[%dma_start3A_263] : memref<3328xf32, #tpu.memory_space<vmem>> -> memref<128xf32, #tpu.memory_space<vmem>>
    %dma_start3A_265 = arith.constant 0 : i32
    %dma_start3A_266 = tpu.memref_slice %arg7[%dma_start3A_262, %dma_start3A_265] : memref<26x128xi32, #tpu.memory_space<vmem>> -> memref<1x128xi32, #tpu.memory_space<vmem>>
    %dma_start3A_267 = tpu.memref_squeeze %dma_start3A_266 : memref<1x128xi32, #tpu.memory_space<vmem>> -> memref<128xi32, #tpu.memory_space<vmem>>
    %dma_start3A_268 = arith.constant 0 : i32
    %dma_start3A_269 = tpu.memref_slice %arg3[%dma_start3A_268] : memref<2600000xf32, #tpu.memory_space<hbm>> -> memref<2600000xf32, #tpu.memory_space<hbm>>
    tpu.enqueue_indirect_dma source(%dma_start3A_269 : memref<2600000xf32, #tpu.memory_space<hbm>>) target(%dma_start3A_264 : memref<128xf32, #tpu.memory_space<vmem>>) offsets(%dma_start3A_267 : memref<128xi32, #tpu.memory_space<vmem>>) semaphore(%arg11 : memref<!tpu.dma_semaphore, #tpu.memory_space<semaphore_mem>>)
    %dma_start3A_270 = arith.constant 1 : i32
    %dma_start3A_271 = arith.constant 128 : i32
    %dma_start3A_272 = tpu.memref_slice %arg9[%dma_start3A_271] : memref<3328xf32, #tpu.memory_space<vmem>> -> memref<128xf32, #tpu.memory_space<vmem>>
    %dma_start3A_273 = arith.constant 0 : i32
    %dma_start3A_274 = tpu.memref_slice %arg7[%dma_start3A_270, %dma_start3A_273] : memref<26x128xi32, #tpu.memory_space<vmem>> -> memref<1x128xi32, #tpu.memory_space<vmem>>
    %dma_start3A_275 = tpu.memref_squeeze %dma_start3A_274 : memref<1x128xi32, #tpu.memory_space<vmem>> -> memref<128xi32, #tpu.memory_space<vmem>>
    %dma_start3A_276 = arith.constant 0 : i32
    %dma_start3A_277 = tpu.memref_slice %arg3[%dma_start3A_276] : memref<2600000xf32, #tpu.memory_space<hbm>> -> memref<2600000xf32, #tpu.memory_space<hbm>>
    tpu.enqueue_indirect_dma source(%dma_start3A_277 : memref<2600000xf32, #tpu.memory_space<hbm>>) target(%dma_start3A_272 : memref<128xf32, #tpu.memory_space<vmem>>) offsets(%dma_start3A_275 : memref<128xi32, #tpu.memory_space<vmem>>) semaphore(%arg11 : memref<!tpu.dma_semaphore, #tpu.memory_space<semaphore_mem>>)
    %dma_start3A_278 = arith.constant 2 : i32
    %dma_start3A_279 = arith.constant 256 : i32
    %dma_start3A_280 = tpu.memref_slice %arg9[%dma_start3A_279] : memref<3328xf32, #tpu.memory_space<vmem>> -> memref<128xf32, #tpu.memory_space<vmem>>
    %dma_start3A_281 = arith.constant 0 : i32
    %dma_start3A_282 = tpu.memref_slice %arg7[%dma_start3A_278, %dma_start3A_281] : memref<26x128xi32, #tpu.memory_space<vmem>> -> memref<1x128xi32, #tpu.memory_space<vmem>>
    %dma_start3A_283 = tpu.memref_squeeze %dma_start3A_282 : memref<1x128xi32, #tpu.memory_space<vmem>> -> memref<128xi32, #tpu.memory_space<vmem>>
    %dma_start3A_284 = arith.constant 0 : i32
    %dma_start3A_285 = tpu.memref_slice %arg3[%dma_start3A_284] : memref<2600000xf32, #tpu.memory_space<hbm>> -> memref<2600000xf32, #tpu.memory_space<hbm>>
    tpu.enqueue_indirect_dma source(%dma_start3A_285 : memref<2600000xf32, #tpu.memory_space<hbm>>) target(%dma_start3A_280 : memref<128xf32, #tpu.memory_space<vmem>>) offsets(%dma_start3A_283 : memref<128xi32, #tpu.memory_space<vmem>>) semaphore(%arg11 : memref<!tpu.dma_semaphore, #tpu.memory_space<semaphore_mem>>)
    %dma_start3A_286 = arith.constant 3 : i32
    %dma_start3A_287 = arith.constant 384 : i32
    %dma_start3A_288 = tpu.memref_slice %arg9[%dma_start3A_287] : memref<3328xf32, #tpu.memory_space<vmem>> -> memref<128xf32, #tpu.memory_space<vmem>>
    %dma_start3A_289 = arith.constant 0 : i32
    %dma_start3A_290 = tpu.memref_slice %arg7[%dma_start3A_286, %dma_start3A_289] : memref<26x128xi32, #tpu.memory_space<vmem>> -> memref<1x128xi32, #tpu.memory_space<vmem>>
    %dma_start3A_291 = tpu.memref_squeeze %dma_start3A_290 : memref<1x128xi32, #tpu.memory_space<vmem>> -> memref<128xi32, #tpu.memory_space<vmem>>
    %dma_start3A_292 = arith.constant 0 : i32
    %dma_start3A_293 = tpu.memref_slice %arg3[%dma_start3A_292] : memref<2600000xf32, #tpu.memory_space<hbm>> -> memref<2600000xf32, #tpu.memory_space<hbm>>
    tpu.enqueue_indirect_dma source(%dma_start3A_293 : memref<2600000xf32, #tpu.memory_space<hbm>>) target(%dma_start3A_288 : memref<128xf32, #tpu.memory_space<vmem>>) offsets(%dma_start3A_291 : memref<128xi32, #tpu.memory_space<vmem>>) semaphore(%arg11 : memref<!tpu.dma_semaphore, #tpu.memory_space<semaphore_mem>>)
    %dma_start3A_294 = arith.constant 4 : i32
    %dma_start3A_295 = arith.constant 512 : i32
    %dma_start3A_296 = tpu.memref_slice %arg9[%dma_start3A_295] : memref<3328xf32, #tpu.memory_space<vmem>> -> memref<128xf32, #tpu.memory_space<vmem>>
    %dma_start3A_297 = arith.constant 0 : i32
    %dma_start3A_298 = tpu.memref_slice %arg7[%dma_start3A_294, %dma_start3A_297] : memref<26x128xi32, #tpu.memory_space<vmem>> -> memref<1x128xi32, #tpu.memory_space<vmem>>
    %dma_start3A_299 = tpu.memref_squeeze %dma_start3A_298 : memref<1x128xi32, #tpu.memory_space<vmem>> -> memref<128xi32, #tpu.memory_space<vmem>>
    %dma_start3A_300 = arith.constant 0 : i32
    %dma_start3A_301 = tpu.memref_slice %arg3[%dma_start3A_300] : memref<2600000xf32, #tpu.memory_space<hbm>> -> memref<2600000xf32, #tpu.memory_space<hbm>>
    tpu.enqueue_indirect_dma source(%dma_start3A_301 : memref<2600000xf32, #tpu.memory_space<hbm>>) target(%dma_start3A_296 : memref<128xf32, #tpu.memory_space<vmem>>) offsets(%dma_start3A_299 : memref<128xi32, #tpu.memory_space<vmem>>) semaphore(%arg11 : memref<!tpu.dma_semaphore, #tpu.memory_space<semaphore_mem>>)
    %dma_start3A_302 = arith.constant 5 : i32
    %dma_start3A_303 = arith.constant 640 : i32
    %dma_start3A_304 = tpu.memref_slice %arg9[%dma_start3A_303] : memref<3328xf32, #tpu.memory_space<vmem>> -> memref<128xf32, #tpu.memory_space<vmem>>
    %dma_start3A_305 = arith.constant 0 : i32
    %dma_start3A_306 = tpu.memref_slice %arg7[%dma_start3A_302, %dma_start3A_305] : memref<26x128xi32, #tpu.memory_space<vmem>> -> memref<1x128xi32, #tpu.memory_space<vmem>>
    %dma_start3A_307 = tpu.memref_squeeze %dma_start3A_306 : memref<1x128xi32, #tpu.memory_space<vmem>> -> memref<128xi32, #tpu.memory_space<vmem>>
    %dma_start3A_308 = arith.constant 0 : i32
    %dma_start3A_309 = tpu.memref_slice %arg3[%dma_start3A_308] : memref<2600000xf32, #tpu.memory_space<hbm>> -> memref<2600000xf32, #tpu.memory_space<hbm>>
    tpu.enqueue_indirect_dma source(%dma_start3A_309 : memref<2600000xf32, #tpu.memory_space<hbm>>) target(%dma_start3A_304 : memref<128xf32, #tpu.memory_space<vmem>>) offsets(%dma_start3A_307 : memref<128xi32, #tpu.memory_space<vmem>>) semaphore(%arg11 : memref<!tpu.dma_semaphore, #tpu.memory_space<semaphore_mem>>)
    %dma_start3A_310 = arith.constant 6 : i32
    %dma_start3A_311 = arith.constant 768 : i32
    %dma_start3A_312 = tpu.memref_slice %arg9[%dma_start3A_311] : memref<3328xf32, #tpu.memory_space<vmem>> -> memref<128xf32, #tpu.memory_space<vmem>>
    %dma_start3A_313 = arith.constant 0 : i32
    %dma_start3A_314 = tpu.memref_slice %arg7[%dma_start3A_310, %dma_start3A_313] : memref<26x128xi32, #tpu.memory_space<vmem>> -> memref<1x128xi32, #tpu.memory_space<vmem>>
    %dma_start3A_315 = tpu.memref_squeeze %dma_start3A_314 : memref<1x128xi32, #tpu.memory_space<vmem>> -> memref<128xi32, #tpu.memory_space<vmem>>
    %dma_start3A_316 = arith.constant 0 : i32
    %dma_start3A_317 = tpu.memref_slice %arg3[%dma_start3A_316] : memref<2600000xf32, #tpu.memory_space<hbm>> -> memref<2600000xf32, #tpu.memory_space<hbm>>
    tpu.enqueue_indirect_dma source(%dma_start3A_317 : memref<2600000xf32, #tpu.memory_space<hbm>>) target(%dma_start3A_312 : memref<128xf32, #tpu.memory_space<vmem>>) offsets(%dma_start3A_315 : memref<128xi32, #tpu.memory_space<vmem>>) semaphore(%arg11 : memref<!tpu.dma_semaphore, #tpu.memory_space<semaphore_mem>>)
    %dma_start3A_318 = arith.constant 7 : i32
    %dma_start3A_319 = arith.constant 896 : i32
    %dma_start3A_320 = tpu.memref_slice %arg9[%dma_start3A_319] : memref<3328xf32, #tpu.memory_space<vmem>> -> memref<128xf32, #tpu.memory_space<vmem>>
    %dma_start3A_321 = arith.constant 0 : i32
    %dma_start3A_322 = tpu.memref_slice %arg7[%dma_start3A_318, %dma_start3A_321] : memref<26x128xi32, #tpu.memory_space<vmem>> -> memref<1x128xi32, #tpu.memory_space<vmem>>
    %dma_start3A_323 = tpu.memref_squeeze %dma_start3A_322 : memref<1x128xi32, #tpu.memory_space<vmem>> -> memref<128xi32, #tpu.memory_space<vmem>>
    %dma_start3A_324 = arith.constant 0 : i32
    %dma_start3A_325 = tpu.memref_slice %arg3[%dma_start3A_324] : memref<2600000xf32, #tpu.memory_space<hbm>> -> memref<2600000xf32, #tpu.memory_space<hbm>>
    tpu.enqueue_indirect_dma source(%dma_start3A_325 : memref<2600000xf32, #tpu.memory_space<hbm>>) target(%dma_start3A_320 : memref<128xf32, #tpu.memory_space<vmem>>) offsets(%dma_start3A_323 : memref<128xi32, #tpu.memory_space<vmem>>) semaphore(%arg11 : memref<!tpu.dma_semaphore, #tpu.memory_space<semaphore_mem>>)
    %dma_start3A_326 = arith.constant 8 : i32
    %dma_start3A_327 = arith.constant 1024 : i32
    %dma_start3A_328 = tpu.memref_slice %arg9[%dma_start3A_327] : memref<3328xf32, #tpu.memory_space<vmem>> -> memref<128xf32, #tpu.memory_space<vmem>>
    %dma_start3A_329 = arith.constant 0 : i32
    %dma_start3A_330 = tpu.memref_slice %arg7[%dma_start3A_326, %dma_start3A_329] : memref<26x128xi32, #tpu.memory_space<vmem>> -> memref<1x128xi32, #tpu.memory_space<vmem>>
    %dma_start3A_331 = tpu.memref_squeeze %dma_start3A_330 : memref<1x128xi32, #tpu.memory_space<vmem>> -> memref<128xi32, #tpu.memory_space<vmem>>
    %dma_start3A_332 = arith.constant 0 : i32
    %dma_start3A_333 = tpu.memref_slice %arg3[%dma_start3A_332] : memref<2600000xf32, #tpu.memory_space<hbm>> -> memref<2600000xf32, #tpu.memory_space<hbm>>
    tpu.enqueue_indirect_dma source(%dma_start3A_333 : memref<2600000xf32, #tpu.memory_space<hbm>>) target(%dma_start3A_328 : memref<128xf32, #tpu.memory_space<vmem>>) offsets(%dma_start3A_331 : memref<128xi32, #tpu.memory_space<vmem>>) semaphore(%arg11 : memref<!tpu.dma_semaphore, #tpu.memory_space<semaphore_mem>>)
    %dma_start3A_334 = arith.constant 9 : i32
    %dma_start3A_335 = arith.constant 1152 : i32
    %dma_start3A_336 = tpu.memref_slice %arg9[%dma_start3A_335] : memref<3328xf32, #tpu.memory_space<vmem>> -> memref<128xf32, #tpu.memory_space<vmem>>
    %dma_start3A_337 = arith.constant 0 : i32
    %dma_start3A_338 = tpu.memref_slice %arg7[%dma_start3A_334, %dma_start3A_337] : memref<26x128xi32, #tpu.memory_space<vmem>> -> memref<1x128xi32, #tpu.memory_space<vmem>>
    %dma_start3A_339 = tpu.memref_squeeze %dma_start3A_338 : memref<1x128xi32, #tpu.memory_space<vmem>> -> memref<128xi32, #tpu.memory_space<vmem>>
    %dma_start3A_340 = arith.constant 0 : i32
    %dma_start3A_341 = tpu.memref_slice %arg3[%dma_start3A_340] : memref<2600000xf32, #tpu.memory_space<hbm>> -> memref<2600000xf32, #tpu.memory_space<hbm>>
    tpu.enqueue_indirect_dma source(%dma_start3A_341 : memref<2600000xf32, #tpu.memory_space<hbm>>) target(%dma_start3A_336 : memref<128xf32, #tpu.memory_space<vmem>>) offsets(%dma_start3A_339 : memref<128xi32, #tpu.memory_space<vmem>>) semaphore(%arg11 : memref<!tpu.dma_semaphore, #tpu.memory_space<semaphore_mem>>)
    %dma_start3A_342 = arith.constant 10 : i32
    %dma_start3A_343 = arith.constant 1280 : i32
    %dma_start3A_344 = tpu.memref_slice %arg9[%dma_start3A_343] : memref<3328xf32, #tpu.memory_space<vmem>> -> memref<128xf32, #tpu.memory_space<vmem>>
    %dma_start3A_345 = arith.constant 0 : i32
    %dma_start3A_346 = tpu.memref_slice %arg7[%dma_start3A_342, %dma_start3A_345] : memref<26x128xi32, #tpu.memory_space<vmem>> -> memref<1x128xi32, #tpu.memory_space<vmem>>
    %dma_start3A_347 = tpu.memref_squeeze %dma_start3A_346 : memref<1x128xi32, #tpu.memory_space<vmem>> -> memref<128xi32, #tpu.memory_space<vmem>>
    %dma_start3A_348 = arith.constant 0 : i32
    %dma_start3A_349 = tpu.memref_slice %arg3[%dma_start3A_348] : memref<2600000xf32, #tpu.memory_space<hbm>> -> memref<2600000xf32, #tpu.memory_space<hbm>>
    tpu.enqueue_indirect_dma source(%dma_start3A_349 : memref<2600000xf32, #tpu.memory_space<hbm>>) target(%dma_start3A_344 : memref<128xf32, #tpu.memory_space<vmem>>) offsets(%dma_start3A_347 : memref<128xi32, #tpu.memory_space<vmem>>) semaphore(%arg11 : memref<!tpu.dma_semaphore, #tpu.memory_space<semaphore_mem>>)
    %dma_start3A_350 = arith.constant 11 : i32
    %dma_start3A_351 = arith.constant 1408 : i32
    %dma_start3A_352 = tpu.memref_slice %arg9[%dma_start3A_351] : memref<3328xf32, #tpu.memory_space<vmem>> -> memref<128xf32, #tpu.memory_space<vmem>>
    %dma_start3A_353 = arith.constant 0 : i32
    %dma_start3A_354 = tpu.memref_slice %arg7[%dma_start3A_350, %dma_start3A_353] : memref<26x128xi32, #tpu.memory_space<vmem>> -> memref<1x128xi32, #tpu.memory_space<vmem>>
    %dma_start3A_355 = tpu.memref_squeeze %dma_start3A_354 : memref<1x128xi32, #tpu.memory_space<vmem>> -> memref<128xi32, #tpu.memory_space<vmem>>
    %dma_start3A_356 = arith.constant 0 : i32
    %dma_start3A_357 = tpu.memref_slice %arg3[%dma_start3A_356] : memref<2600000xf32, #tpu.memory_space<hbm>> -> memref<2600000xf32, #tpu.memory_space<hbm>>
    tpu.enqueue_indirect_dma source(%dma_start3A_357 : memref<2600000xf32, #tpu.memory_space<hbm>>) target(%dma_start3A_352 : memref<128xf32, #tpu.memory_space<vmem>>) offsets(%dma_start3A_355 : memref<128xi32, #tpu.memory_space<vmem>>) semaphore(%arg11 : memref<!tpu.dma_semaphore, #tpu.memory_space<semaphore_mem>>)
    %dma_start3A_358 = arith.constant 12 : i32
    %dma_start3A_359 = arith.constant 1536 : i32
    %dma_start3A_360 = tpu.memref_slice %arg9[%dma_start3A_359] : memref<3328xf32, #tpu.memory_space<vmem>> -> memref<128xf32, #tpu.memory_space<vmem>>
    %dma_start3A_361 = arith.constant 0 : i32
    %dma_start3A_362 = tpu.memref_slice %arg7[%dma_start3A_358, %dma_start3A_361] : memref<26x128xi32, #tpu.memory_space<vmem>> -> memref<1x128xi32, #tpu.memory_space<vmem>>
    %dma_start3A_363 = tpu.memref_squeeze %dma_start3A_362 : memref<1x128xi32, #tpu.memory_space<vmem>> -> memref<128xi32, #tpu.memory_space<vmem>>
    %dma_start3A_364 = arith.constant 0 : i32
    %dma_start3A_365 = tpu.memref_slice %arg3[%dma_start3A_364] : memref<2600000xf32, #tpu.memory_space<hbm>> -> memref<2600000xf32, #tpu.memory_space<hbm>>
    tpu.enqueue_indirect_dma source(%dma_start3A_365 : memref<2600000xf32, #tpu.memory_space<hbm>>) target(%dma_start3A_360 : memref<128xf32, #tpu.memory_space<vmem>>) offsets(%dma_start3A_363 : memref<128xi32, #tpu.memory_space<vmem>>) semaphore(%arg11 : memref<!tpu.dma_semaphore, #tpu.memory_space<semaphore_mem>>)
    %dma_start3A_366 = arith.constant 13 : i32
    %dma_start3A_367 = arith.constant 1664 : i32
    %dma_start3A_368 = tpu.memref_slice %arg9[%dma_start3A_367] : memref<3328xf32, #tpu.memory_space<vmem>> -> memref<128xf32, #tpu.memory_space<vmem>>
    %dma_start3A_369 = arith.constant 0 : i32
    %dma_start3A_370 = tpu.memref_slice %arg7[%dma_start3A_366, %dma_start3A_369] : memref<26x128xi32, #tpu.memory_space<vmem>> -> memref<1x128xi32, #tpu.memory_space<vmem>>
    %dma_start3A_371 = tpu.memref_squeeze %dma_start3A_370 : memref<1x128xi32, #tpu.memory_space<vmem>> -> memref<128xi32, #tpu.memory_space<vmem>>
    %dma_start3A_372 = arith.constant 0 : i32
    %dma_start3A_373 = tpu.memref_slice %arg3[%dma_start3A_372] : memref<2600000xf32, #tpu.memory_space<hbm>> -> memref<2600000xf32, #tpu.memory_space<hbm>>
    tpu.enqueue_indirect_dma source(%dma_start3A_373 : memref<2600000xf32, #tpu.memory_space<hbm>>) target(%dma_start3A_368 : memref<128xf32, #tpu.memory_space<vmem>>) offsets(%dma_start3A_371 : memref<128xi32, #tpu.memory_space<vmem>>) semaphore(%arg11 : memref<!tpu.dma_semaphore, #tpu.memory_space<semaphore_mem>>)
    %dma_start3A_374 = arith.constant 14 : i32
    %dma_start3A_375 = arith.constant 1792 : i32
    %dma_start3A_376 = tpu.memref_slice %arg9[%dma_start3A_375] : memref<3328xf32, #tpu.memory_space<vmem>> -> memref<128xf32, #tpu.memory_space<vmem>>
    %dma_start3A_377 = arith.constant 0 : i32
    %dma_start3A_378 = tpu.memref_slice %arg7[%dma_start3A_374, %dma_start3A_377] : memref<26x128xi32, #tpu.memory_space<vmem>> -> memref<1x128xi32, #tpu.memory_space<vmem>>
    %dma_start3A_379 = tpu.memref_squeeze %dma_start3A_378 : memref<1x128xi32, #tpu.memory_space<vmem>> -> memref<128xi32, #tpu.memory_space<vmem>>
    %dma_start3A_380 = arith.constant 0 : i32
    %dma_start3A_381 = tpu.memref_slice %arg3[%dma_start3A_380] : memref<2600000xf32, #tpu.memory_space<hbm>> -> memref<2600000xf32, #tpu.memory_space<hbm>>
    tpu.enqueue_indirect_dma source(%dma_start3A_381 : memref<2600000xf32, #tpu.memory_space<hbm>>) target(%dma_start3A_376 : memref<128xf32, #tpu.memory_space<vmem>>) offsets(%dma_start3A_379 : memref<128xi32, #tpu.memory_space<vmem>>) semaphore(%arg11 : memref<!tpu.dma_semaphore, #tpu.memory_space<semaphore_mem>>)
    %dma_start3A_382 = arith.constant 15 : i32
    %dma_start3A_383 = arith.constant 1920 : i32
    %dma_start3A_384 = tpu.memref_slice %arg9[%dma_start3A_383] : memref<3328xf32, #tpu.memory_space<vmem>> -> memref<128xf32, #tpu.memory_space<vmem>>
    %dma_start3A_385 = arith.constant 0 : i32
    %dma_start3A_386 = tpu.memref_slice %arg7[%dma_start3A_382, %dma_start3A_385] : memref<26x128xi32, #tpu.memory_space<vmem>> -> memref<1x128xi32, #tpu.memory_space<vmem>>
    %dma_start3A_387 = tpu.memref_squeeze %dma_start3A_386 : memref<1x128xi32, #tpu.memory_space<vmem>> -> memref<128xi32, #tpu.memory_space<vmem>>
    %dma_start3A_388 = arith.constant 0 : i32
    %dma_start3A_389 = tpu.memref_slice %arg3[%dma_start3A_388] : memref<2600000xf32, #tpu.memory_space<hbm>> -> memref<2600000xf32, #tpu.memory_space<hbm>>
    tpu.enqueue_indirect_dma source(%dma_start3A_389 : memref<2600000xf32, #tpu.memory_space<hbm>>) target(%dma_start3A_384 : memref<128xf32, #tpu.memory_space<vmem>>) offsets(%dma_start3A_387 : memref<128xi32, #tpu.memory_space<vmem>>) semaphore(%arg11 : memref<!tpu.dma_semaphore, #tpu.memory_space<semaphore_mem>>)
    %dma_start3A_390 = arith.constant 16 : i32
    %dma_start3A_391 = arith.constant 2048 : i32
    %dma_start3A_392 = tpu.memref_slice %arg9[%dma_start3A_391] : memref<3328xf32, #tpu.memory_space<vmem>> -> memref<128xf32, #tpu.memory_space<vmem>>
    %dma_start3A_393 = arith.constant 0 : i32
    %dma_start3A_394 = tpu.memref_slice %arg7[%dma_start3A_390, %dma_start3A_393] : memref<26x128xi32, #tpu.memory_space<vmem>> -> memref<1x128xi32, #tpu.memory_space<vmem>>
    %dma_start3A_395 = tpu.memref_squeeze %dma_start3A_394 : memref<1x128xi32, #tpu.memory_space<vmem>> -> memref<128xi32, #tpu.memory_space<vmem>>
    %dma_start3A_396 = arith.constant 0 : i32
    %dma_start3A_397 = tpu.memref_slice %arg3[%dma_start3A_396] : memref<2600000xf32, #tpu.memory_space<hbm>> -> memref<2600000xf32, #tpu.memory_space<hbm>>
    tpu.enqueue_indirect_dma source(%dma_start3A_397 : memref<2600000xf32, #tpu.memory_space<hbm>>) target(%dma_start3A_392 : memref<128xf32, #tpu.memory_space<vmem>>) offsets(%dma_start3A_395 : memref<128xi32, #tpu.memory_space<vmem>>) semaphore(%arg11 : memref<!tpu.dma_semaphore, #tpu.memory_space<semaphore_mem>>)
    %dma_start3A_398 = arith.constant 17 : i32
    %dma_start3A_399 = arith.constant 2176 : i32
    %dma_start3A_400 = tpu.memref_slice %arg9[%dma_start3A_399] : memref<3328xf32, #tpu.memory_space<vmem>> -> memref<128xf32, #tpu.memory_space<vmem>>
    %dma_start3A_401 = arith.constant 0 : i32
    %dma_start3A_402 = tpu.memref_slice %arg7[%dma_start3A_398, %dma_start3A_401] : memref<26x128xi32, #tpu.memory_space<vmem>> -> memref<1x128xi32, #tpu.memory_space<vmem>>
    %dma_start3A_403 = tpu.memref_squeeze %dma_start3A_402 : memref<1x128xi32, #tpu.memory_space<vmem>> -> memref<128xi32, #tpu.memory_space<vmem>>
    %dma_start3A_404 = arith.constant 0 : i32
    %dma_start3A_405 = tpu.memref_slice %arg3[%dma_start3A_404] : memref<2600000xf32, #tpu.memory_space<hbm>> -> memref<2600000xf32, #tpu.memory_space<hbm>>
    tpu.enqueue_indirect_dma source(%dma_start3A_405 : memref<2600000xf32, #tpu.memory_space<hbm>>) target(%dma_start3A_400 : memref<128xf32, #tpu.memory_space<vmem>>) offsets(%dma_start3A_403 : memref<128xi32, #tpu.memory_space<vmem>>) semaphore(%arg11 : memref<!tpu.dma_semaphore, #tpu.memory_space<semaphore_mem>>)
    %dma_start3A_406 = arith.constant 18 : i32
    %dma_start3A_407 = arith.constant 2304 : i32
    %dma_start3A_408 = tpu.memref_slice %arg9[%dma_start3A_407] : memref<3328xf32, #tpu.memory_space<vmem>> -> memref<128xf32, #tpu.memory_space<vmem>>
    %dma_start3A_409 = arith.constant 0 : i32
    %dma_start3A_410 = tpu.memref_slice %arg7[%dma_start3A_406, %dma_start3A_409] : memref<26x128xi32, #tpu.memory_space<vmem>> -> memref<1x128xi32, #tpu.memory_space<vmem>>
    %dma_start3A_411 = tpu.memref_squeeze %dma_start3A_410 : memref<1x128xi32, #tpu.memory_space<vmem>> -> memref<128xi32, #tpu.memory_space<vmem>>
    %dma_start3A_412 = arith.constant 0 : i32
    %dma_start3A_413 = tpu.memref_slice %arg3[%dma_start3A_412] : memref<2600000xf32, #tpu.memory_space<hbm>> -> memref<2600000xf32, #tpu.memory_space<hbm>>
    tpu.enqueue_indirect_dma source(%dma_start3A_413 : memref<2600000xf32, #tpu.memory_space<hbm>>) target(%dma_start3A_408 : memref<128xf32, #tpu.memory_space<vmem>>) offsets(%dma_start3A_411 : memref<128xi32, #tpu.memory_space<vmem>>) semaphore(%arg11 : memref<!tpu.dma_semaphore, #tpu.memory_space<semaphore_mem>>)
    %dma_start3A_414 = arith.constant 19 : i32
    %dma_start3A_415 = arith.constant 2432 : i32
    %dma_start3A_416 = tpu.memref_slice %arg9[%dma_start3A_415] : memref<3328xf32, #tpu.memory_space<vmem>> -> memref<128xf32, #tpu.memory_space<vmem>>
    %dma_start3A_417 = arith.constant 0 : i32
    %dma_start3A_418 = tpu.memref_slice %arg7[%dma_start3A_414, %dma_start3A_417] : memref<26x128xi32, #tpu.memory_space<vmem>> -> memref<1x128xi32, #tpu.memory_space<vmem>>
    %dma_start3A_419 = tpu.memref_squeeze %dma_start3A_418 : memref<1x128xi32, #tpu.memory_space<vmem>> -> memref<128xi32, #tpu.memory_space<vmem>>
    %dma_start3A_420 = arith.constant 0 : i32
    %dma_start3A_421 = tpu.memref_slice %arg3[%dma_start3A_420] : memref<2600000xf32, #tpu.memory_space<hbm>> -> memref<2600000xf32, #tpu.memory_space<hbm>>
    tpu.enqueue_indirect_dma source(%dma_start3A_421 : memref<2600000xf32, #tpu.memory_space<hbm>>) target(%dma_start3A_416 : memref<128xf32, #tpu.memory_space<vmem>>) offsets(%dma_start3A_419 : memref<128xi32, #tpu.memory_space<vmem>>) semaphore(%arg11 : memref<!tpu.dma_semaphore, #tpu.memory_space<semaphore_mem>>)
    %dma_start3A_422 = arith.constant 20 : i32
    %dma_start3A_423 = arith.constant 2560 : i32
    %dma_start3A_424 = tpu.memref_slice %arg9[%dma_start3A_423] : memref<3328xf32, #tpu.memory_space<vmem>> -> memref<128xf32, #tpu.memory_space<vmem>>
    %dma_start3A_425 = arith.constant 0 : i32
    %dma_start3A_426 = tpu.memref_slice %arg7[%dma_start3A_422, %dma_start3A_425] : memref<26x128xi32, #tpu.memory_space<vmem>> -> memref<1x128xi32, #tpu.memory_space<vmem>>
    %dma_start3A_427 = tpu.memref_squeeze %dma_start3A_426 : memref<1x128xi32, #tpu.memory_space<vmem>> -> memref<128xi32, #tpu.memory_space<vmem>>
    %dma_start3A_428 = arith.constant 0 : i32
    %dma_start3A_429 = tpu.memref_slice %arg3[%dma_start3A_428] : memref<2600000xf32, #tpu.memory_space<hbm>> -> memref<2600000xf32, #tpu.memory_space<hbm>>
    tpu.enqueue_indirect_dma source(%dma_start3A_429 : memref<2600000xf32, #tpu.memory_space<hbm>>) target(%dma_start3A_424 : memref<128xf32, #tpu.memory_space<vmem>>) offsets(%dma_start3A_427 : memref<128xi32, #tpu.memory_space<vmem>>) semaphore(%arg11 : memref<!tpu.dma_semaphore, #tpu.memory_space<semaphore_mem>>)
    %dma_start3A_430 = arith.constant 21 : i32
    %dma_start3A_431 = arith.constant 2688 : i32
    %dma_start3A_432 = tpu.memref_slice %arg9[%dma_start3A_431] : memref<3328xf32, #tpu.memory_space<vmem>> -> memref<128xf32, #tpu.memory_space<vmem>>
    %dma_start3A_433 = arith.constant 0 : i32
    %dma_start3A_434 = tpu.memref_slice %arg7[%dma_start3A_430, %dma_start3A_433] : memref<26x128xi32, #tpu.memory_space<vmem>> -> memref<1x128xi32, #tpu.memory_space<vmem>>
    %dma_start3A_435 = tpu.memref_squeeze %dma_start3A_434 : memref<1x128xi32, #tpu.memory_space<vmem>> -> memref<128xi32, #tpu.memory_space<vmem>>
    %dma_start3A_436 = arith.constant 0 : i32
    %dma_start3A_437 = tpu.memref_slice %arg3[%dma_start3A_436] : memref<2600000xf32, #tpu.memory_space<hbm>> -> memref<2600000xf32, #tpu.memory_space<hbm>>
    tpu.enqueue_indirect_dma source(%dma_start3A_437 : memref<2600000xf32, #tpu.memory_space<hbm>>) target(%dma_start3A_432 : memref<128xf32, #tpu.memory_space<vmem>>) offsets(%dma_start3A_435 : memref<128xi32, #tpu.memory_space<vmem>>) semaphore(%arg11 : memref<!tpu.dma_semaphore, #tpu.memory_space<semaphore_mem>>)
    %dma_start3A_438 = arith.constant 22 : i32
    %dma_start3A_439 = arith.constant 2816 : i32
    %dma_start3A_440 = tpu.memref_slice %arg9[%dma_start3A_439] : memref<3328xf32, #tpu.memory_space<vmem>> -> memref<128xf32, #tpu.memory_space<vmem>>
    %dma_start3A_441 = arith.constant 0 : i32
    %dma_start3A_442 = tpu.memref_slice %arg7[%dma_start3A_438, %dma_start3A_441] : memref<26x128xi32, #tpu.memory_space<vmem>> -> memref<1x128xi32, #tpu.memory_space<vmem>>
    %dma_start3A_443 = tpu.memref_squeeze %dma_start3A_442 : memref<1x128xi32, #tpu.memory_space<vmem>> -> memref<128xi32, #tpu.memory_space<vmem>>
    %dma_start3A_444 = arith.constant 0 : i32
    %dma_start3A_445 = tpu.memref_slice %arg3[%dma_start3A_444] : memref<2600000xf32, #tpu.memory_space<hbm>> -> memref<2600000xf32, #tpu.memory_space<hbm>>
    tpu.enqueue_indirect_dma source(%dma_start3A_445 : memref<2600000xf32, #tpu.memory_space<hbm>>) target(%dma_start3A_440 : memref<128xf32, #tpu.memory_space<vmem>>) offsets(%dma_start3A_443 : memref<128xi32, #tpu.memory_space<vmem>>) semaphore(%arg11 : memref<!tpu.dma_semaphore, #tpu.memory_space<semaphore_mem>>)
    %dma_start3A_446 = arith.constant 23 : i32
    %dma_start3A_447 = arith.constant 2944 : i32
    %dma_start3A_448 = tpu.memref_slice %arg9[%dma_start3A_447] : memref<3328xf32, #tpu.memory_space<vmem>> -> memref<128xf32, #tpu.memory_space<vmem>>
    %dma_start3A_449 = arith.constant 0 : i32
    %dma_start3A_450 = tpu.memref_slice %arg7[%dma_start3A_446, %dma_start3A_449] : memref<26x128xi32, #tpu.memory_space<vmem>> -> memref<1x128xi32, #tpu.memory_space<vmem>>
    %dma_start3A_451 = tpu.memref_squeeze %dma_start3A_450 : memref<1x128xi32, #tpu.memory_space<vmem>> -> memref<128xi32, #tpu.memory_space<vmem>>
    %dma_start3A_452 = arith.constant 0 : i32
    %dma_start3A_453 = tpu.memref_slice %arg3[%dma_start3A_452] : memref<2600000xf32, #tpu.memory_space<hbm>> -> memref<2600000xf32, #tpu.memory_space<hbm>>
    tpu.enqueue_indirect_dma source(%dma_start3A_453 : memref<2600000xf32, #tpu.memory_space<hbm>>) target(%dma_start3A_448 : memref<128xf32, #tpu.memory_space<vmem>>) offsets(%dma_start3A_451 : memref<128xi32, #tpu.memory_space<vmem>>) semaphore(%arg11 : memref<!tpu.dma_semaphore, #tpu.memory_space<semaphore_mem>>)
    %dma_start3A_454 = arith.constant 24 : i32
    %dma_start3A_455 = arith.constant 3072 : i32
    %dma_start3A_456 = tpu.memref_slice %arg9[%dma_start3A_455] : memref<3328xf32, #tpu.memory_space<vmem>> -> memref<128xf32, #tpu.memory_space<vmem>>
    %dma_start3A_457 = arith.constant 0 : i32
    %dma_start3A_458 = tpu.memref_slice %arg7[%dma_start3A_454, %dma_start3A_457] : memref<26x128xi32, #tpu.memory_space<vmem>> -> memref<1x128xi32, #tpu.memory_space<vmem>>
    %dma_start3A_459 = tpu.memref_squeeze %dma_start3A_458 : memref<1x128xi32, #tpu.memory_space<vmem>> -> memref<128xi32, #tpu.memory_space<vmem>>
    %dma_start3A_460 = arith.constant 0 : i32
    %dma_start3A_461 = tpu.memref_slice %arg3[%dma_start3A_460] : memref<2600000xf32, #tpu.memory_space<hbm>> -> memref<2600000xf32, #tpu.memory_space<hbm>>
    tpu.enqueue_indirect_dma source(%dma_start3A_461 : memref<2600000xf32, #tpu.memory_space<hbm>>) target(%dma_start3A_456 : memref<128xf32, #tpu.memory_space<vmem>>) offsets(%dma_start3A_459 : memref<128xi32, #tpu.memory_space<vmem>>) semaphore(%arg11 : memref<!tpu.dma_semaphore, #tpu.memory_space<semaphore_mem>>)
    %dma_start3A_462 = arith.constant 25 : i32
    %dma_start3A_463 = arith.constant 3200 : i32
    %dma_start3A_464 = tpu.memref_slice %arg9[%dma_start3A_463] : memref<3328xf32, #tpu.memory_space<vmem>> -> memref<128xf32, #tpu.memory_space<vmem>>
    %dma_start3A_465 = arith.constant 0 : i32
    %dma_start3A_466 = tpu.memref_slice %arg7[%dma_start3A_462, %dma_start3A_465] : memref<26x128xi32, #tpu.memory_space<vmem>> -> memref<1x128xi32, #tpu.memory_space<vmem>>
    %dma_start3A_467 = tpu.memref_squeeze %dma_start3A_466 : memref<1x128xi32, #tpu.memory_space<vmem>> -> memref<128xi32, #tpu.memory_space<vmem>>
    %dma_start3A_468 = arith.constant 0 : i32
    %dma_start3A_469 = tpu.memref_slice %arg3[%dma_start3A_468] : memref<2600000xf32, #tpu.memory_space<hbm>> -> memref<2600000xf32, #tpu.memory_space<hbm>>
    tpu.enqueue_indirect_dma source(%dma_start3A_469 : memref<2600000xf32, #tpu.memory_space<hbm>>) target(%dma_start3A_464 : memref<128xf32, #tpu.memory_space<vmem>>) offsets(%dma_start3A_467 : memref<128xi32, #tpu.memory_space<vmem>>) semaphore(%arg11 : memref<!tpu.dma_semaphore, #tpu.memory_space<semaphore_mem>>)
    %dma_wait3A = arith.constant 0 : i32
    %dma_wait3A_470 = arith.constant 0 : i32
    %dma_wait3A_471 = arith.constant 0 : i32
    %dma_wait3A_472 = tpu.memref_slice %arg8[%dma_wait3A_470, %dma_wait3A_471] : memref<3328x16xf32, #tpu.memory_space<vmem>> -> memref<128x16xf32, #tpu.memory_space<vmem>>
    %dma_wait3A_473 = arith.constant 0 : i32
    %dma_wait3A_474 = tpu.memref_slice %arg7[%dma_wait3A, %dma_wait3A_473] : memref<26x128xi32, #tpu.memory_space<vmem>> -> memref<1x128xi32, #tpu.memory_space<vmem>>
    %dma_wait3A_475 = tpu.memref_squeeze %dma_wait3A_474 : memref<1x128xi32, #tpu.memory_space<vmem>> -> memref<128xi32, #tpu.memory_space<vmem>>
    %dma_wait3A_476 = arith.constant 0 : i32
    %dma_wait3A_477 = arith.constant 0 : i32
    %dma_wait3A_478 = tpu.memref_slice %arg2[%dma_wait3A_476, %dma_wait3A_477] : memref<2600000x16xf32, #tpu.memory_space<hbm>> -> memref<2600000x16xf32, #tpu.memory_space<hbm>>
    tpu.wait_indirect_dma semaphore(%arg10 : memref<!tpu.dma_semaphore, #tpu.memory_space<semaphore_mem>>) src(%dma_wait3A_478 : memref<2600000x16xf32, #tpu.memory_space<hbm>>) dst(%dma_wait3A_472 : memref<128x16xf32, #tpu.memory_space<vmem>>)
    %dma_wait3A_479 = arith.constant 1 : i32
    %dma_wait3A_480 = arith.constant 128 : i32
    %dma_wait3A_481 = arith.constant 0 : i32
    %dma_wait3A_482 = tpu.memref_slice %arg8[%dma_wait3A_480, %dma_wait3A_481] : memref<3328x16xf32, #tpu.memory_space<vmem>> -> memref<128x16xf32, #tpu.memory_space<vmem>>
    %dma_wait3A_483 = arith.constant 0 : i32
    %dma_wait3A_484 = tpu.memref_slice %arg7[%dma_wait3A_479, %dma_wait3A_483] : memref<26x128xi32, #tpu.memory_space<vmem>> -> memref<1x128xi32, #tpu.memory_space<vmem>>
    %dma_wait3A_485 = tpu.memref_squeeze %dma_wait3A_484 : memref<1x128xi32, #tpu.memory_space<vmem>> -> memref<128xi32, #tpu.memory_space<vmem>>
    %dma_wait3A_486 = arith.constant 0 : i32
    %dma_wait3A_487 = arith.constant 0 : i32
    %dma_wait3A_488 = tpu.memref_slice %arg2[%dma_wait3A_486, %dma_wait3A_487] : memref<2600000x16xf32, #tpu.memory_space<hbm>> -> memref<2600000x16xf32, #tpu.memory_space<hbm>>
    tpu.wait_indirect_dma semaphore(%arg10 : memref<!tpu.dma_semaphore, #tpu.memory_space<semaphore_mem>>) src(%dma_wait3A_488 : memref<2600000x16xf32, #tpu.memory_space<hbm>>) dst(%dma_wait3A_482 : memref<128x16xf32, #tpu.memory_space<vmem>>)
    %dma_wait3A_489 = arith.constant 2 : i32
    %dma_wait3A_490 = arith.constant 256 : i32
    %dma_wait3A_491 = arith.constant 0 : i32
    %dma_wait3A_492 = tpu.memref_slice %arg8[%dma_wait3A_490, %dma_wait3A_491] : memref<3328x16xf32, #tpu.memory_space<vmem>> -> memref<128x16xf32, #tpu.memory_space<vmem>>
    %dma_wait3A_493 = arith.constant 0 : i32
    %dma_wait3A_494 = tpu.memref_slice %arg7[%dma_wait3A_489, %dma_wait3A_493] : memref<26x128xi32, #tpu.memory_space<vmem>> -> memref<1x128xi32, #tpu.memory_space<vmem>>
    %dma_wait3A_495 = tpu.memref_squeeze %dma_wait3A_494 : memref<1x128xi32, #tpu.memory_space<vmem>> -> memref<128xi32, #tpu.memory_space<vmem>>
    %dma_wait3A_496 = arith.constant 0 : i32
    %dma_wait3A_497 = arith.constant 0 : i32
    %dma_wait3A_498 = tpu.memref_slice %arg2[%dma_wait3A_496, %dma_wait3A_497] : memref<2600000x16xf32, #tpu.memory_space<hbm>> -> memref<2600000x16xf32, #tpu.memory_space<hbm>>
    tpu.wait_indirect_dma semaphore(%arg10 : memref<!tpu.dma_semaphore, #tpu.memory_space<semaphore_mem>>) src(%dma_wait3A_498 : memref<2600000x16xf32, #tpu.memory_space<hbm>>) dst(%dma_wait3A_492 : memref<128x16xf32, #tpu.memory_space<vmem>>)
    %dma_wait3A_499 = arith.constant 3 : i32
    %dma_wait3A_500 = arith.constant 384 : i32
    %dma_wait3A_501 = arith.constant 0 : i32
    %dma_wait3A_502 = tpu.memref_slice %arg8[%dma_wait3A_500, %dma_wait3A_501] : memref<3328x16xf32, #tpu.memory_space<vmem>> -> memref<128x16xf32, #tpu.memory_space<vmem>>
    %dma_wait3A_503 = arith.constant 0 : i32
    %dma_wait3A_504 = tpu.memref_slice %arg7[%dma_wait3A_499, %dma_wait3A_503] : memref<26x128xi32, #tpu.memory_space<vmem>> -> memref<1x128xi32, #tpu.memory_space<vmem>>
    %dma_wait3A_505 = tpu.memref_squeeze %dma_wait3A_504 : memref<1x128xi32, #tpu.memory_space<vmem>> -> memref<128xi32, #tpu.memory_space<vmem>>
    %dma_wait3A_506 = arith.constant 0 : i32
    %dma_wait3A_507 = arith.constant 0 : i32
    %dma_wait3A_508 = tpu.memref_slice %arg2[%dma_wait3A_506, %dma_wait3A_507] : memref<2600000x16xf32, #tpu.memory_space<hbm>> -> memref<2600000x16xf32, #tpu.memory_space<hbm>>
    tpu.wait_indirect_dma semaphore(%arg10 : memref<!tpu.dma_semaphore, #tpu.memory_space<semaphore_mem>>) src(%dma_wait3A_508 : memref<2600000x16xf32, #tpu.memory_space<hbm>>) dst(%dma_wait3A_502 : memref<128x16xf32, #tpu.memory_space<vmem>>)
    %dma_wait3A_509 = arith.constant 4 : i32
    %dma_wait3A_510 = arith.constant 512 : i32
    %dma_wait3A_511 = arith.constant 0 : i32
    %dma_wait3A_512 = tpu.memref_slice %arg8[%dma_wait3A_510, %dma_wait3A_511] : memref<3328x16xf32, #tpu.memory_space<vmem>> -> memref<128x16xf32, #tpu.memory_space<vmem>>
    %dma_wait3A_513 = arith.constant 0 : i32
    %dma_wait3A_514 = tpu.memref_slice %arg7[%dma_wait3A_509, %dma_wait3A_513] : memref<26x128xi32, #tpu.memory_space<vmem>> -> memref<1x128xi32, #tpu.memory_space<vmem>>
    %dma_wait3A_515 = tpu.memref_squeeze %dma_wait3A_514 : memref<1x128xi32, #tpu.memory_space<vmem>> -> memref<128xi32, #tpu.memory_space<vmem>>
    %dma_wait3A_516 = arith.constant 0 : i32
    %dma_wait3A_517 = arith.constant 0 : i32
    %dma_wait3A_518 = tpu.memref_slice %arg2[%dma_wait3A_516, %dma_wait3A_517] : memref<2600000x16xf32, #tpu.memory_space<hbm>> -> memref<2600000x16xf32, #tpu.memory_space<hbm>>
    tpu.wait_indirect_dma semaphore(%arg10 : memref<!tpu.dma_semaphore, #tpu.memory_space<semaphore_mem>>) src(%dma_wait3A_518 : memref<2600000x16xf32, #tpu.memory_space<hbm>>) dst(%dma_wait3A_512 : memref<128x16xf32, #tpu.memory_space<vmem>>)
    %dma_wait3A_519 = arith.constant 5 : i32
    %dma_wait3A_520 = arith.constant 640 : i32
    %dma_wait3A_521 = arith.constant 0 : i32
    %dma_wait3A_522 = tpu.memref_slice %arg8[%dma_wait3A_520, %dma_wait3A_521] : memref<3328x16xf32, #tpu.memory_space<vmem>> -> memref<128x16xf32, #tpu.memory_space<vmem>>
    %dma_wait3A_523 = arith.constant 0 : i32
    %dma_wait3A_524 = tpu.memref_slice %arg7[%dma_wait3A_519, %dma_wait3A_523] : memref<26x128xi32, #tpu.memory_space<vmem>> -> memref<1x128xi32, #tpu.memory_space<vmem>>
    %dma_wait3A_525 = tpu.memref_squeeze %dma_wait3A_524 : memref<1x128xi32, #tpu.memory_space<vmem>> -> memref<128xi32, #tpu.memory_space<vmem>>
    %dma_wait3A_526 = arith.constant 0 : i32
    %dma_wait3A_527 = arith.constant 0 : i32
    %dma_wait3A_528 = tpu.memref_slice %arg2[%dma_wait3A_526, %dma_wait3A_527] : memref<2600000x16xf32, #tpu.memory_space<hbm>> -> memref<2600000x16xf32, #tpu.memory_space<hbm>>
    tpu.wait_indirect_dma semaphore(%arg10 : memref<!tpu.dma_semaphore, #tpu.memory_space<semaphore_mem>>) src(%dma_wait3A_528 : memref<2600000x16xf32, #tpu.memory_space<hbm>>) dst(%dma_wait3A_522 : memref<128x16xf32, #tpu.memory_space<vmem>>)
    %dma_wait3A_529 = arith.constant 6 : i32
    %dma_wait3A_530 = arith.constant 768 : i32
    %dma_wait3A_531 = arith.constant 0 : i32
    %dma_wait3A_532 = tpu.memref_slice %arg8[%dma_wait3A_530, %dma_wait3A_531] : memref<3328x16xf32, #tpu.memory_space<vmem>> -> memref<128x16xf32, #tpu.memory_space<vmem>>
    %dma_wait3A_533 = arith.constant 0 : i32
    %dma_wait3A_534 = tpu.memref_slice %arg7[%dma_wait3A_529, %dma_wait3A_533] : memref<26x128xi32, #tpu.memory_space<vmem>> -> memref<1x128xi32, #tpu.memory_space<vmem>>
    %dma_wait3A_535 = tpu.memref_squeeze %dma_wait3A_534 : memref<1x128xi32, #tpu.memory_space<vmem>> -> memref<128xi32, #tpu.memory_space<vmem>>
    %dma_wait3A_536 = arith.constant 0 : i32
    %dma_wait3A_537 = arith.constant 0 : i32
    %dma_wait3A_538 = tpu.memref_slice %arg2[%dma_wait3A_536, %dma_wait3A_537] : memref<2600000x16xf32, #tpu.memory_space<hbm>> -> memref<2600000x16xf32, #tpu.memory_space<hbm>>
    tpu.wait_indirect_dma semaphore(%arg10 : memref<!tpu.dma_semaphore, #tpu.memory_space<semaphore_mem>>) src(%dma_wait3A_538 : memref<2600000x16xf32, #tpu.memory_space<hbm>>) dst(%dma_wait3A_532 : memref<128x16xf32, #tpu.memory_space<vmem>>)
    %dma_wait3A_539 = arith.constant 7 : i32
    %dma_wait3A_540 = arith.constant 896 : i32
    %dma_wait3A_541 = arith.constant 0 : i32
    %dma_wait3A_542 = tpu.memref_slice %arg8[%dma_wait3A_540, %dma_wait3A_541] : memref<3328x16xf32, #tpu.memory_space<vmem>> -> memref<128x16xf32, #tpu.memory_space<vmem>>
    %dma_wait3A_543 = arith.constant 0 : i32
    %dma_wait3A_544 = tpu.memref_slice %arg7[%dma_wait3A_539, %dma_wait3A_543] : memref<26x128xi32, #tpu.memory_space<vmem>> -> memref<1x128xi32, #tpu.memory_space<vmem>>
    %dma_wait3A_545 = tpu.memref_squeeze %dma_wait3A_544 : memref<1x128xi32, #tpu.memory_space<vmem>> -> memref<128xi32, #tpu.memory_space<vmem>>
    %dma_wait3A_546 = arith.constant 0 : i32
    %dma_wait3A_547 = arith.constant 0 : i32
    %dma_wait3A_548 = tpu.memref_slice %arg2[%dma_wait3A_546, %dma_wait3A_547] : memref<2600000x16xf32, #tpu.memory_space<hbm>> -> memref<2600000x16xf32, #tpu.memory_space<hbm>>
    tpu.wait_indirect_dma semaphore(%arg10 : memref<!tpu.dma_semaphore, #tpu.memory_space<semaphore_mem>>) src(%dma_wait3A_548 : memref<2600000x16xf32, #tpu.memory_space<hbm>>) dst(%dma_wait3A_542 : memref<128x16xf32, #tpu.memory_space<vmem>>)
    %dma_wait3A_549 = arith.constant 8 : i32
    %dma_wait3A_550 = arith.constant 1024 : i32
    %dma_wait3A_551 = arith.constant 0 : i32
    %dma_wait3A_552 = tpu.memref_slice %arg8[%dma_wait3A_550, %dma_wait3A_551] : memref<3328x16xf32, #tpu.memory_space<vmem>> -> memref<128x16xf32, #tpu.memory_space<vmem>>
    %dma_wait3A_553 = arith.constant 0 : i32
    %dma_wait3A_554 = tpu.memref_slice %arg7[%dma_wait3A_549, %dma_wait3A_553] : memref<26x128xi32, #tpu.memory_space<vmem>> -> memref<1x128xi32, #tpu.memory_space<vmem>>
    %dma_wait3A_555 = tpu.memref_squeeze %dma_wait3A_554 : memref<1x128xi32, #tpu.memory_space<vmem>> -> memref<128xi32, #tpu.memory_space<vmem>>
    %dma_wait3A_556 = arith.constant 0 : i32
    %dma_wait3A_557 = arith.constant 0 : i32
    %dma_wait3A_558 = tpu.memref_slice %arg2[%dma_wait3A_556, %dma_wait3A_557] : memref<2600000x16xf32, #tpu.memory_space<hbm>> -> memref<2600000x16xf32, #tpu.memory_space<hbm>>
    tpu.wait_indirect_dma semaphore(%arg10 : memref<!tpu.dma_semaphore, #tpu.memory_space<semaphore_mem>>) src(%dma_wait3A_558 : memref<2600000x16xf32, #tpu.memory_space<hbm>>) dst(%dma_wait3A_552 : memref<128x16xf32, #tpu.memory_space<vmem>>)
    %dma_wait3A_559 = arith.constant 9 : i32
    %dma_wait3A_560 = arith.constant 1152 : i32
    %dma_wait3A_561 = arith.constant 0 : i32
    %dma_wait3A_562 = tpu.memref_slice %arg8[%dma_wait3A_560, %dma_wait3A_561] : memref<3328x16xf32, #tpu.memory_space<vmem>> -> memref<128x16xf32, #tpu.memory_space<vmem>>
    %dma_wait3A_563 = arith.constant 0 : i32
    %dma_wait3A_564 = tpu.memref_slice %arg7[%dma_wait3A_559, %dma_wait3A_563] : memref<26x128xi32, #tpu.memory_space<vmem>> -> memref<1x128xi32, #tpu.memory_space<vmem>>
    %dma_wait3A_565 = tpu.memref_squeeze %dma_wait3A_564 : memref<1x128xi32, #tpu.memory_space<vmem>> -> memref<128xi32, #tpu.memory_space<vmem>>
    %dma_wait3A_566 = arith.constant 0 : i32
    %dma_wait3A_567 = arith.constant 0 : i32
    %dma_wait3A_568 = tpu.memref_slice %arg2[%dma_wait3A_566, %dma_wait3A_567] : memref<2600000x16xf32, #tpu.memory_space<hbm>> -> memref<2600000x16xf32, #tpu.memory_space<hbm>>
    tpu.wait_indirect_dma semaphore(%arg10 : memref<!tpu.dma_semaphore, #tpu.memory_space<semaphore_mem>>) src(%dma_wait3A_568 : memref<2600000x16xf32, #tpu.memory_space<hbm>>) dst(%dma_wait3A_562 : memref<128x16xf32, #tpu.memory_space<vmem>>)
    %dma_wait3A_569 = arith.constant 10 : i32
    %dma_wait3A_570 = arith.constant 1280 : i32
    %dma_wait3A_571 = arith.constant 0 : i32
    %dma_wait3A_572 = tpu.memref_slice %arg8[%dma_wait3A_570, %dma_wait3A_571] : memref<3328x16xf32, #tpu.memory_space<vmem>> -> memref<128x16xf32, #tpu.memory_space<vmem>>
    %dma_wait3A_573 = arith.constant 0 : i32
    %dma_wait3A_574 = tpu.memref_slice %arg7[%dma_wait3A_569, %dma_wait3A_573] : memref<26x128xi32, #tpu.memory_space<vmem>> -> memref<1x128xi32, #tpu.memory_space<vmem>>
    %dma_wait3A_575 = tpu.memref_squeeze %dma_wait3A_574 : memref<1x128xi32, #tpu.memory_space<vmem>> -> memref<128xi32, #tpu.memory_space<vmem>>
    %dma_wait3A_576 = arith.constant 0 : i32
    %dma_wait3A_577 = arith.constant 0 : i32
    %dma_wait3A_578 = tpu.memref_slice %arg2[%dma_wait3A_576, %dma_wait3A_577] : memref<2600000x16xf32, #tpu.memory_space<hbm>> -> memref<2600000x16xf32, #tpu.memory_space<hbm>>
    tpu.wait_indirect_dma semaphore(%arg10 : memref<!tpu.dma_semaphore, #tpu.memory_space<semaphore_mem>>) src(%dma_wait3A_578 : memref<2600000x16xf32, #tpu.memory_space<hbm>>) dst(%dma_wait3A_572 : memref<128x16xf32, #tpu.memory_space<vmem>>)
    %dma_wait3A_579 = arith.constant 11 : i32
    %dma_wait3A_580 = arith.constant 1408 : i32
    %dma_wait3A_581 = arith.constant 0 : i32
    %dma_wait3A_582 = tpu.memref_slice %arg8[%dma_wait3A_580, %dma_wait3A_581] : memref<3328x16xf32, #tpu.memory_space<vmem>> -> memref<128x16xf32, #tpu.memory_space<vmem>>
    %dma_wait3A_583 = arith.constant 0 : i32
    %dma_wait3A_584 = tpu.memref_slice %arg7[%dma_wait3A_579, %dma_wait3A_583] : memref<26x128xi32, #tpu.memory_space<vmem>> -> memref<1x128xi32, #tpu.memory_space<vmem>>
    %dma_wait3A_585 = tpu.memref_squeeze %dma_wait3A_584 : memref<1x128xi32, #tpu.memory_space<vmem>> -> memref<128xi32, #tpu.memory_space<vmem>>
    %dma_wait3A_586 = arith.constant 0 : i32
    %dma_wait3A_587 = arith.constant 0 : i32
    %dma_wait3A_588 = tpu.memref_slice %arg2[%dma_wait3A_586, %dma_wait3A_587] : memref<2600000x16xf32, #tpu.memory_space<hbm>> -> memref<2600000x16xf32, #tpu.memory_space<hbm>>
    tpu.wait_indirect_dma semaphore(%arg10 : memref<!tpu.dma_semaphore, #tpu.memory_space<semaphore_mem>>) src(%dma_wait3A_588 : memref<2600000x16xf32, #tpu.memory_space<hbm>>) dst(%dma_wait3A_582 : memref<128x16xf32, #tpu.memory_space<vmem>>)
    %dma_wait3A_589 = arith.constant 12 : i32
    %dma_wait3A_590 = arith.constant 1536 : i32
    %dma_wait3A_591 = arith.constant 0 : i32
    %dma_wait3A_592 = tpu.memref_slice %arg8[%dma_wait3A_590, %dma_wait3A_591] : memref<3328x16xf32, #tpu.memory_space<vmem>> -> memref<128x16xf32, #tpu.memory_space<vmem>>
    %dma_wait3A_593 = arith.constant 0 : i32
    %dma_wait3A_594 = tpu.memref_slice %arg7[%dma_wait3A_589, %dma_wait3A_593] : memref<26x128xi32, #tpu.memory_space<vmem>> -> memref<1x128xi32, #tpu.memory_space<vmem>>
    %dma_wait3A_595 = tpu.memref_squeeze %dma_wait3A_594 : memref<1x128xi32, #tpu.memory_space<vmem>> -> memref<128xi32, #tpu.memory_space<vmem>>
    %dma_wait3A_596 = arith.constant 0 : i32
    %dma_wait3A_597 = arith.constant 0 : i32
    %dma_wait3A_598 = tpu.memref_slice %arg2[%dma_wait3A_596, %dma_wait3A_597] : memref<2600000x16xf32, #tpu.memory_space<hbm>> -> memref<2600000x16xf32, #tpu.memory_space<hbm>>
    tpu.wait_indirect_dma semaphore(%arg10 : memref<!tpu.dma_semaphore, #tpu.memory_space<semaphore_mem>>) src(%dma_wait3A_598 : memref<2600000x16xf32, #tpu.memory_space<hbm>>) dst(%dma_wait3A_592 : memref<128x16xf32, #tpu.memory_space<vmem>>)
    %dma_wait3A_599 = arith.constant 13 : i32
    %dma_wait3A_600 = arith.constant 1664 : i32
    %dma_wait3A_601 = arith.constant 0 : i32
    %dma_wait3A_602 = tpu.memref_slice %arg8[%dma_wait3A_600, %dma_wait3A_601] : memref<3328x16xf32, #tpu.memory_space<vmem>> -> memref<128x16xf32, #tpu.memory_space<vmem>>
    %dma_wait3A_603 = arith.constant 0 : i32
    %dma_wait3A_604 = tpu.memref_slice %arg7[%dma_wait3A_599, %dma_wait3A_603] : memref<26x128xi32, #tpu.memory_space<vmem>> -> memref<1x128xi32, #tpu.memory_space<vmem>>
    %dma_wait3A_605 = tpu.memref_squeeze %dma_wait3A_604 : memref<1x128xi32, #tpu.memory_space<vmem>> -> memref<128xi32, #tpu.memory_space<vmem>>
    %dma_wait3A_606 = arith.constant 0 : i32
    %dma_wait3A_607 = arith.constant 0 : i32
    %dma_wait3A_608 = tpu.memref_slice %arg2[%dma_wait3A_606, %dma_wait3A_607] : memref<2600000x16xf32, #tpu.memory_space<hbm>> -> memref<2600000x16xf32, #tpu.memory_space<hbm>>
    tpu.wait_indirect_dma semaphore(%arg10 : memref<!tpu.dma_semaphore, #tpu.memory_space<semaphore_mem>>) src(%dma_wait3A_608 : memref<2600000x16xf32, #tpu.memory_space<hbm>>) dst(%dma_wait3A_602 : memref<128x16xf32, #tpu.memory_space<vmem>>)
    %dma_wait3A_609 = arith.constant 14 : i32
    %dma_wait3A_610 = arith.constant 1792 : i32
    %dma_wait3A_611 = arith.constant 0 : i32
    %dma_wait3A_612 = tpu.memref_slice %arg8[%dma_wait3A_610, %dma_wait3A_611] : memref<3328x16xf32, #tpu.memory_space<vmem>> -> memref<128x16xf32, #tpu.memory_space<vmem>>
    %dma_wait3A_613 = arith.constant 0 : i32
    %dma_wait3A_614 = tpu.memref_slice %arg7[%dma_wait3A_609, %dma_wait3A_613] : memref<26x128xi32, #tpu.memory_space<vmem>> -> memref<1x128xi32, #tpu.memory_space<vmem>>
    %dma_wait3A_615 = tpu.memref_squeeze %dma_wait3A_614 : memref<1x128xi32, #tpu.memory_space<vmem>> -> memref<128xi32, #tpu.memory_space<vmem>>
    %dma_wait3A_616 = arith.constant 0 : i32
    %dma_wait3A_617 = arith.constant 0 : i32
    %dma_wait3A_618 = tpu.memref_slice %arg2[%dma_wait3A_616, %dma_wait3A_617] : memref<2600000x16xf32, #tpu.memory_space<hbm>> -> memref<2600000x16xf32, #tpu.memory_space<hbm>>
    tpu.wait_indirect_dma semaphore(%arg10 : memref<!tpu.dma_semaphore, #tpu.memory_space<semaphore_mem>>) src(%dma_wait3A_618 : memref<2600000x16xf32, #tpu.memory_space<hbm>>) dst(%dma_wait3A_612 : memref<128x16xf32, #tpu.memory_space<vmem>>)
    %dma_wait3A_619 = arith.constant 15 : i32
    %dma_wait3A_620 = arith.constant 1920 : i32
    %dma_wait3A_621 = arith.constant 0 : i32
    %dma_wait3A_622 = tpu.memref_slice %arg8[%dma_wait3A_620, %dma_wait3A_621] : memref<3328x16xf32, #tpu.memory_space<vmem>> -> memref<128x16xf32, #tpu.memory_space<vmem>>
    %dma_wait3A_623 = arith.constant 0 : i32
    %dma_wait3A_624 = tpu.memref_slice %arg7[%dma_wait3A_619, %dma_wait3A_623] : memref<26x128xi32, #tpu.memory_space<vmem>> -> memref<1x128xi32, #tpu.memory_space<vmem>>
    %dma_wait3A_625 = tpu.memref_squeeze %dma_wait3A_624 : memref<1x128xi32, #tpu.memory_space<vmem>> -> memref<128xi32, #tpu.memory_space<vmem>>
    %dma_wait3A_626 = arith.constant 0 : i32
    %dma_wait3A_627 = arith.constant 0 : i32
    %dma_wait3A_628 = tpu.memref_slice %arg2[%dma_wait3A_626, %dma_wait3A_627] : memref<2600000x16xf32, #tpu.memory_space<hbm>> -> memref<2600000x16xf32, #tpu.memory_space<hbm>>
    tpu.wait_indirect_dma semaphore(%arg10 : memref<!tpu.dma_semaphore, #tpu.memory_space<semaphore_mem>>) src(%dma_wait3A_628 : memref<2600000x16xf32, #tpu.memory_space<hbm>>) dst(%dma_wait3A_622 : memref<128x16xf32, #tpu.memory_space<vmem>>)
    %dma_wait3A_629 = arith.constant 16 : i32
    %dma_wait3A_630 = arith.constant 2048 : i32
    %dma_wait3A_631 = arith.constant 0 : i32
    %dma_wait3A_632 = tpu.memref_slice %arg8[%dma_wait3A_630, %dma_wait3A_631] : memref<3328x16xf32, #tpu.memory_space<vmem>> -> memref<128x16xf32, #tpu.memory_space<vmem>>
    %dma_wait3A_633 = arith.constant 0 : i32
    %dma_wait3A_634 = tpu.memref_slice %arg7[%dma_wait3A_629, %dma_wait3A_633] : memref<26x128xi32, #tpu.memory_space<vmem>> -> memref<1x128xi32, #tpu.memory_space<vmem>>
    %dma_wait3A_635 = tpu.memref_squeeze %dma_wait3A_634 : memref<1x128xi32, #tpu.memory_space<vmem>> -> memref<128xi32, #tpu.memory_space<vmem>>
    %dma_wait3A_636 = arith.constant 0 : i32
    %dma_wait3A_637 = arith.constant 0 : i32
    %dma_wait3A_638 = tpu.memref_slice %arg2[%dma_wait3A_636, %dma_wait3A_637] : memref<2600000x16xf32, #tpu.memory_space<hbm>> -> memref<2600000x16xf32, #tpu.memory_space<hbm>>
    tpu.wait_indirect_dma semaphore(%arg10 : memref<!tpu.dma_semaphore, #tpu.memory_space<semaphore_mem>>) src(%dma_wait3A_638 : memref<2600000x16xf32, #tpu.memory_space<hbm>>) dst(%dma_wait3A_632 : memref<128x16xf32, #tpu.memory_space<vmem>>)
    %dma_wait3A_639 = arith.constant 17 : i32
    %dma_wait3A_640 = arith.constant 2176 : i32
    %dma_wait3A_641 = arith.constant 0 : i32
    %dma_wait3A_642 = tpu.memref_slice %arg8[%dma_wait3A_640, %dma_wait3A_641] : memref<3328x16xf32, #tpu.memory_space<vmem>> -> memref<128x16xf32, #tpu.memory_space<vmem>>
    %dma_wait3A_643 = arith.constant 0 : i32
    %dma_wait3A_644 = tpu.memref_slice %arg7[%dma_wait3A_639, %dma_wait3A_643] : memref<26x128xi32, #tpu.memory_space<vmem>> -> memref<1x128xi32, #tpu.memory_space<vmem>>
    %dma_wait3A_645 = tpu.memref_squeeze %dma_wait3A_644 : memref<1x128xi32, #tpu.memory_space<vmem>> -> memref<128xi32, #tpu.memory_space<vmem>>
    %dma_wait3A_646 = arith.constant 0 : i32
    %dma_wait3A_647 = arith.constant 0 : i32
    %dma_wait3A_648 = tpu.memref_slice %arg2[%dma_wait3A_646, %dma_wait3A_647] : memref<2600000x16xf32, #tpu.memory_space<hbm>> -> memref<2600000x16xf32, #tpu.memory_space<hbm>>
    tpu.wait_indirect_dma semaphore(%arg10 : memref<!tpu.dma_semaphore, #tpu.memory_space<semaphore_mem>>) src(%dma_wait3A_648 : memref<2600000x16xf32, #tpu.memory_space<hbm>>) dst(%dma_wait3A_642 : memref<128x16xf32, #tpu.memory_space<vmem>>)
    %dma_wait3A_649 = arith.constant 18 : i32
    %dma_wait3A_650 = arith.constant 2304 : i32
    %dma_wait3A_651 = arith.constant 0 : i32
    %dma_wait3A_652 = tpu.memref_slice %arg8[%dma_wait3A_650, %dma_wait3A_651] : memref<3328x16xf32, #tpu.memory_space<vmem>> -> memref<128x16xf32, #tpu.memory_space<vmem>>
    %dma_wait3A_653 = arith.constant 0 : i32
    %dma_wait3A_654 = tpu.memref_slice %arg7[%dma_wait3A_649, %dma_wait3A_653] : memref<26x128xi32, #tpu.memory_space<vmem>> -> memref<1x128xi32, #tpu.memory_space<vmem>>
    %dma_wait3A_655 = tpu.memref_squeeze %dma_wait3A_654 : memref<1x128xi32, #tpu.memory_space<vmem>> -> memref<128xi32, #tpu.memory_space<vmem>>
    %dma_wait3A_656 = arith.constant 0 : i32
    %dma_wait3A_657 = arith.constant 0 : i32
    %dma_wait3A_658 = tpu.memref_slice %arg2[%dma_wait3A_656, %dma_wait3A_657] : memref<2600000x16xf32, #tpu.memory_space<hbm>> -> memref<2600000x16xf32, #tpu.memory_space<hbm>>
    tpu.wait_indirect_dma semaphore(%arg10 : memref<!tpu.dma_semaphore, #tpu.memory_space<semaphore_mem>>) src(%dma_wait3A_658 : memref<2600000x16xf32, #tpu.memory_space<hbm>>) dst(%dma_wait3A_652 : memref<128x16xf32, #tpu.memory_space<vmem>>)
    %dma_wait3A_659 = arith.constant 19 : i32
    %dma_wait3A_660 = arith.constant 2432 : i32
    %dma_wait3A_661 = arith.constant 0 : i32
    %dma_wait3A_662 = tpu.memref_slice %arg8[%dma_wait3A_660, %dma_wait3A_661] : memref<3328x16xf32, #tpu.memory_space<vmem>> -> memref<128x16xf32, #tpu.memory_space<vmem>>
    %dma_wait3A_663 = arith.constant 0 : i32
    %dma_wait3A_664 = tpu.memref_slice %arg7[%dma_wait3A_659, %dma_wait3A_663] : memref<26x128xi32, #tpu.memory_space<vmem>> -> memref<1x128xi32, #tpu.memory_space<vmem>>
    %dma_wait3A_665 = tpu.memref_squeeze %dma_wait3A_664 : memref<1x128xi32, #tpu.memory_space<vmem>> -> memref<128xi32, #tpu.memory_space<vmem>>
    %dma_wait3A_666 = arith.constant 0 : i32
    %dma_wait3A_667 = arith.constant 0 : i32
    %dma_wait3A_668 = tpu.memref_slice %arg2[%dma_wait3A_666, %dma_wait3A_667] : memref<2600000x16xf32, #tpu.memory_space<hbm>> -> memref<2600000x16xf32, #tpu.memory_space<hbm>>
    tpu.wait_indirect_dma semaphore(%arg10 : memref<!tpu.dma_semaphore, #tpu.memory_space<semaphore_mem>>) src(%dma_wait3A_668 : memref<2600000x16xf32, #tpu.memory_space<hbm>>) dst(%dma_wait3A_662 : memref<128x16xf32, #tpu.memory_space<vmem>>)
    %dma_wait3A_669 = arith.constant 20 : i32
    %dma_wait3A_670 = arith.constant 2560 : i32
    %dma_wait3A_671 = arith.constant 0 : i32
    %dma_wait3A_672 = tpu.memref_slice %arg8[%dma_wait3A_670, %dma_wait3A_671] : memref<3328x16xf32, #tpu.memory_space<vmem>> -> memref<128x16xf32, #tpu.memory_space<vmem>>
    %dma_wait3A_673 = arith.constant 0 : i32
    %dma_wait3A_674 = tpu.memref_slice %arg7[%dma_wait3A_669, %dma_wait3A_673] : memref<26x128xi32, #tpu.memory_space<vmem>> -> memref<1x128xi32, #tpu.memory_space<vmem>>
    %dma_wait3A_675 = tpu.memref_squeeze %dma_wait3A_674 : memref<1x128xi32, #tpu.memory_space<vmem>> -> memref<128xi32, #tpu.memory_space<vmem>>
    %dma_wait3A_676 = arith.constant 0 : i32
    %dma_wait3A_677 = arith.constant 0 : i32
    %dma_wait3A_678 = tpu.memref_slice %arg2[%dma_wait3A_676, %dma_wait3A_677] : memref<2600000x16xf32, #tpu.memory_space<hbm>> -> memref<2600000x16xf32, #tpu.memory_space<hbm>>
    tpu.wait_indirect_dma semaphore(%arg10 : memref<!tpu.dma_semaphore, #tpu.memory_space<semaphore_mem>>) src(%dma_wait3A_678 : memref<2600000x16xf32, #tpu.memory_space<hbm>>) dst(%dma_wait3A_672 : memref<128x16xf32, #tpu.memory_space<vmem>>)
    %dma_wait3A_679 = arith.constant 21 : i32
    %dma_wait3A_680 = arith.constant 2688 : i32
    %dma_wait3A_681 = arith.constant 0 : i32
    %dma_wait3A_682 = tpu.memref_slice %arg8[%dma_wait3A_680, %dma_wait3A_681] : memref<3328x16xf32, #tpu.memory_space<vmem>> -> memref<128x16xf32, #tpu.memory_space<vmem>>
    %dma_wait3A_683 = arith.constant 0 : i32
    %dma_wait3A_684 = tpu.memref_slice %arg7[%dma_wait3A_679, %dma_wait3A_683] : memref<26x128xi32, #tpu.memory_space<vmem>> -> memref<1x128xi32, #tpu.memory_space<vmem>>
    %dma_wait3A_685 = tpu.memref_squeeze %dma_wait3A_684 : memref<1x128xi32, #tpu.memory_space<vmem>> -> memref<128xi32, #tpu.memory_space<vmem>>
    %dma_wait3A_686 = arith.constant 0 : i32
    %dma_wait3A_687 = arith.constant 0 : i32
    %dma_wait3A_688 = tpu.memref_slice %arg2[%dma_wait3A_686, %dma_wait3A_687] : memref<2600000x16xf32, #tpu.memory_space<hbm>> -> memref<2600000x16xf32, #tpu.memory_space<hbm>>
    tpu.wait_indirect_dma semaphore(%arg10 : memref<!tpu.dma_semaphore, #tpu.memory_space<semaphore_mem>>) src(%dma_wait3A_688 : memref<2600000x16xf32, #tpu.memory_space<hbm>>) dst(%dma_wait3A_682 : memref<128x16xf32, #tpu.memory_space<vmem>>)
    %dma_wait3A_689 = arith.constant 22 : i32
    %dma_wait3A_690 = arith.constant 2816 : i32
    %dma_wait3A_691 = arith.constant 0 : i32
    %dma_wait3A_692 = tpu.memref_slice %arg8[%dma_wait3A_690, %dma_wait3A_691] : memref<3328x16xf32, #tpu.memory_space<vmem>> -> memref<128x16xf32, #tpu.memory_space<vmem>>
    %dma_wait3A_693 = arith.constant 0 : i32
    %dma_wait3A_694 = tpu.memref_slice %arg7[%dma_wait3A_689, %dma_wait3A_693] : memref<26x128xi32, #tpu.memory_space<vmem>> -> memref<1x128xi32, #tpu.memory_space<vmem>>
    %dma_wait3A_695 = tpu.memref_squeeze %dma_wait3A_694 : memref<1x128xi32, #tpu.memory_space<vmem>> -> memref<128xi32, #tpu.memory_space<vmem>>
    %dma_wait3A_696 = arith.constant 0 : i32
    %dma_wait3A_697 = arith.constant 0 : i32
    %dma_wait3A_698 = tpu.memref_slice %arg2[%dma_wait3A_696, %dma_wait3A_697] : memref<2600000x16xf32, #tpu.memory_space<hbm>> -> memref<2600000x16xf32, #tpu.memory_space<hbm>>
    tpu.wait_indirect_dma semaphore(%arg10 : memref<!tpu.dma_semaphore, #tpu.memory_space<semaphore_mem>>) src(%dma_wait3A_698 : memref<2600000x16xf32, #tpu.memory_space<hbm>>) dst(%dma_wait3A_692 : memref<128x16xf32, #tpu.memory_space<vmem>>)
    %dma_wait3A_699 = arith.constant 23 : i32
    %dma_wait3A_700 = arith.constant 2944 : i32
    %dma_wait3A_701 = arith.constant 0 : i32
    %dma_wait3A_702 = tpu.memref_slice %arg8[%dma_wait3A_700, %dma_wait3A_701] : memref<3328x16xf32, #tpu.memory_space<vmem>> -> memref<128x16xf32, #tpu.memory_space<vmem>>
    %dma_wait3A_703 = arith.constant 0 : i32
    %dma_wait3A_704 = tpu.memref_slice %arg7[%dma_wait3A_699, %dma_wait3A_703] : memref<26x128xi32, #tpu.memory_space<vmem>> -> memref<1x128xi32, #tpu.memory_space<vmem>>
    %dma_wait3A_705 = tpu.memref_squeeze %dma_wait3A_704 : memref<1x128xi32, #tpu.memory_space<vmem>> -> memref<128xi32, #tpu.memory_space<vmem>>
    %dma_wait3A_706 = arith.constant 0 : i32
    %dma_wait3A_707 = arith.constant 0 : i32
    %dma_wait3A_708 = tpu.memref_slice %arg2[%dma_wait3A_706, %dma_wait3A_707] : memref<2600000x16xf32, #tpu.memory_space<hbm>> -> memref<2600000x16xf32, #tpu.memory_space<hbm>>
    tpu.wait_indirect_dma semaphore(%arg10 : memref<!tpu.dma_semaphore, #tpu.memory_space<semaphore_mem>>) src(%dma_wait3A_708 : memref<2600000x16xf32, #tpu.memory_space<hbm>>) dst(%dma_wait3A_702 : memref<128x16xf32, #tpu.memory_space<vmem>>)
    %dma_wait3A_709 = arith.constant 24 : i32
    %dma_wait3A_710 = arith.constant 3072 : i32
    %dma_wait3A_711 = arith.constant 0 : i32
    %dma_wait3A_712 = tpu.memref_slice %arg8[%dma_wait3A_710, %dma_wait3A_711] : memref<3328x16xf32, #tpu.memory_space<vmem>> -> memref<128x16xf32, #tpu.memory_space<vmem>>
    %dma_wait3A_713 = arith.constant 0 : i32
    %dma_wait3A_714 = tpu.memref_slice %arg7[%dma_wait3A_709, %dma_wait3A_713] : memref<26x128xi32, #tpu.memory_space<vmem>> -> memref<1x128xi32, #tpu.memory_space<vmem>>
    %dma_wait3A_715 = tpu.memref_squeeze %dma_wait3A_714 : memref<1x128xi32, #tpu.memory_space<vmem>> -> memref<128xi32, #tpu.memory_space<vmem>>
    %dma_wait3A_716 = arith.constant 0 : i32
    %dma_wait3A_717 = arith.constant 0 : i32
    %dma_wait3A_718 = tpu.memref_slice %arg2[%dma_wait3A_716, %dma_wait3A_717] : memref<2600000x16xf32, #tpu.memory_space<hbm>> -> memref<2600000x16xf32, #tpu.memory_space<hbm>>
    tpu.wait_indirect_dma semaphore(%arg10 : memref<!tpu.dma_semaphore, #tpu.memory_space<semaphore_mem>>) src(%dma_wait3A_718 : memref<2600000x16xf32, #tpu.memory_space<hbm>>) dst(%dma_wait3A_712 : memref<128x16xf32, #tpu.memory_space<vmem>>)
    %dma_wait3A_719 = arith.constant 25 : i32
    %dma_wait3A_720 = arith.constant 3200 : i32
    %dma_wait3A_721 = arith.constant 0 : i32
    %dma_wait3A_722 = tpu.memref_slice %arg8[%dma_wait3A_720, %dma_wait3A_721] : memref<3328x16xf32, #tpu.memory_space<vmem>> -> memref<128x16xf32, #tpu.memory_space<vmem>>
    %dma_wait3A_723 = arith.constant 0 : i32
    %dma_wait3A_724 = tpu.memref_slice %arg7[%dma_wait3A_719, %dma_wait3A_723] : memref<26x128xi32, #tpu.memory_space<vmem>> -> memref<1x128xi32, #tpu.memory_space<vmem>>
    %dma_wait3A_725 = tpu.memref_squeeze %dma_wait3A_724 : memref<1x128xi32, #tpu.memory_space<vmem>> -> memref<128xi32, #tpu.memory_space<vmem>>
    %dma_wait3A_726 = arith.constant 0 : i32
    %dma_wait3A_727 = arith.constant 0 : i32
    %dma_wait3A_728 = tpu.memref_slice %arg2[%dma_wait3A_726, %dma_wait3A_727] : memref<2600000x16xf32, #tpu.memory_space<hbm>> -> memref<2600000x16xf32, #tpu.memory_space<hbm>>
    tpu.wait_indirect_dma semaphore(%arg10 : memref<!tpu.dma_semaphore, #tpu.memory_space<semaphore_mem>>) src(%dma_wait3A_728 : memref<2600000x16xf32, #tpu.memory_space<hbm>>) dst(%dma_wait3A_722 : memref<128x16xf32, #tpu.memory_space<vmem>>)
    %dma_wait3A_729 = arith.constant 0 : i32
    %dma_wait3A_730 = arith.constant 0 : i32
    %dma_wait3A_731 = tpu.memref_slice %arg9[%dma_wait3A_730] : memref<3328xf32, #tpu.memory_space<vmem>> -> memref<128xf32, #tpu.memory_space<vmem>>
    %dma_wait3A_732 = arith.constant 0 : i32
    %dma_wait3A_733 = tpu.memref_slice %arg7[%dma_wait3A_729, %dma_wait3A_732] : memref<26x128xi32, #tpu.memory_space<vmem>> -> memref<1x128xi32, #tpu.memory_space<vmem>>
    %dma_wait3A_734 = tpu.memref_squeeze %dma_wait3A_733 : memref<1x128xi32, #tpu.memory_space<vmem>> -> memref<128xi32, #tpu.memory_space<vmem>>
    %dma_wait3A_735 = arith.constant 0 : i32
    %dma_wait3A_736 = tpu.memref_slice %arg3[%dma_wait3A_735] : memref<2600000xf32, #tpu.memory_space<hbm>> -> memref<2600000xf32, #tpu.memory_space<hbm>>
    tpu.wait_indirect_dma semaphore(%arg11 : memref<!tpu.dma_semaphore, #tpu.memory_space<semaphore_mem>>) src(%dma_wait3A_736 : memref<2600000xf32, #tpu.memory_space<hbm>>) dst(%dma_wait3A_731 : memref<128xf32, #tpu.memory_space<vmem>>)
    %dma_wait3A_737 = arith.constant 1 : i32
    %dma_wait3A_738 = arith.constant 128 : i32
    %dma_wait3A_739 = tpu.memref_slice %arg9[%dma_wait3A_738] : memref<3328xf32, #tpu.memory_space<vmem>> -> memref<128xf32, #tpu.memory_space<vmem>>
    %dma_wait3A_740 = arith.constant 0 : i32
    %dma_wait3A_741 = tpu.memref_slice %arg7[%dma_wait3A_737, %dma_wait3A_740] : memref<26x128xi32, #tpu.memory_space<vmem>> -> memref<1x128xi32, #tpu.memory_space<vmem>>
    %dma_wait3A_742 = tpu.memref_squeeze %dma_wait3A_741 : memref<1x128xi32, #tpu.memory_space<vmem>> -> memref<128xi32, #tpu.memory_space<vmem>>
    %dma_wait3A_743 = arith.constant 0 : i32
    %dma_wait3A_744 = tpu.memref_slice %arg3[%dma_wait3A_743] : memref<2600000xf32, #tpu.memory_space<hbm>> -> memref<2600000xf32, #tpu.memory_space<hbm>>
    tpu.wait_indirect_dma semaphore(%arg11 : memref<!tpu.dma_semaphore, #tpu.memory_space<semaphore_mem>>) src(%dma_wait3A_744 : memref<2600000xf32, #tpu.memory_space<hbm>>) dst(%dma_wait3A_739 : memref<128xf32, #tpu.memory_space<vmem>>)
    %dma_wait3A_745 = arith.constant 2 : i32
    %dma_wait3A_746 = arith.constant 256 : i32
    %dma_wait3A_747 = tpu.memref_slice %arg9[%dma_wait3A_746] : memref<3328xf32, #tpu.memory_space<vmem>> -> memref<128xf32, #tpu.memory_space<vmem>>
    %dma_wait3A_748 = arith.constant 0 : i32
    %dma_wait3A_749 = tpu.memref_slice %arg7[%dma_wait3A_745, %dma_wait3A_748] : memref<26x128xi32, #tpu.memory_space<vmem>> -> memref<1x128xi32, #tpu.memory_space<vmem>>
    %dma_wait3A_750 = tpu.memref_squeeze %dma_wait3A_749 : memref<1x128xi32, #tpu.memory_space<vmem>> -> memref<128xi32, #tpu.memory_space<vmem>>
    %dma_wait3A_751 = arith.constant 0 : i32
    %dma_wait3A_752 = tpu.memref_slice %arg3[%dma_wait3A_751] : memref<2600000xf32, #tpu.memory_space<hbm>> -> memref<2600000xf32, #tpu.memory_space<hbm>>
    tpu.wait_indirect_dma semaphore(%arg11 : memref<!tpu.dma_semaphore, #tpu.memory_space<semaphore_mem>>) src(%dma_wait3A_752 : memref<2600000xf32, #tpu.memory_space<hbm>>) dst(%dma_wait3A_747 : memref<128xf32, #tpu.memory_space<vmem>>)
    %dma_wait3A_753 = arith.constant 3 : i32
    %dma_wait3A_754 = arith.constant 384 : i32
    %dma_wait3A_755 = tpu.memref_slice %arg9[%dma_wait3A_754] : memref<3328xf32, #tpu.memory_space<vmem>> -> memref<128xf32, #tpu.memory_space<vmem>>
    %dma_wait3A_756 = arith.constant 0 : i32
    %dma_wait3A_757 = tpu.memref_slice %arg7[%dma_wait3A_753, %dma_wait3A_756] : memref<26x128xi32, #tpu.memory_space<vmem>> -> memref<1x128xi32, #tpu.memory_space<vmem>>
    %dma_wait3A_758 = tpu.memref_squeeze %dma_wait3A_757 : memref<1x128xi32, #tpu.memory_space<vmem>> -> memref<128xi32, #tpu.memory_space<vmem>>
    %dma_wait3A_759 = arith.constant 0 : i32
    %dma_wait3A_760 = tpu.memref_slice %arg3[%dma_wait3A_759] : memref<2600000xf32, #tpu.memory_space<hbm>> -> memref<2600000xf32, #tpu.memory_space<hbm>>
    tpu.wait_indirect_dma semaphore(%arg11 : memref<!tpu.dma_semaphore, #tpu.memory_space<semaphore_mem>>) src(%dma_wait3A_760 : memref<2600000xf32, #tpu.memory_space<hbm>>) dst(%dma_wait3A_755 : memref<128xf32, #tpu.memory_space<vmem>>)
    %dma_wait3A_761 = arith.constant 4 : i32
    %dma_wait3A_762 = arith.constant 512 : i32
    %dma_wait3A_763 = tpu.memref_slice %arg9[%dma_wait3A_762] : memref<3328xf32, #tpu.memory_space<vmem>> -> memref<128xf32, #tpu.memory_space<vmem>>
    %dma_wait3A_764 = arith.constant 0 : i32
    %dma_wait3A_765 = tpu.memref_slice %arg7[%dma_wait3A_761, %dma_wait3A_764] : memref<26x128xi32, #tpu.memory_space<vmem>> -> memref<1x128xi32, #tpu.memory_space<vmem>>
    %dma_wait3A_766 = tpu.memref_squeeze %dma_wait3A_765 : memref<1x128xi32, #tpu.memory_space<vmem>> -> memref<128xi32, #tpu.memory_space<vmem>>
    %dma_wait3A_767 = arith.constant 0 : i32
    %dma_wait3A_768 = tpu.memref_slice %arg3[%dma_wait3A_767] : memref<2600000xf32, #tpu.memory_space<hbm>> -> memref<2600000xf32, #tpu.memory_space<hbm>>
    tpu.wait_indirect_dma semaphore(%arg11 : memref<!tpu.dma_semaphore, #tpu.memory_space<semaphore_mem>>) src(%dma_wait3A_768 : memref<2600000xf32, #tpu.memory_space<hbm>>) dst(%dma_wait3A_763 : memref<128xf32, #tpu.memory_space<vmem>>)
    %dma_wait3A_769 = arith.constant 5 : i32
    %dma_wait3A_770 = arith.constant 640 : i32
    %dma_wait3A_771 = tpu.memref_slice %arg9[%dma_wait3A_770] : memref<3328xf32, #tpu.memory_space<vmem>> -> memref<128xf32, #tpu.memory_space<vmem>>
    %dma_wait3A_772 = arith.constant 0 : i32
    %dma_wait3A_773 = tpu.memref_slice %arg7[%dma_wait3A_769, %dma_wait3A_772] : memref<26x128xi32, #tpu.memory_space<vmem>> -> memref<1x128xi32, #tpu.memory_space<vmem>>
    %dma_wait3A_774 = tpu.memref_squeeze %dma_wait3A_773 : memref<1x128xi32, #tpu.memory_space<vmem>> -> memref<128xi32, #tpu.memory_space<vmem>>
    %dma_wait3A_775 = arith.constant 0 : i32
    %dma_wait3A_776 = tpu.memref_slice %arg3[%dma_wait3A_775] : memref<2600000xf32, #tpu.memory_space<hbm>> -> memref<2600000xf32, #tpu.memory_space<hbm>>
    tpu.wait_indirect_dma semaphore(%arg11 : memref<!tpu.dma_semaphore, #tpu.memory_space<semaphore_mem>>) src(%dma_wait3A_776 : memref<2600000xf32, #tpu.memory_space<hbm>>) dst(%dma_wait3A_771 : memref<128xf32, #tpu.memory_space<vmem>>)
    %dma_wait3A_777 = arith.constant 6 : i32
    %dma_wait3A_778 = arith.constant 768 : i32
    %dma_wait3A_779 = tpu.memref_slice %arg9[%dma_wait3A_778] : memref<3328xf32, #tpu.memory_space<vmem>> -> memref<128xf32, #tpu.memory_space<vmem>>
    %dma_wait3A_780 = arith.constant 0 : i32
    %dma_wait3A_781 = tpu.memref_slice %arg7[%dma_wait3A_777, %dma_wait3A_780] : memref<26x128xi32, #tpu.memory_space<vmem>> -> memref<1x128xi32, #tpu.memory_space<vmem>>
    %dma_wait3A_782 = tpu.memref_squeeze %dma_wait3A_781 : memref<1x128xi32, #tpu.memory_space<vmem>> -> memref<128xi32, #tpu.memory_space<vmem>>
    %dma_wait3A_783 = arith.constant 0 : i32
    %dma_wait3A_784 = tpu.memref_slice %arg3[%dma_wait3A_783] : memref<2600000xf32, #tpu.memory_space<hbm>> -> memref<2600000xf32, #tpu.memory_space<hbm>>
    tpu.wait_indirect_dma semaphore(%arg11 : memref<!tpu.dma_semaphore, #tpu.memory_space<semaphore_mem>>) src(%dma_wait3A_784 : memref<2600000xf32, #tpu.memory_space<hbm>>) dst(%dma_wait3A_779 : memref<128xf32, #tpu.memory_space<vmem>>)
    %dma_wait3A_785 = arith.constant 7 : i32
    %dma_wait3A_786 = arith.constant 896 : i32
    %dma_wait3A_787 = tpu.memref_slice %arg9[%dma_wait3A_786] : memref<3328xf32, #tpu.memory_space<vmem>> -> memref<128xf32, #tpu.memory_space<vmem>>
    %dma_wait3A_788 = arith.constant 0 : i32
    %dma_wait3A_789 = tpu.memref_slice %arg7[%dma_wait3A_785, %dma_wait3A_788] : memref<26x128xi32, #tpu.memory_space<vmem>> -> memref<1x128xi32, #tpu.memory_space<vmem>>
    %dma_wait3A_790 = tpu.memref_squeeze %dma_wait3A_789 : memref<1x128xi32, #tpu.memory_space<vmem>> -> memref<128xi32, #tpu.memory_space<vmem>>
    %dma_wait3A_791 = arith.constant 0 : i32
    %dma_wait3A_792 = tpu.memref_slice %arg3[%dma_wait3A_791] : memref<2600000xf32, #tpu.memory_space<hbm>> -> memref<2600000xf32, #tpu.memory_space<hbm>>
    tpu.wait_indirect_dma semaphore(%arg11 : memref<!tpu.dma_semaphore, #tpu.memory_space<semaphore_mem>>) src(%dma_wait3A_792 : memref<2600000xf32, #tpu.memory_space<hbm>>) dst(%dma_wait3A_787 : memref<128xf32, #tpu.memory_space<vmem>>)
    %dma_wait3A_793 = arith.constant 8 : i32
    %dma_wait3A_794 = arith.constant 1024 : i32
    %dma_wait3A_795 = tpu.memref_slice %arg9[%dma_wait3A_794] : memref<3328xf32, #tpu.memory_space<vmem>> -> memref<128xf32, #tpu.memory_space<vmem>>
    %dma_wait3A_796 = arith.constant 0 : i32
    %dma_wait3A_797 = tpu.memref_slice %arg7[%dma_wait3A_793, %dma_wait3A_796] : memref<26x128xi32, #tpu.memory_space<vmem>> -> memref<1x128xi32, #tpu.memory_space<vmem>>
    %dma_wait3A_798 = tpu.memref_squeeze %dma_wait3A_797 : memref<1x128xi32, #tpu.memory_space<vmem>> -> memref<128xi32, #tpu.memory_space<vmem>>
    %dma_wait3A_799 = arith.constant 0 : i32
    %dma_wait3A_800 = tpu.memref_slice %arg3[%dma_wait3A_799] : memref<2600000xf32, #tpu.memory_space<hbm>> -> memref<2600000xf32, #tpu.memory_space<hbm>>
    tpu.wait_indirect_dma semaphore(%arg11 : memref<!tpu.dma_semaphore, #tpu.memory_space<semaphore_mem>>) src(%dma_wait3A_800 : memref<2600000xf32, #tpu.memory_space<hbm>>) dst(%dma_wait3A_795 : memref<128xf32, #tpu.memory_space<vmem>>)
    %dma_wait3A_801 = arith.constant 9 : i32
    %dma_wait3A_802 = arith.constant 1152 : i32
    %dma_wait3A_803 = tpu.memref_slice %arg9[%dma_wait3A_802] : memref<3328xf32, #tpu.memory_space<vmem>> -> memref<128xf32, #tpu.memory_space<vmem>>
    %dma_wait3A_804 = arith.constant 0 : i32
    %dma_wait3A_805 = tpu.memref_slice %arg7[%dma_wait3A_801, %dma_wait3A_804] : memref<26x128xi32, #tpu.memory_space<vmem>> -> memref<1x128xi32, #tpu.memory_space<vmem>>
    %dma_wait3A_806 = tpu.memref_squeeze %dma_wait3A_805 : memref<1x128xi32, #tpu.memory_space<vmem>> -> memref<128xi32, #tpu.memory_space<vmem>>
    %dma_wait3A_807 = arith.constant 0 : i32
    %dma_wait3A_808 = tpu.memref_slice %arg3[%dma_wait3A_807] : memref<2600000xf32, #tpu.memory_space<hbm>> -> memref<2600000xf32, #tpu.memory_space<hbm>>
    tpu.wait_indirect_dma semaphore(%arg11 : memref<!tpu.dma_semaphore, #tpu.memory_space<semaphore_mem>>) src(%dma_wait3A_808 : memref<2600000xf32, #tpu.memory_space<hbm>>) dst(%dma_wait3A_803 : memref<128xf32, #tpu.memory_space<vmem>>)
    %dma_wait3A_809 = arith.constant 10 : i32
    %dma_wait3A_810 = arith.constant 1280 : i32
    %dma_wait3A_811 = tpu.memref_slice %arg9[%dma_wait3A_810] : memref<3328xf32, #tpu.memory_space<vmem>> -> memref<128xf32, #tpu.memory_space<vmem>>
    %dma_wait3A_812 = arith.constant 0 : i32
    %dma_wait3A_813 = tpu.memref_slice %arg7[%dma_wait3A_809, %dma_wait3A_812] : memref<26x128xi32, #tpu.memory_space<vmem>> -> memref<1x128xi32, #tpu.memory_space<vmem>>
    %dma_wait3A_814 = tpu.memref_squeeze %dma_wait3A_813 : memref<1x128xi32, #tpu.memory_space<vmem>> -> memref<128xi32, #tpu.memory_space<vmem>>
    %dma_wait3A_815 = arith.constant 0 : i32
    %dma_wait3A_816 = tpu.memref_slice %arg3[%dma_wait3A_815] : memref<2600000xf32, #tpu.memory_space<hbm>> -> memref<2600000xf32, #tpu.memory_space<hbm>>
    tpu.wait_indirect_dma semaphore(%arg11 : memref<!tpu.dma_semaphore, #tpu.memory_space<semaphore_mem>>) src(%dma_wait3A_816 : memref<2600000xf32, #tpu.memory_space<hbm>>) dst(%dma_wait3A_811 : memref<128xf32, #tpu.memory_space<vmem>>)
    %dma_wait3A_817 = arith.constant 11 : i32
    %dma_wait3A_818 = arith.constant 1408 : i32
    %dma_wait3A_819 = tpu.memref_slice %arg9[%dma_wait3A_818] : memref<3328xf32, #tpu.memory_space<vmem>> -> memref<128xf32, #tpu.memory_space<vmem>>
    %dma_wait3A_820 = arith.constant 0 : i32
    %dma_wait3A_821 = tpu.memref_slice %arg7[%dma_wait3A_817, %dma_wait3A_820] : memref<26x128xi32, #tpu.memory_space<vmem>> -> memref<1x128xi32, #tpu.memory_space<vmem>>
    %dma_wait3A_822 = tpu.memref_squeeze %dma_wait3A_821 : memref<1x128xi32, #tpu.memory_space<vmem>> -> memref<128xi32, #tpu.memory_space<vmem>>
    %dma_wait3A_823 = arith.constant 0 : i32
    %dma_wait3A_824 = tpu.memref_slice %arg3[%dma_wait3A_823] : memref<2600000xf32, #tpu.memory_space<hbm>> -> memref<2600000xf32, #tpu.memory_space<hbm>>
    tpu.wait_indirect_dma semaphore(%arg11 : memref<!tpu.dma_semaphore, #tpu.memory_space<semaphore_mem>>) src(%dma_wait3A_824 : memref<2600000xf32, #tpu.memory_space<hbm>>) dst(%dma_wait3A_819 : memref<128xf32, #tpu.memory_space<vmem>>)
    %dma_wait3A_825 = arith.constant 12 : i32
    %dma_wait3A_826 = arith.constant 1536 : i32
    %dma_wait3A_827 = tpu.memref_slice %arg9[%dma_wait3A_826] : memref<3328xf32, #tpu.memory_space<vmem>> -> memref<128xf32, #tpu.memory_space<vmem>>
    %dma_wait3A_828 = arith.constant 0 : i32
    %dma_wait3A_829 = tpu.memref_slice %arg7[%dma_wait3A_825, %dma_wait3A_828] : memref<26x128xi32, #tpu.memory_space<vmem>> -> memref<1x128xi32, #tpu.memory_space<vmem>>
    %dma_wait3A_830 = tpu.memref_squeeze %dma_wait3A_829 : memref<1x128xi32, #tpu.memory_space<vmem>> -> memref<128xi32, #tpu.memory_space<vmem>>
    %dma_wait3A_831 = arith.constant 0 : i32
    %dma_wait3A_832 = tpu.memref_slice %arg3[%dma_wait3A_831] : memref<2600000xf32, #tpu.memory_space<hbm>> -> memref<2600000xf32, #tpu.memory_space<hbm>>
    tpu.wait_indirect_dma semaphore(%arg11 : memref<!tpu.dma_semaphore, #tpu.memory_space<semaphore_mem>>) src(%dma_wait3A_832 : memref<2600000xf32, #tpu.memory_space<hbm>>) dst(%dma_wait3A_827 : memref<128xf32, #tpu.memory_space<vmem>>)
    %dma_wait3A_833 = arith.constant 13 : i32
    %dma_wait3A_834 = arith.constant 1664 : i32
    %dma_wait3A_835 = tpu.memref_slice %arg9[%dma_wait3A_834] : memref<3328xf32, #tpu.memory_space<vmem>> -> memref<128xf32, #tpu.memory_space<vmem>>
    %dma_wait3A_836 = arith.constant 0 : i32
    %dma_wait3A_837 = tpu.memref_slice %arg7[%dma_wait3A_833, %dma_wait3A_836] : memref<26x128xi32, #tpu.memory_space<vmem>> -> memref<1x128xi32, #tpu.memory_space<vmem>>
    %dma_wait3A_838 = tpu.memref_squeeze %dma_wait3A_837 : memref<1x128xi32, #tpu.memory_space<vmem>> -> memref<128xi32, #tpu.memory_space<vmem>>
    %dma_wait3A_839 = arith.constant 0 : i32
    %dma_wait3A_840 = tpu.memref_slice %arg3[%dma_wait3A_839] : memref<2600000xf32, #tpu.memory_space<hbm>> -> memref<2600000xf32, #tpu.memory_space<hbm>>
    tpu.wait_indirect_dma semaphore(%arg11 : memref<!tpu.dma_semaphore, #tpu.memory_space<semaphore_mem>>) src(%dma_wait3A_840 : memref<2600000xf32, #tpu.memory_space<hbm>>) dst(%dma_wait3A_835 : memref<128xf32, #tpu.memory_space<vmem>>)
    %dma_wait3A_841 = arith.constant 14 : i32
    %dma_wait3A_842 = arith.constant 1792 : i32
    %dma_wait3A_843 = tpu.memref_slice %arg9[%dma_wait3A_842] : memref<3328xf32, #tpu.memory_space<vmem>> -> memref<128xf32, #tpu.memory_space<vmem>>
    %dma_wait3A_844 = arith.constant 0 : i32
    %dma_wait3A_845 = tpu.memref_slice %arg7[%dma_wait3A_841, %dma_wait3A_844] : memref<26x128xi32, #tpu.memory_space<vmem>> -> memref<1x128xi32, #tpu.memory_space<vmem>>
    %dma_wait3A_846 = tpu.memref_squeeze %dma_wait3A_845 : memref<1x128xi32, #tpu.memory_space<vmem>> -> memref<128xi32, #tpu.memory_space<vmem>>
    %dma_wait3A_847 = arith.constant 0 : i32
    %dma_wait3A_848 = tpu.memref_slice %arg3[%dma_wait3A_847] : memref<2600000xf32, #tpu.memory_space<hbm>> -> memref<2600000xf32, #tpu.memory_space<hbm>>
    tpu.wait_indirect_dma semaphore(%arg11 : memref<!tpu.dma_semaphore, #tpu.memory_space<semaphore_mem>>) src(%dma_wait3A_848 : memref<2600000xf32, #tpu.memory_space<hbm>>) dst(%dma_wait3A_843 : memref<128xf32, #tpu.memory_space<vmem>>)
    %dma_wait3A_849 = arith.constant 15 : i32
    %dma_wait3A_850 = arith.constant 1920 : i32
    %dma_wait3A_851 = tpu.memref_slice %arg9[%dma_wait3A_850] : memref<3328xf32, #tpu.memory_space<vmem>> -> memref<128xf32, #tpu.memory_space<vmem>>
    %dma_wait3A_852 = arith.constant 0 : i32
    %dma_wait3A_853 = tpu.memref_slice %arg7[%dma_wait3A_849, %dma_wait3A_852] : memref<26x128xi32, #tpu.memory_space<vmem>> -> memref<1x128xi32, #tpu.memory_space<vmem>>
    %dma_wait3A_854 = tpu.memref_squeeze %dma_wait3A_853 : memref<1x128xi32, #tpu.memory_space<vmem>> -> memref<128xi32, #tpu.memory_space<vmem>>
    %dma_wait3A_855 = arith.constant 0 : i32
    %dma_wait3A_856 = tpu.memref_slice %arg3[%dma_wait3A_855] : memref<2600000xf32, #tpu.memory_space<hbm>> -> memref<2600000xf32, #tpu.memory_space<hbm>>
    tpu.wait_indirect_dma semaphore(%arg11 : memref<!tpu.dma_semaphore, #tpu.memory_space<semaphore_mem>>) src(%dma_wait3A_856 : memref<2600000xf32, #tpu.memory_space<hbm>>) dst(%dma_wait3A_851 : memref<128xf32, #tpu.memory_space<vmem>>)
    %dma_wait3A_857 = arith.constant 16 : i32
    %dma_wait3A_858 = arith.constant 2048 : i32
    %dma_wait3A_859 = tpu.memref_slice %arg9[%dma_wait3A_858] : memref<3328xf32, #tpu.memory_space<vmem>> -> memref<128xf32, #tpu.memory_space<vmem>>
    %dma_wait3A_860 = arith.constant 0 : i32
    %dma_wait3A_861 = tpu.memref_slice %arg7[%dma_wait3A_857, %dma_wait3A_860] : memref<26x128xi32, #tpu.memory_space<vmem>> -> memref<1x128xi32, #tpu.memory_space<vmem>>
    %dma_wait3A_862 = tpu.memref_squeeze %dma_wait3A_861 : memref<1x128xi32, #tpu.memory_space<vmem>> -> memref<128xi32, #tpu.memory_space<vmem>>
    %dma_wait3A_863 = arith.constant 0 : i32
    %dma_wait3A_864 = tpu.memref_slice %arg3[%dma_wait3A_863] : memref<2600000xf32, #tpu.memory_space<hbm>> -> memref<2600000xf32, #tpu.memory_space<hbm>>
    tpu.wait_indirect_dma semaphore(%arg11 : memref<!tpu.dma_semaphore, #tpu.memory_space<semaphore_mem>>) src(%dma_wait3A_864 : memref<2600000xf32, #tpu.memory_space<hbm>>) dst(%dma_wait3A_859 : memref<128xf32, #tpu.memory_space<vmem>>)
    %dma_wait3A_865 = arith.constant 17 : i32
    %dma_wait3A_866 = arith.constant 2176 : i32
    %dma_wait3A_867 = tpu.memref_slice %arg9[%dma_wait3A_866] : memref<3328xf32, #tpu.memory_space<vmem>> -> memref<128xf32, #tpu.memory_space<vmem>>
    %dma_wait3A_868 = arith.constant 0 : i32
    %dma_wait3A_869 = tpu.memref_slice %arg7[%dma_wait3A_865, %dma_wait3A_868] : memref<26x128xi32, #tpu.memory_space<vmem>> -> memref<1x128xi32, #tpu.memory_space<vmem>>
    %dma_wait3A_870 = tpu.memref_squeeze %dma_wait3A_869 : memref<1x128xi32, #tpu.memory_space<vmem>> -> memref<128xi32, #tpu.memory_space<vmem>>
    %dma_wait3A_871 = arith.constant 0 : i32
    %dma_wait3A_872 = tpu.memref_slice %arg3[%dma_wait3A_871] : memref<2600000xf32, #tpu.memory_space<hbm>> -> memref<2600000xf32, #tpu.memory_space<hbm>>
    tpu.wait_indirect_dma semaphore(%arg11 : memref<!tpu.dma_semaphore, #tpu.memory_space<semaphore_mem>>) src(%dma_wait3A_872 : memref<2600000xf32, #tpu.memory_space<hbm>>) dst(%dma_wait3A_867 : memref<128xf32, #tpu.memory_space<vmem>>)
    %dma_wait3A_873 = arith.constant 18 : i32
    %dma_wait3A_874 = arith.constant 2304 : i32
    %dma_wait3A_875 = tpu.memref_slice %arg9[%dma_wait3A_874] : memref<3328xf32, #tpu.memory_space<vmem>> -> memref<128xf32, #tpu.memory_space<vmem>>
    %dma_wait3A_876 = arith.constant 0 : i32
    %dma_wait3A_877 = tpu.memref_slice %arg7[%dma_wait3A_873, %dma_wait3A_876] : memref<26x128xi32, #tpu.memory_space<vmem>> -> memref<1x128xi32, #tpu.memory_space<vmem>>
    %dma_wait3A_878 = tpu.memref_squeeze %dma_wait3A_877 : memref<1x128xi32, #tpu.memory_space<vmem>> -> memref<128xi32, #tpu.memory_space<vmem>>
    %dma_wait3A_879 = arith.constant 0 : i32
    %dma_wait3A_880 = tpu.memref_slice %arg3[%dma_wait3A_879] : memref<2600000xf32, #tpu.memory_space<hbm>> -> memref<2600000xf32, #tpu.memory_space<hbm>>
    tpu.wait_indirect_dma semaphore(%arg11 : memref<!tpu.dma_semaphore, #tpu.memory_space<semaphore_mem>>) src(%dma_wait3A_880 : memref<2600000xf32, #tpu.memory_space<hbm>>) dst(%dma_wait3A_875 : memref<128xf32, #tpu.memory_space<vmem>>)
    %dma_wait3A_881 = arith.constant 19 : i32
    %dma_wait3A_882 = arith.constant 2432 : i32
    %dma_wait3A_883 = tpu.memref_slice %arg9[%dma_wait3A_882] : memref<3328xf32, #tpu.memory_space<vmem>> -> memref<128xf32, #tpu.memory_space<vmem>>
    %dma_wait3A_884 = arith.constant 0 : i32
    %dma_wait3A_885 = tpu.memref_slice %arg7[%dma_wait3A_881, %dma_wait3A_884] : memref<26x128xi32, #tpu.memory_space<vmem>> -> memref<1x128xi32, #tpu.memory_space<vmem>>
    %dma_wait3A_886 = tpu.memref_squeeze %dma_wait3A_885 : memref<1x128xi32, #tpu.memory_space<vmem>> -> memref<128xi32, #tpu.memory_space<vmem>>
    %dma_wait3A_887 = arith.constant 0 : i32
    %dma_wait3A_888 = tpu.memref_slice %arg3[%dma_wait3A_887] : memref<2600000xf32, #tpu.memory_space<hbm>> -> memref<2600000xf32, #tpu.memory_space<hbm>>
    tpu.wait_indirect_dma semaphore(%arg11 : memref<!tpu.dma_semaphore, #tpu.memory_space<semaphore_mem>>) src(%dma_wait3A_888 : memref<2600000xf32, #tpu.memory_space<hbm>>) dst(%dma_wait3A_883 : memref<128xf32, #tpu.memory_space<vmem>>)
    %dma_wait3A_889 = arith.constant 20 : i32
    %dma_wait3A_890 = arith.constant 2560 : i32
    %dma_wait3A_891 = tpu.memref_slice %arg9[%dma_wait3A_890] : memref<3328xf32, #tpu.memory_space<vmem>> -> memref<128xf32, #tpu.memory_space<vmem>>
    %dma_wait3A_892 = arith.constant 0 : i32
    %dma_wait3A_893 = tpu.memref_slice %arg7[%dma_wait3A_889, %dma_wait3A_892] : memref<26x128xi32, #tpu.memory_space<vmem>> -> memref<1x128xi32, #tpu.memory_space<vmem>>
    %dma_wait3A_894 = tpu.memref_squeeze %dma_wait3A_893 : memref<1x128xi32, #tpu.memory_space<vmem>> -> memref<128xi32, #tpu.memory_space<vmem>>
    %dma_wait3A_895 = arith.constant 0 : i32
    %dma_wait3A_896 = tpu.memref_slice %arg3[%dma_wait3A_895] : memref<2600000xf32, #tpu.memory_space<hbm>> -> memref<2600000xf32, #tpu.memory_space<hbm>>
    tpu.wait_indirect_dma semaphore(%arg11 : memref<!tpu.dma_semaphore, #tpu.memory_space<semaphore_mem>>) src(%dma_wait3A_896 : memref<2600000xf32, #tpu.memory_space<hbm>>) dst(%dma_wait3A_891 : memref<128xf32, #tpu.memory_space<vmem>>)
    %dma_wait3A_897 = arith.constant 21 : i32
    %dma_wait3A_898 = arith.constant 2688 : i32
    %dma_wait3A_899 = tpu.memref_slice %arg9[%dma_wait3A_898] : memref<3328xf32, #tpu.memory_space<vmem>> -> memref<128xf32, #tpu.memory_space<vmem>>
    %dma_wait3A_900 = arith.constant 0 : i32
    %dma_wait3A_901 = tpu.memref_slice %arg7[%dma_wait3A_897, %dma_wait3A_900] : memref<26x128xi32, #tpu.memory_space<vmem>> -> memref<1x128xi32, #tpu.memory_space<vmem>>
    %dma_wait3A_902 = tpu.memref_squeeze %dma_wait3A_901 : memref<1x128xi32, #tpu.memory_space<vmem>> -> memref<128xi32, #tpu.memory_space<vmem>>
    %dma_wait3A_903 = arith.constant 0 : i32
    %dma_wait3A_904 = tpu.memref_slice %arg3[%dma_wait3A_903] : memref<2600000xf32, #tpu.memory_space<hbm>> -> memref<2600000xf32, #tpu.memory_space<hbm>>
    tpu.wait_indirect_dma semaphore(%arg11 : memref<!tpu.dma_semaphore, #tpu.memory_space<semaphore_mem>>) src(%dma_wait3A_904 : memref<2600000xf32, #tpu.memory_space<hbm>>) dst(%dma_wait3A_899 : memref<128xf32, #tpu.memory_space<vmem>>)
    %dma_wait3A_905 = arith.constant 22 : i32
    %dma_wait3A_906 = arith.constant 2816 : i32
    %dma_wait3A_907 = tpu.memref_slice %arg9[%dma_wait3A_906] : memref<3328xf32, #tpu.memory_space<vmem>> -> memref<128xf32, #tpu.memory_space<vmem>>
    %dma_wait3A_908 = arith.constant 0 : i32
    %dma_wait3A_909 = tpu.memref_slice %arg7[%dma_wait3A_905, %dma_wait3A_908] : memref<26x128xi32, #tpu.memory_space<vmem>> -> memref<1x128xi32, #tpu.memory_space<vmem>>
    %dma_wait3A_910 = tpu.memref_squeeze %dma_wait3A_909 : memref<1x128xi32, #tpu.memory_space<vmem>> -> memref<128xi32, #tpu.memory_space<vmem>>
    %dma_wait3A_911 = arith.constant 0 : i32
    %dma_wait3A_912 = tpu.memref_slice %arg3[%dma_wait3A_911] : memref<2600000xf32, #tpu.memory_space<hbm>> -> memref<2600000xf32, #tpu.memory_space<hbm>>
    tpu.wait_indirect_dma semaphore(%arg11 : memref<!tpu.dma_semaphore, #tpu.memory_space<semaphore_mem>>) src(%dma_wait3A_912 : memref<2600000xf32, #tpu.memory_space<hbm>>) dst(%dma_wait3A_907 : memref<128xf32, #tpu.memory_space<vmem>>)
    %dma_wait3A_913 = arith.constant 23 : i32
    %dma_wait3A_914 = arith.constant 2944 : i32
    %dma_wait3A_915 = tpu.memref_slice %arg9[%dma_wait3A_914] : memref<3328xf32, #tpu.memory_space<vmem>> -> memref<128xf32, #tpu.memory_space<vmem>>
    %dma_wait3A_916 = arith.constant 0 : i32
    %dma_wait3A_917 = tpu.memref_slice %arg7[%dma_wait3A_913, %dma_wait3A_916] : memref<26x128xi32, #tpu.memory_space<vmem>> -> memref<1x128xi32, #tpu.memory_space<vmem>>
    %dma_wait3A_918 = tpu.memref_squeeze %dma_wait3A_917 : memref<1x128xi32, #tpu.memory_space<vmem>> -> memref<128xi32, #tpu.memory_space<vmem>>
    %dma_wait3A_919 = arith.constant 0 : i32
    %dma_wait3A_920 = tpu.memref_slice %arg3[%dma_wait3A_919] : memref<2600000xf32, #tpu.memory_space<hbm>> -> memref<2600000xf32, #tpu.memory_space<hbm>>
    tpu.wait_indirect_dma semaphore(%arg11 : memref<!tpu.dma_semaphore, #tpu.memory_space<semaphore_mem>>) src(%dma_wait3A_920 : memref<2600000xf32, #tpu.memory_space<hbm>>) dst(%dma_wait3A_915 : memref<128xf32, #tpu.memory_space<vmem>>)
    %dma_wait3A_921 = arith.constant 24 : i32
    %dma_wait3A_922 = arith.constant 3072 : i32
    %dma_wait3A_923 = tpu.memref_slice %arg9[%dma_wait3A_922] : memref<3328xf32, #tpu.memory_space<vmem>> -> memref<128xf32, #tpu.memory_space<vmem>>
    %dma_wait3A_924 = arith.constant 0 : i32
    %dma_wait3A_925 = tpu.memref_slice %arg7[%dma_wait3A_921, %dma_wait3A_924] : memref<26x128xi32, #tpu.memory_space<vmem>> -> memref<1x128xi32, #tpu.memory_space<vmem>>
    %dma_wait3A_926 = tpu.memref_squeeze %dma_wait3A_925 : memref<1x128xi32, #tpu.memory_space<vmem>> -> memref<128xi32, #tpu.memory_space<vmem>>
    %dma_wait3A_927 = arith.constant 0 : i32
    %dma_wait3A_928 = tpu.memref_slice %arg3[%dma_wait3A_927] : memref<2600000xf32, #tpu.memory_space<hbm>> -> memref<2600000xf32, #tpu.memory_space<hbm>>
    tpu.wait_indirect_dma semaphore(%arg11 : memref<!tpu.dma_semaphore, #tpu.memory_space<semaphore_mem>>) src(%dma_wait3A_928 : memref<2600000xf32, #tpu.memory_space<hbm>>) dst(%dma_wait3A_923 : memref<128xf32, #tpu.memory_space<vmem>>)
    %dma_wait3A_929 = arith.constant 25 : i32
    %dma_wait3A_930 = arith.constant 3200 : i32
    %dma_wait3A_931 = tpu.memref_slice %arg9[%dma_wait3A_930] : memref<3328xf32, #tpu.memory_space<vmem>> -> memref<128xf32, #tpu.memory_space<vmem>>
    %dma_wait3A_932 = arith.constant 0 : i32
    %dma_wait3A_933 = tpu.memref_slice %arg7[%dma_wait3A_929, %dma_wait3A_932] : memref<26x128xi32, #tpu.memory_space<vmem>> -> memref<1x128xi32, #tpu.memory_space<vmem>>
    %dma_wait3A_934 = tpu.memref_squeeze %dma_wait3A_933 : memref<1x128xi32, #tpu.memory_space<vmem>> -> memref<128xi32, #tpu.memory_space<vmem>>
    %dma_wait3A_935 = arith.constant 0 : i32
    %dma_wait3A_936 = tpu.memref_slice %arg3[%dma_wait3A_935] : memref<2600000xf32, #tpu.memory_space<hbm>> -> memref<2600000xf32, #tpu.memory_space<hbm>>
    tpu.wait_indirect_dma semaphore(%arg11 : memref<!tpu.dma_semaphore, #tpu.memory_space<semaphore_mem>>) src(%dma_wait3A_936 : memref<2600000xf32, #tpu.memory_space<hbm>>) dst(%dma_wait3A_931 : memref<128xf32, #tpu.memory_space<vmem>>)
    %mul3A_937 = arith.constant 3328 : i32
    %mul3A_938 = arith.muli %add3A, %mul3A_937 : i32
    "tpu.region"() ({
      %run_scoped3A = tpu.sem_alloc : memref<!tpu.dma_semaphore, #tpu.memory_space<semaphore_mem>>
      %dma_start3A_941 = arith.constant 0 : i32
      %dma_start3A_942 = tpu.memref_slice %arg5[%mul3A_938, %dma_start3A_941] : memref<106496x16xf32, #tpu.memory_space<hbm>> -> memref<3328x16xf32, #tpu.memory_space<hbm>>
      %dma_start3A_943 = arith.constant 0 : i32
      %dma_start3A_944 = tpu.memref_slice %arg5[%mul3A_938, %dma_start3A_943] : memref<106496x16xf32, #tpu.memory_space<hbm>> -> memref<3328x16xf32, #tpu.memory_space<hbm>>
      tpu.enqueue_dma source(%arg8 : memref<3328x16xf32, #tpu.memory_space<vmem>>) target(%dma_start3A_944 : memref<3328x16xf32, #tpu.memory_space<hbm>>) target_semaphore(%run_scoped3A : memref<!tpu.dma_semaphore, #tpu.memory_space<semaphore_mem>>)
      %dma_wait3A_945 = arith.constant 0 : i32
      %dma_wait3A_946 = tpu.memref_slice %arg5[%mul3A_938, %dma_wait3A_945] : memref<106496x16xf32, #tpu.memory_space<hbm>> -> memref<3328x16xf32, #tpu.memory_space<hbm>>
      %dma_wait3A_947 = arith.constant 0 : i32
      %dma_wait3A_948 = tpu.memref_slice %arg5[%mul3A_938, %dma_wait3A_947] : memref<106496x16xf32, #tpu.memory_space<hbm>> -> memref<3328x16xf32, #tpu.memory_space<hbm>>
      tpu.wait_dma2 semaphore(%run_scoped3A : memref<!tpu.dma_semaphore, #tpu.memory_space<semaphore_mem>>) src(%arg8 : memref<3328x16xf32, #tpu.memory_space<vmem>>) dst(%dma_wait3A_948 : memref<3328x16xf32, #tpu.memory_space<hbm>>)
      tpu.yield
    }) : () -> ()
    %mul3A_939 = arith.constant 3328 : i32
    %mul3A_940 = arith.muli %add3A, %mul3A_939 : i32
    "tpu.region"() ({
      %run_scoped3A = tpu.sem_alloc : memref<!tpu.dma_semaphore, #tpu.memory_space<semaphore_mem>>
      %dma_start3A_941 = tpu.memref_slice %arg6[%mul3A_940] : memref<106496xf32, #tpu.memory_space<hbm>> -> memref<3328xf32, #tpu.memory_space<hbm>>
      %dma_start3A_942 = tpu.memref_slice %arg6[%mul3A_940] : memref<106496xf32, #tpu.memory_space<hbm>> -> memref<3328xf32, #tpu.memory_space<hbm>>
      tpu.enqueue_dma source(%arg9 : memref<3328xf32, #tpu.memory_space<vmem>>) target(%dma_start3A_942 : memref<3328xf32, #tpu.memory_space<hbm>>) target_semaphore(%run_scoped3A : memref<!tpu.dma_semaphore, #tpu.memory_space<semaphore_mem>>)
      %dma_wait3A_943 = tpu.memref_slice %arg6[%mul3A_940] : memref<106496xf32, #tpu.memory_space<hbm>> -> memref<3328xf32, #tpu.memory_space<hbm>>
      %dma_wait3A_944 = tpu.memref_slice %arg6[%mul3A_940] : memref<106496xf32, #tpu.memory_space<hbm>> -> memref<3328xf32, #tpu.memory_space<hbm>>
      tpu.wait_dma2 semaphore(%run_scoped3A : memref<!tpu.dma_semaphore, #tpu.memory_space<semaphore_mem>>) src(%arg9 : memref<3328xf32, #tpu.memory_space<vmem>>) dst(%dma_wait3A_944 : memref<3328xf32, #tpu.memory_space<hbm>>)
      tpu.yield
    }) : () -> ()
    return
  }
}

module attributes {stable_mosaic.version = 14 : i64} {
  func.func @_dense_body(%arg0: i32, %arg1: memref<512x416xf32, #tpu.memory_space<vmem>>, %arg2: memref<512x26xf32, #tpu.memory_space<vmem>>, %arg3: memref<512x26xf32, #tpu.memory_space<vmem>>, %arg4: memref<26x416xf32, #tpu.memory_space<vmem>>, %arg5: memref<416x17xf32, #tpu.memory_space<vmem>>, %arg6: memref<1x1xf32, #tpu.memory_space<vmem>>, %arg7: memref<512x1xf32, #tpu.memory_space<vmem>>) attributes {dimension_semantics = [#tpu.dimension_semantics<arbitrary>], iteration_bounds = array<i64: 8>, scalar_prefetch = 0 : i64, scratch_operands = 0 : i64, tpu.core_type = #tpu.core_type<tc>, window_params = [{transform_indices = @transform_0, window_bounds = array<i64: 512, 416>}, {transform_indices = @transform_1, window_bounds = array<i64: 512, 26>}, {transform_indices = @transform_2, window_bounds = array<i64: 512, 26>}, {pipeline_mode = #tpu.pipeline_mode<synchronous>, transform_indices = @transform_3, window_bounds = array<i64: 26, 416>}, {pipeline_mode = #tpu.pipeline_mode<synchronous>, transform_indices = @transform_4, window_bounds = array<i64: 416, 17>}, {pipeline_mode = #tpu.pipeline_mode<synchronous>, transform_indices = @transform_5, window_bounds = array<i64: 1, 1>}, {transform_indices = @transform_6, window_bounds = array<i64: 512, 1>}]} {
    %get3A = arith.constant 0 : index
    %get3A_0 = arith.constant 0 : index
    %get3A_1 = vector.load %arg3[%get3A, %get3A_0] : memref<512x26xf32, #tpu.memory_space<vmem>>, vector<512x26xf32>
    %get3A_2 = arith.constant 0 : index
    %get3A_3 = arith.constant 0 : index
    %get3A_4 = vector.load %arg4[%get3A_2, %get3A_3] : memref<26x416xf32, #tpu.memory_space<vmem>>, vector<26x416xf32>
    %dot_general3A = arith.constant dense<0.000000e+00> : vector<512x416xf32>
    %dot_general3A_5 = tpu.matmul %get3A_1, %get3A_4, %dot_general3A {dimension_numbers = #tpu.dot_dimension_numbers<[1], [0], [0], [1], [0, 0, 1, 1], [], []>, transpose_lhs_hint = false} : vector<512x26xf32>, vector<26x416xf32>, vector<512x416xf32> -> vector<512x416xf32>
    %get3A_6 = arith.constant 0 : index
    %get3A_7 = arith.constant 0 : index
    %get3A_8 = vector.load %arg1[%get3A_6, %get3A_7] : memref<512x416xf32, #tpu.memory_space<vmem>>, vector<512x416xf32>
    %mul3A = arith.mulf %get3A_8, %dot_general3A_5 : vector<512x416xf32>
    %get3A_9 = arith.constant 0 : index
    %get3A_10 = arith.constant 0 : index
    %get3A_11 = vector.load %arg5[%get3A_9, %get3A_10] : memref<416x17xf32, #tpu.memory_space<vmem>>, vector<416x17xf32>
    %dot_general3A_12 = arith.constant dense<0.000000e+00> : vector<512x17xf32>
    %dot_general3A_13 = tpu.matmul %mul3A, %get3A_11, %dot_general3A_12 {dimension_numbers = #tpu.dot_dimension_numbers<[1], [0], [0], [1], [0, 0, 1, 1], [], []>, transpose_lhs_hint = false} : vector<512x416xf32>, vector<416x17xf32>, vector<512x17xf32> -> vector<512x17xf32>
    %slice3A = vector.extract_strided_slice %dot_general3A_13 {offsets = [0, 0], sizes = [512, 16], strides = [1, 1]} : vector<512x17xf32> to vector<512x16xf32>
    %slice3A_14 = vector.extract_strided_slice %dot_general3A_13 {offsets = [0, 16], sizes = [512, 1], strides = [1, 1]} : vector<512x17xf32> to vector<512x1xf32>
    %mul3A_15 = arith.mulf %mul3A, %mul3A : vector<512x416xf32>
    %reduce_sum3A = arith.constant dense<0.000000e+00> : vector<512xf32>
    %reduce_sum3A_16 = vector.multi_reduction <add>, %mul3A_15, %reduce_sum3A [1] : vector<512x416xf32> to vector<512xf32>
    %broadcast_in_dim3A = vector.shape_cast %reduce_sum3A_16 : vector<512xf32> to vector<512x1xf32>
    %mul3A_17 = arith.mulf %slice3A, %slice3A : vector<512x16xf32>
    %reduce_sum3A_18 = arith.constant dense<0.000000e+00> : vector<512xf32>
    %reduce_sum3A_19 = vector.multi_reduction <add>, %mul3A_17, %reduce_sum3A_18 [1] : vector<512x16xf32> to vector<512xf32>
    %broadcast_in_dim3A_20 = vector.shape_cast %reduce_sum3A_19 : vector<512xf32> to vector<512x1xf32>
    %get3A_21 = arith.constant 0 : index
    %get3A_22 = arith.constant 0 : index
    %get3A_23 = vector.load %arg2[%get3A_21, %get3A_22] : memref<512x26xf32, #tpu.memory_space<vmem>>, vector<512x26xf32>
    %get3A_24 = arith.constant 0 : index
    %get3A_25 = arith.constant 0 : index
    %get3A_26 = vector.load %arg3[%get3A_24, %get3A_25] : memref<512x26xf32, #tpu.memory_space<vmem>>, vector<512x26xf32>
    %mul3A_27 = arith.mulf %get3A_23, %get3A_26 : vector<512x26xf32>
    %reduce_sum3A_28 = arith.constant dense<0.000000e+00> : vector<512xf32>
    %reduce_sum3A_29 = vector.multi_reduction <add>, %mul3A_27, %reduce_sum3A_28 [1] : vector<512x26xf32> to vector<512xf32>
    %broadcast_in_dim3A_30 = vector.shape_cast %reduce_sum3A_29 : vector<512xf32> to vector<512x1xf32>
    %sub3A = arith.subf %broadcast_in_dim3A_20, %broadcast_in_dim3A : vector<512x1xf32>
    %mul3A_31 = arith.constant 5.000000e-01 : f32
    %mul3A_32 = vector.broadcast %mul3A_31 : f32 to vector<512x1xf32>
    %mul3A_33 = arith.mulf %mul3A_32, %sub3A : vector<512x1xf32>
    %add3A = arith.addf %broadcast_in_dim3A_30, %mul3A_33 : vector<512x1xf32>
    %add3A_34 = arith.addf %add3A, %slice3A_14 : vector<512x1xf32>
    %get3A_35 = arith.constant 0 : index
    %get3A_36 = arith.constant 0 : index
    %get3A_37 = vector.load %arg6[%get3A_35, %get3A_36] : memref<1x1xf32, #tpu.memory_space<vmem>>, vector<1x1xf32>
    %add3A_38 = vector.broadcast %get3A_37 : vector<1x1xf32> to vector<512x1xf32>
    %add3A_39 = arith.addf %add3A_34, %add3A_38 : vector<512x1xf32>
    %swap3A = arith.constant 0 : index
    %swap3A_40 = arith.constant 0 : index
    %swap3A_41 = vector.load %arg7[%swap3A, %swap3A_40] : memref<512x1xf32, #tpu.memory_space<vmem>>, vector<512x1xf32>
    tpu.vector_store %arg7[%swap3A, %swap3A_40], %add3A_39 {strides = array<i32>} : memref<512x1xf32, #tpu.memory_space<vmem>>, vector<512x1xf32>,
    return
  }
  func.func @transform_0(%arg0: i32) -> (i32, i32) {
    %c0_i32 = arith.constant 0 : i32
    %c0_i32_0 = arith.constant 0 : i32
    return %arg0, %c0_i32 : i32, i32
  }
  func.func @transform_1(%arg0: i32) -> (i32, i32) {
    %c0_i32 = arith.constant 0 : i32
    %c0_i32_0 = arith.constant 0 : i32
    return %arg0, %c0_i32 : i32, i32
  }
  func.func @transform_2(%arg0: i32) -> (i32, i32) {
    %c0_i32 = arith.constant 0 : i32
    %c0_i32_0 = arith.constant 0 : i32
    return %arg0, %c0_i32 : i32, i32
  }
  func.func @transform_3(%arg0: i32) -> (i32, i32) {
    %c0_i32 = arith.constant 0 : i32
    %c0_i32_0 = arith.constant 0 : i32
    %c0_i32_1 = arith.constant 0 : i32
    return %c0_i32, %c0_i32_0 : i32, i32
  }
  func.func @transform_4(%arg0: i32) -> (i32, i32) {
    %c0_i32 = arith.constant 0 : i32
    %c0_i32_0 = arith.constant 0 : i32
    %c0_i32_1 = arith.constant 0 : i32
    return %c0_i32, %c0_i32_0 : i32, i32
  }
  func.func @transform_5(%arg0: i32) -> (i32, i32) {
    %c0_i32 = arith.constant 0 : i32
    %c0_i32_0 = arith.constant 0 : i32
    %c0_i32_1 = arith.constant 0 : i32
    return %c0_i32, %c0_i32_0 : i32, i32
  }
  func.func @transform_6(%arg0: i32) -> (i32, i32) {
    %c0_i32 = arith.constant 0 : i32
    %c0_i32_0 = arith.constant 0 : i32
    return %arg0, %c0_i32 : i32, i32
  }
}

</mosaic_0001>

<sc_bundles>
// kernel: kernel.4.cloned.1.call-start
scs
__scs_entry_jumppad:
0x0: {  	(pc) =	sbr.rel $0x88, $3  }
0x1: {  	(tag) =	ssettag $0x0;
	lr =	simm.s32 $0x1  }
0x2: {  	[smem:$0x3F94] =	sst lr;
	_ =	strace $0xD0000000  }
0x3: {  	_ = 	snop  }
0x4: {  	_ = 	snop  }
0x5: {  	_ = 	snop  }
0x6: {  	_ = 	snop  }
0x7: {  	_ = 	snop  }
__scs_overlays_trampoline_lowered:
0x8: {  	[smem:$0x3FA3] =	sst s0  }
0x9: {  	[smem:$0x3FA4] =	sst s1  }
0xa: {  	[smem:$0x3FA5] =	sst s2  }
0xb: {  	[smem:$0x3FA6] =	sst s3  }
0xc: {  	[smem:$0x3FA7] =	sst s4  }
0xd: {  	[smem:$0x3FA8] =	sst s5  }
0xe: {  	[smem:$0x3FA9] =	sst s6  }
0xf: {  	[smem:$0x3FAA] =	sst s7  }
0x10: {  	[smem:$0x3FAB] =	sst s8  }
0x11: {  	[smem:$0x3FAC] =	sst s9;
	s0 =	simm.s32 @!p0 $0x0  }
0x12: {  	s1 =	sld [smem:$0x3F92];
	s0 =	simm.s32 @p0 $0x1  }
0x13: {  	[smem:$0x3FAD] =	sst s0;
	s0 =	simm.s32 @!p1 $0x0  }
0x14: {  	s2 =	sld [smem:$0x3F91];
	s0 =	simm.s32 @p1 $0x1  }
0x15: {  	[smem:$0x3FAE] =	sst s0;
	s0 =	simm.s32 @!p2 $0x0  }
0x16: {  	s3 =	sld [smem:$0x3FDB];
	s0 =	simm.s32 @p2 $0x1  }
0x17: {  	s4 =	simm.s32 $0x1BF5;
	[smem:$0x3FB0] =	sst s0  }
0x18: {  	s0 =	sld [smem:$0x3F93];
	_ =	swait.ge [sflag:s4], $0x0  }
0x19: {  	s7 =	sld [smem:$0x3F94]  }
0x1a: {  	s8 =	sadd.s32 $0xFFFFE003, lr  }
0x1b: {  	s9 =	sadd.s32 $0xFFFFFEF7, lr;
	s5 =	simm.s32 $0xFFFFFFFF;
	p2 =	slt.u32 s8, $0xFFFFF086  }
0x1c: {  	p1 =	slt.u32 s9, $0xF7A;
	s5 =	simm.s32 @!p2 $0x0  }
0x1d: {  	s5 =	simm.s32 @p1 $0x1;
	p0 =	seq.s32 s7, s2  }
0x1e: {  	s7 =	smul.u32 @!p0 $0xF7A, s2;
	p2 =	seq.s32 @!p0 s5, $0x0  }
0x1f: {  	s9 =	smul.u32 $0xF7A, s1;
	s8 =	simm.s32 @!p0 $0x1BF5;
	p2 =	por !p2, p0  }
0x20: {  	[sflag:s8] =	ssyncset.s32 @!p0 $0xFFFFF086;
	s6 =	sadd.s32 @!p0 s3, s7;
	s7 =	simm.s32 @!p0 $0x108  }
0x21: {  	s3 =	sadd.s32 s3, s9;
	s6 =	sadd.s32 @!p0 $0x88, s6;
	s7 =	simm.s32 @p2 $0x1082  }
0x22: {  	[simem:s7], [sflag:s8] =	dma.local @!p0 [hbm:s6], $0xF7A  }
0x23: {  	s9 =	sor.u32 $0xD0000000, s2;
	s6 =	simm.s32 $0x108;
	_ =	swait.ge @!p0 [sflag:s8], $0x0  }
0x24: {  	s3 =	sadd.s32 $0x88, s3;
	s6 =	simm.s32 @!p1 $0x1082;
	[sflag:s4] =	ssyncset.s32 $0xFFFFF086  }
0x25: {  	[simem:s6], [sflag:s4] =	dma.local [hbm:s3], $0xF7A  }
0x26: {  	[smem:$0x3F94] =	sst s1;
	(tag) =	ssettag s2;
	_ =	strace s9  }
0x27: {  	s1 =	sld [smem:$0x3FA4]  }
0x28: {  	s2 =	sld [smem:$0x3FA5]  }
0x29: {  	s4 =	sld [smem:$0x3FA7]  }
0x2a: {  	p0 =	seq.s32 s5, $0x0;
	s5 =	sld [smem:$0x3FA8]  }
0x2b: {  	s6 =	sld [smem:$0x3FA9]  }
0x2c: {  	s7 =	sld [smem:$0x3FAA]  }
0x2d: {  	s3 =	simm.s32 $0x108;
	s8 =	sld [smem:$0x3FAB]  }
0x2e: {  	s3 =	simm.s32 @!p0 $0x1082;
	s9 =	sld [smem:$0x3FAC]  }
0x2f: {  	lr =	sadd.s32 s0, s3;
	s0 =	sld [smem:$0x3FA3]  }
0x30: {  	s3 =	sld [smem:$0x3FA6]  }
0x31: {  	[smem:$0x3FAF] =	sst s10  }
0x32: {  	s10 =	sld [smem:$0x3FAD];
	_ =	sdelay $0x3  }
0x33: {  	p0 =	seq.s32 s10, $0x1;
	s10 =	sld [smem:$0x3FAF];
	_ =	sdelay $0x3  }
0x34: {  	[smem:$0x3FAF] =	sst s10  }
0x35: {  	s10 =	sld [smem:$0x3FAE];
	_ =	sdelay $0x3  }
0x36: {  	p1 =	seq.s32 s10, $0x1;
	s10 =	sld [smem:$0x3FAF];
	_ =	sdelay $0x3  }
0x37: {  	[smem:$0x3FAF] =	sst s10  }
0x38: {  	s10 =	sld [smem:$0x3FB0]  }
0x39: {  	_ = 	snop;
	(pc) =	sbr.ind lr, $3  }
0x3a: {  	_ = 	snop  }
0x3b: {  	_ = 	snop  }
0x3c: {  	p2 =	seq.s32 s10, $0x1;
	s10 =	sld [smem:$0x3FAF]  }
0x3d: {  	_ =	shalt  }
0x3e: {  	_ =	shalt  }
0x3f: {  	_ =	shalt  }
0x40: {  	_ =	shalt  }
0x41: {  	_ =	shalt  }
0x42: {  	_ =	shalt  }
0x43: {  	_ =	shalt  }
0x44: {  	_ =	shalt  }
0x45: {  	_ =	shalt  }
0x46: {  	_ =	shalt  }
0x47: {  	_ =	shalt  }
0x48: {  	_ =	shalt  }
0x49: {  	_ =	shalt  }
0x4a: {  	_ =	shalt  }
0x4b: {  	_ =	shalt  }
0x4c: {  	_ =	shalt  }
0x4d: {  	_ =	shalt  }
0x4e: {  	_ =	shalt  }
0x4f: {  	_ =	shalt  }
0x50: {  	_ =	shalt  }
0x51: {  	_ =	shalt  }
0x52: {  	_ =	shalt  }
0x53: {  	_ =	shalt  }
0x54: {  	_ =	shalt  }
0x55: {  	_ =	shalt  }
0x56: {  	_ =	shalt  }
0x57: {  	_ =	shalt  }
0x58: {  	_ =	shalt  }
0x59: {  	_ =	shalt  }
0x5a: {  	_ =	shalt  }
0x5b: {  	_ =	shalt  }
0x5c: {  	_ =	shalt  }
0x5d: {  	_ =	shalt  }
0x5e: {  	_ =	shalt  }
0x5f: {  	_ =	shalt  }
0x60: {  	_ =	shalt  }
0x61: {  	_ =	shalt  }
0x62: {  	_ =	shalt  }
0x63: {  	_ =	shalt  }
0x64: {  	_ =	shalt  }
0x65: {  	_ =	shalt  }
0x66: {  	_ =	shalt  }
0x67: {  	_ =	shalt  }
0x68: {  	_ =	shalt  }
0x69: {  	_ =	shalt  }
0x6a: {  	_ =	shalt  }
0x6b: {  	_ =	shalt  }
0x6c: {  	_ =	shalt  }
0x6d: {  	_ =	shalt  }
0x6e: {  	_ =	shalt  }
0x6f: {  	_ =	shalt  }
0x70: {  	_ =	shalt  }
0x71: {  	_ =	shalt  }
0x72: {  	_ =	shalt  }
0x73: {  	_ =	shalt  }
0x74: {  	_ =	shalt  }
0x75: {  	_ =	shalt  }
0x76: {  	_ =	shalt  }
0x77: {  	_ =	shalt  }
0x78: {  	_ =	shalt  }
0x79: {  	_ =	shalt  }
0x7a: {  	_ =	shalt  }
0x7b: {  	_ =	shalt  }
0x7c: {  	_ =	shalt  }
0x7d: {  	_ =	shalt  }
0x7e: {  	_ =	shalt  }
0x7f: {  	_ =	shalt  }
0x80: {  	_ =	shalt  }
0x81: {  	_ =	shalt  }
0x82: {  	_ =	shalt  }
0x83: {  	_ =	shalt  }
0x84: {  	_ =	shalt  }
0x85: {  	_ =	shalt  }
0x86: {  	_ =	shalt  }
0x87: {  	_ =	shalt  }
.Lfunc_end0:
.L_simem_size_0:
called_computation_lowered:
.L_overlay_start_0:
0x88: {  	s2 =	sld [smem:$0x3FD9]  }
0x89: {  	s3 =	sld [smem:$0x3FFE];
	_ =	sdelay $0x1  }
0x8a: {  	s1 =	srdreg.scid  }
0x8b: {  	s0 =	sand.u32 $0x1, s1  }
0x8c: {  	s16 =	sshll.u32 s0, $0xA;
	s2 =	sadd.s32 s3, s2  }
0x8d: {  	s2 =	sadd.s32 s2, s16  }
0x8e: {  	[smem:$0x3FBB] =	sst s2  }
0x8f: {  	_ = 	snop  }
0x90: {  	(tm) =	ssettm $0x1  }
0x91: {  	s17 =	sld [smem:$0x3FFB];
	_ =	sdelay $0x3  }
0x92: {  	_ =	strace s17  }
0x93: {  	s2 =	sld [smem:$0x3FFC];
	_ =	sdelay $0x3  }
0x94: {  	_ =	strace s2  }
0x95: {  	s2 =	sld [smem:$0x3FFD];
	_ =	sdelay $0x3  }
0x96: {  	_ =	strace s2  }
0x97: {  	_ =	strace $0x8FFFFFFF  }
0x98: {  	s18 =	sld [smem:$0x3FDB];
	_ =	sdelay $0x1  }
0x99: {  	s19 =	simm.s32 $_scs_section_size  }
0x9a: {  	s4 =	simm.s32 $_size__tile_overlayer_lowered;
	s5 =	simm.s32 $_tile_overlayer_lowered  }
0x9b: {  	s22 =	simm.s32 $0x1BFF;
	s21 =	sshll.u32 s5, $0x1;
	s2 =	sadd.s32 s19, s18  }
0x9c: {  	s6 =	simm.s32 $0x0;
	s20 =	sshll.u32 s4, $0x1;
	s4 =	sadd.s32 s21, s2  }
0x9d: {  	[timem:s6], [sflag:s22] =	dma.local [hbm:s4], s20  }
0x9e: {  	_ =	swait.ge [sflag:s22], s20  }
0x9f: {  	s3 =	ssub.s32 $0x0, s20;
	[sflag:s22] =	ssyncset.done $0x0  }
0xa0: {  	[sflag:s22] =	ssyncadd.s32 s3;
	_ =	sdelay $0x1  }
0xa1: {  	s23 =	simm.s32 $0x1B8B  }
0xa2: {  	_ =	swait.ge [sflag:s23], $0x1  }
0xa3: {  	[sflag:s23] =	ssyncset.done $0x0  }
0xa4: {  	s25 =	simm.s32 $0x1B8E;
	s24 =	sld [smem:$0x3FFE];
	[sflag:s23] =	ssyncadd.s32 $0xFFFFFFFF  }
0xa5: {  	s26 =	simm.s32 $execute0_lowered;
	[smem:$0x3FD2] =	sst s25  }
0xa6: {  	s4 =	sshll.u32 s26, $0x1;
	_ =	strace $0x80000046;
	[dreg:$0x1] =	wrdreg $0xFFFFFFFF  }
0xa7: {  	s28 =	simm.s32 $_size_execute0_lowered;
	s2 =	sadd.s32 s2, s4;
	[dreg:$0x0] =	wrdreg $0x0  }
0xa8: {  	s4 =	sshll.u32 s28, $0x1;
	[dreg:$0x2] =	wrdreg s2  }
0xa9: {  	[dreg:$0x3] =	wrdreg s4  }
0xaa: {  	[dreg:$0x4] =	wrdreg $0xC0  }
0xab: {  	_ =	task [dreg:s6], $0x5FFFF  }
0xac: {  	[dreg:$0x1] =	wrdreg $0xFFFFFFFF  }
0xad: {  	[dreg:$0x0] =	wrdreg $0x60  }
0xae: {  	[dreg:$0x2] =	wrdreg s24  }
0xaf: {  	[dreg:$0x3] =	wrdreg $0x9  }
0xb0: {  	_ =	task.clear_ibuf [dreg:s6], $0x4FFFF;
	_ =	strace $0x90000046  }
0xb1: {  	s29 =	simm.s32 $0x9;
	_ =	strace $0x80000048  }
0xb2: {  	_ =	swait.ge [sflag:s29], $0x1  }
0xb3: {  	[sflag:s29] =	ssyncadd.s32 $0xFFFFFFFF  }
0xb4: {  	_ =	strace $0x90000048  }
0xb5: {  	_ =	sfence  }
0xb6: {  	s30 =	sld [smem:$0x0];
	_ =	sdelay $0x2  }
0xb7: {  	s31 =	sshll.u32 s1, $0xD;
	s1 =	sshrl.u32 s1, $0x2  }
0xb8: {  	s3 =	sand.u32 $0x4000, s31;
	s1 =	sadd.s32 s1, s30  }
0xb9: {  	s0 =	sor.u32 s3, s0;
	s1 =	sshll.u32 s1, $0x11  }
0xba: {  	s0 =	sor.u32 s1, s0  }
0xbb: {  	s0 =	sadd.s32 $0x8F2B, s0  }
0xbc: {  	[sflag:s0] =	ssyncadd.remote.s32 $0x1  }
0xbd: {  	_ =	sfence.sel $0xFFFF  }
0xbe: {  	[dreg:$0x0] =	wrdreg $0xFFFFFFFF;
	(pc) =	sbr.abs _section_cstart, $3  }
0xbf: {  	[dreg:$0x1] =	wrdreg $0xFFFFFFFF  }
0xc0: {  	_ =	task.clear_ibuf [dreg:s6], $0x2FFFF;
	_ =	strace $0x9FFFFFFF  }
0xc1: {  	(tm) =	ssettm $0x7FFFFFFF  }
tec
execute0_lowered:
.L_overlay_start_1:
0x0: {  	(tag) =	ssettag $0x1  }
0x1: {  	s0 =	srdreg.scid;
	s1 =	stileid.u32;
	s2 =	simm.s32 $0x0  }
0x2: {  	s0 =	sand.u32 $0x1, s0;
	s1 =	sshll.u32 s1, $0x1;
	[smem:$0x7FF] =	sst s2  }
0x3: {  	s6 =	simm.s32 $0x1D00;
	s3 =	sor.u32 s0, s1;
	s1 =	rddreg [dreg:$0x0]  }
0x4: {  	s7 =	simm.s32 $0x2500;
	_ =	strace $0x80000047;
	[dreg:$0x6] =	wrdreg s6  }
0x5: {  	s8 =	simm.s32 $0x2D00;
	[dreg:$0x7] =	wrdreg s7  }
0x6: {  	s9 =	simm.s32 $0x3500;
	[dreg:$0x8] =	wrdreg s8  }
0x7: {  	s10 =	simm.s32 $0x3D00;
	[dreg:$0x9] =	wrdreg s9  }
0x8: {  	s11 =	simm.s32 $0x4500;
	[dreg:$0xa] =	wrdreg s10  }
0x9: {  	s12 =	simm.s32 $0x4D00;
	[dreg:$0xb] =	wrdreg s11  }
0xa: {  	s13 =	simm.s32 $0x5500;
	[dreg:$0xc] =	wrdreg s12  }
0xb: {  	s14 =	simm.s32 $0x5D00;
	[dreg:$0xd] =	wrdreg s13  }
0xc: {  	s15 =	simm.s32 $0x6500;
	[dreg:$0xe] =	wrdreg s14  }
0xd: {  	s16 =	simm.s32 $0x6D00;
	[dreg:$0xf] =	wrdreg s15  }
0xe: {  	s17 =	simm.s32 $0x7500;
	[dreg:$0x10] =	wrdreg s16  }
0xf: {  	s18 =	simm.s32 $0x7D00;
	[dreg:$0x11] =	wrdreg s17  }
0x10: {  	s19 =	simm.s32 $0x8500;
	[dreg:$0x12] =	wrdreg s18  }
0x11: {  	s20 =	simm.s32 $0x8D00;
	[dreg:$0x13] =	wrdreg s19  }
0x12: {  	s21 =	simm.s32 $0x9500;
	[dreg:$0x14] =	wrdreg s20  }
0x13: {  	s22 =	simm.s32 $0x9D00;
	[dreg:$0x15] =	wrdreg s21  }
0x14: {  	s23 =	simm.s32 $0xA500;
	[dreg:$0x16] =	wrdreg s22  }
0x15: {  	s24 =	simm.s32 $0xAD00;
	[dreg:$0x17] =	wrdreg s23  }
0x16: {  	s25 =	simm.s32 $0xB500;
	[dreg:$0x18] =	wrdreg s24  }
0x17: {  	s26 =	simm.s32 $0xBD00;
	[dreg:$0x19] =	wrdreg s25  }
0x18: {  	s28 =	simm.s32 $0xC500;
	[dreg:$0x1a] =	wrdreg s26  }
0x19: {  	s29 =	simm.s32 $0xCD00;
	[dreg:$0x1b] =	wrdreg s28  }
0x1a: {  	s30 =	simm.s32 $0xD500;
	[dreg:$0x1c] =	wrdreg s29  }
0x1b: {  	s31 =	simm.s32 $0xDD80;
	[dreg:$0x1d] =	wrdreg s30  }
0x1c: {  	[dreg:$0x1e] =	wrdreg s31;
	s6 =	simm.s32 $0xDF00  }
0x1d: {  	s8 =	simm.s32 $0xDF80;
	[smem:$0x7E8] =	sst s6  }
0x1e: {  	s11 =	simm.s32 $0xE000;
	[smem:$0x7E9] =	sst s8  }
0x1f: {  	s12 =	simm.s32 $0xE080;
	[smem:$0x7EA] =	sst s11  }
0x20: {  	s13 =	simm.s32 $0xE100;
	[smem:$0x7EB] =	sst s12  }
0x21: {  	s14 =	simm.s32 $0xE180;
	[smem:$0x7EC] =	sst s13  }
0x22: {  	s15 =	simm.s32 $0xE200;
	[smem:$0x7ED] =	sst s14  }
0x23: {  	s16 =	simm.s32 $0xE280;
	[smem:$0x7EE] =	sst s15  }
0x24: {  	s17 =	simm.s32 $0xE300;
	[smem:$0x7EF] =	sst s16  }
0x25: {  	s18 =	simm.s32 $0xE380;
	[smem:$0x7F0] =	sst s17  }
0x26: {  	s19 =	simm.s32 $0xE400;
	[smem:$0x7F1] =	sst s18  }
0x27: {  	s20 =	simm.s32 $0xE480;
	[smem:$0x7F2] =	sst s19  }
0x28: {  	s21 =	simm.s32 $0xE500;
	[smem:$0x7F3] =	sst s20  }
0x29: {  	p0 =	por $0x0, $0x0;
	s22 =	simm.s32 $0xE580;
	[smem:$0x7F4] =	sst s21  }
0x2a: {  	s0 =	ssub.s32 $0x2, s0;
	s23 =	simm.s32 $0xE600;
	[smem:$0x7F5] =	sst s22  }
0x2b: {  	s24 =	simm.s32 $0xE680;
	s25 =	simm.s32 $0xE700;
	[smem:$0x7F6] =	sst s23  }
0x2c: {  	s26 =	simm.s32 $0xE780;
	s28 =	simm.s32 $0xE800;
	[smem:$0x7F7] =	sst s24  }
0x2d: {  	s29 =	simm.s32 $0xE880;
	s30 =	simm.s32 $0xE900;
	[smem:$0x7F8] =	sst s25  }
0x2e: {  	s31 =	simm.s32 $0xE980;
	s4 =	smul.u32 $0x1A0, s3;
	[smem:$0x7F9] =	sst s26  }
0x2f: {  	s3 =	smul.u32 $0x1A00, s3;
	s10 =	sadd.s32 $0x27AC600, s1;
	[smem:$0x7FA] =	sst s28  }
0x30: {  	s7 =	sadd.s32 $0x200, s1;
	s9 =	sshrl.u32 s0, $0x1;
	[smem:$0x7FB] =	sst s29  }
0x31: {  	s11 =	simm.s32 $0xD00;
	[smem:$0x7FC] =	sst s30;
	s13 =	simm.s32 $0x800  }
0x32: {  	[smem:$0x7FD] =	sst s31;
	s18 =	simm.s32 $0x980;
	s4 =	sadd.s32 s4, s1  }
0x33: {  	s0 =	ssub.s32 s0, s9;
	s3 =	sadd.s32 s3, s1;
	s5 =	sadd.s32 $0x4F800, s4  }
0x34: {  	s6 =	smax.u32 s0, $0x1;
	s3 =	sadd.s32 $0x52C00, s3;
	[dreg:$0x2] =	wrdreg s5  }
0x35: {  	s4 =	sadd.s32 $0x86C00, s4;
	p1 =	sne.s32 s6, $0x1;
	[dreg:$0x3] =	wrdreg s3  }
.Ltmp0:
0x36: {  	[dreg:$0x4] =	wrdreg s4;
	s5 =	simm.s32 $0x1500;
	(pc) =	sbr.rel @!p1 .LBB2_5-.Ltmp0, $4  }
0x37: {  	s17 =	simm.s32 $0xA00;
	s4 =	simm.s32 $0xDE00;
	[dreg:$0x5] =	wrdreg s5  }
0x38: {  	s8 =	simm.s32 $0x1;
	s9 =	simm.s32 $0x80;
	[dreg:$0x1f] =	wrdreg s4  }
0x39: {  	s0 =	sadd.s32 $0xFFFFFFFF, s6;
	s5 =	simm.s32 $0xDE80;
	s12 =	rddreg [dreg:$0x2]  }
0x3a: {  	s6 =	simm.s32 $0x2;
	s3 =	simm.s32 $0x3;
	[smem:$0x7E7] =	sst s5  }
0x3b: {  	[tilespmem:s2], [sflag:$0x3] =	stream.linear.gather [hbm4b:s12+s2], $0xD00, $0x38;
	[tilespmem:$0xEA00] =	vst v63  }
0x3c: {  	_ =	swait.ge [sflag:s3], $0xD00  }
0x3d: {  	[sflag:s3] =	ssyncset.done $0x0  }
0x3e: {  	s26 =	rddreg [dreg:$0x5];
	[sflag:s3] =	ssyncadd.s32 $0xFFFFF300  }
0x3f: {  	[tilespmem:s11], [sflag:$0x1] =	stream.indirect.gather [hbm4b:s10+s9], $0x10, s2, s9, $0xb8;
	[tilespmem:$0xEA00] =	vst v63  }
0x40: {  	s28 =	rddreg [dreg:$0x6]  }
0x41: {  	[tilespmem:s26], [sflag:$0x1] =	stream.indirect.gather [hbm4b:s10+s9], $0x10, s9, s9, $0xb8;
	[tilespmem:$0xEA00] =	vst v63  }
0x42: {  	s20 =	simm.s32 $0x100;
	s29 =	rddreg [dreg:$0x7]  }
0x43: {  	[tilespmem:s28], [sflag:$0x1] =	stream.indirect.gather [hbm4b:s10+s9], $0x10, s20, s9, $0xb8;
	[tilespmem:$0xEA00] =	vst v63  }
0x44: {  	s21 =	simm.s32 $0x180;
	s30 =	rddreg [dreg:$0x8]  }
0x45: {  	[tilespmem:s29], [sflag:$0x1] =	stream.indirect.gather [hbm4b:s10+s9], $0x10, s21, s9, $0xb8;
	[tilespmem:$0xEA00] =	vst v63  }
0x46: {  	s22 =	simm.s32 $0x200;
	s31 =	rddreg [dreg:$0x9]  }
0x47: {  	[tilespmem:s30], [sflag:$0x1] =	stream.indirect.gather [hbm4b:s10+s9], $0x10, s22, s9, $0xb8;
	[tilespmem:$0xEA00] =	vst v63  }
0x48: {  	s23 =	simm.s32 $0x280;
	s1 =	rddreg [dreg:$0xa]  }
0x49: {  	[tilespmem:s31], [sflag:$0x1] =	stream.indirect.gather [hbm4b:s10+s9], $0x10, s23, s9, $0xb8;
	[tilespmem:$0xEA00] =	vst v63  }
0x4a: {  	s24 =	simm.s32 $0x300;
	s4 =	rddreg [dreg:$0xc]  }
0x4b: {  	[tilespmem:s1], [sflag:$0x1] =	stream.indirect.gather [hbm4b:s10+s9], $0x10, s24, s9, $0xb8;
	[tilespmem:$0xEA00] =	vst v63  }
0x4c: {  	s25 =	simm.s32 $0x380;
	s2 =	rddreg [dreg:$0xb]  }
0x4d: {  	[tilespmem:s2], [sflag:$0x1] =	stream.indirect.gather [hbm4b:s10+s9], $0x10, s25, s9, $0xb8;
	[tilespmem:$0xEA00] =	vst v63  }
0x4e: {  	s5 =	rddreg [dreg:$0xd];
	s26 =	simm.s32 $0x400  }
0x4f: {  	[tilespmem:s4], [sflag:$0x1] =	stream.indirect.gather [hbm4b:s10+s9], $0x10, s26, s9, $0xb8;
	[tilespmem:$0xEA00] =	vst v63  }
0x50: {  	s14 =	rddreg [dreg:$0xe];
	s29 =	simm.s32 $0x480  }
0x51: {  	[tilespmem:s5], [sflag:$0x1] =	stream.indirect.gather [hbm4b:s10+s9], $0x10, s29, s9, $0xb8;
	[tilespmem:$0xEA00] =	vst v63  }
0x52: {  	s15 =	simm.s32 $0x500;
	s16 =	rddreg [dreg:$0xf]  }
0x53: {  	[tilespmem:s14], [sflag:$0x1] =	stream.indirect.gather [hbm4b:s10+s9], $0x10, s15, s9, $0xb8;
	[tilespmem:$0xEA00] =	vst v63  }
0x54: {  	s19 =	rddreg [dreg:$0x10];
	s4 =	simm.s32 $0x580  }
0x55: {  	[tilespmem:s16], [sflag:$0x1] =	stream.indirect.gather [hbm4b:s10+s9], $0x10, s4, s9, $0xb8;
	[tilespmem:$0xEA00] =	vst v63  }
0x56: {  	[smem:$0x7E6] =	sst s0;
	s5 =	simm.s32 $0x600  }
0x57: {  	[tilespmem:s19], [sflag:$0x1] =	stream.indirect.gather [hbm4b:s10+s9], $0x10, s5, s9, $0xb8;
	[tilespmem:$0xEA00] =	vst v63  }
0x58: {  	s28 =	rddreg [dreg:$0x11];
	s16 =	simm.s32 $0x680  }
0x59: {  	[tilespmem:s28], [sflag:$0x1] =	stream.indirect.gather [hbm4b:s10+s9], $0x10, s16, s9, $0xb8;
	[tilespmem:$0xEA00] =	vst v63  }
0x5a: {  	s30 =	rddreg [dreg:$0x12];
	s28 =	simm.s32 $0x700  }
0x5b: {  	[tilespmem:s30], [sflag:$0x1] =	stream.indirect.gather [hbm4b:s10+s9], $0x10, s28, s9, $0xb8;
	[tilespmem:$0xEA00] =	vst v63  }
0x5c: {  	s31 =	rddreg [dreg:$0x13];
	s14 =	simm.s32 $0x780  }
0x5d: {  	[tilespmem:s31], [sflag:$0x1] =	stream.indirect.gather [hbm4b:s10+s9], $0x10, s14, s9, $0xb8;
	[tilespmem:$0xEA00] =	vst v63  }
0x5e: {  	s1 =	rddreg [dreg:$0x14]  }
0x5f: {  	[tilespmem:s1], [sflag:$0x1] =	stream.indirect.gather [hbm4b:s10+s9], $0x10, s13, s9, $0xb8;
	[tilespmem:$0xEA00] =	vst v63  }
0x60: {  	s2 =	rddreg [dreg:$0x15];
	s1 =	simm.s32 $0x880  }
0x61: {  	[tilespmem:s2], [sflag:$0x1] =	stream.indirect.gather [hbm4b:s10+s9], $0x10, s1, s9, $0xb8;
	[tilespmem:$0xEA00] =	vst v63  }
0x62: {  	s19 =	rddreg [dreg:$0x16];
	s30 =	simm.s32 $0x900  }
0x63: {  	[tilespmem:s19], [sflag:$0x1] =	stream.indirect.gather [hbm4b:s10+s9], $0x10, s30, s9, $0xb8;
	[tilespmem:$0xEA00] =	vst v63  }
0x64: {  	s31 =	rddreg [dreg:$0x17]  }
0x65: {  	[tilespmem:s31], [sflag:$0x1] =	stream.indirect.gather [hbm4b:s10+s9], $0x10, s18, s9, $0xb8;
	[tilespmem:$0xEA00] =	vst v63  }
0x66: {  	s2 =	rddreg [dreg:$0x18]  }
0x67: {  	[tilespmem:s2], [sflag:$0x1] =	stream.indirect.gather [hbm4b:s10+s9], $0x10, s17, s9, $0xb8;
	[tilespmem:$0xEA00] =	vst v63  }
0x68: {  	s19 =	rddreg [dreg:$0x19];
	s31 =	simm.s32 $0xA80  }
0x69: {  	[tilespmem:s19], [sflag:$0x1] =	stream.indirect.gather [hbm4b:s10+s9], $0x10, s31, s9, $0xb8;
	[tilespmem:$0xEA00] =	vst v63  }
0x6a: {  	s2 =	rddreg [dreg:$0x1a];
	s17 =	simm.s32 $0xB00  }
0x6b: {  	[tilespmem:s2], [sflag:$0x1] =	stream.indirect.gather [hbm4b:s10+s9], $0x10, s17, s9, $0xb8;
	[tilespmem:$0xEA00] =	vst v63  }
0x6c: {  	s0 =	simm.s32 $0xB80;
	s18 =	rddreg [dreg:$0x1b]  }
0x6d: {  	[tilespmem:s18], [sflag:$0x1] =	stream.indirect.gather [hbm4b:s10+s9], $0x10, s0, s9, $0xb8;
	[tilespmem:$0xEA00] =	vst v63  }
0x6e: {  	s19 =	rddreg [dreg:$0x1c];
	s18 =	simm.s32 $0xC00  }
0x6f: {  	[tilespmem:s19], [sflag:$0x1] =	stream.indirect.gather [hbm4b:s10+s9], $0x10, s18, s9, $0xb8;
	[tilespmem:$0xEA00] =	vst v63  }
0x70: {  	s2 =	rddreg [dreg:$0x1d];
	s19 =	simm.s32 $0xC80  }
0x71: {  	[tilespmem:s2], [sflag:$0x1] =	stream.indirect.gather [hbm4b:s10+s9], $0x10, s19, s9, $0xb8;
	[tilespmem:$0xEA00] =	vst v63  }
0x72: {  	s12 =	simm.s32 $0xDD00;
	s11 =	rddreg [dreg:$0x1e];
	s2 =	simm.s32 $0x0  }
0x73: {  	[tilespmem:s12], [sflag:$0x2] =	stream.indirect.gather [hbm4b:s7+s9], $0x1, s2, s9, $0xb8;
	[tilespmem:$0xEA00] =	vst v63  }
0x74: {  	s12 =	rddreg [dreg:$0x1f]  }
0x75: {  	[tilespmem:s11], [sflag:$0x2] =	stream.indirect.gather [hbm4b:s7+s9], $0x1, s9, s9, $0xb8;
	[tilespmem:$0xEA00] =	vst v63  }
0x76: {  	s2 =	sld [smem:$0x7E7]  }
0x77: {  	[tilespmem:s12], [sflag:$0x2] =	stream.indirect.gather [hbm4b:s7+s9], $0x1, s20, s9, $0xb8;
	[tilespmem:$0xEA00] =	vst v63  }
0x78: {  	s20 =	sld [smem:$0x7E8]  }
0x79: {  	[tilespmem:s2], [sflag:$0x2] =	stream.indirect.gather [hbm4b:s7+s9], $0x1, s21, s9, $0xb8;
	[tilespmem:$0xEA00] =	vst v63  }
0x7a: {  	s21 =	sld [smem:$0x7E9]  }
0x7b: {  	[tilespmem:s20], [sflag:$0x2] =	stream.indirect.gather [hbm4b:s7+s9], $0x1, s22, s9, $0xb8;
	[tilespmem:$0xEA00] =	vst v63  }
0x7c: {  	s22 =	sld [smem:$0x7EA]  }
0x7d: {  	[tilespmem:s21], [sflag:$0x2] =	stream.indirect.gather [hbm4b:s7+s9], $0x1, s23, s9, $0xb8;
	[tilespmem:$0xEA00] =	vst v63  }
0x7e: {  	s23 =	sld [smem:$0x7EB]  }
0x7f: {  	[tilespmem:s22], [sflag:$0x2] =	stream.indirect.gather [hbm4b:s7+s9], $0x1, s24, s9, $0xb8;
	[tilespmem:$0xEA00] =	vst v63  }
0x80: {  	s2 =	sld [smem:$0x7EC]  }
0x81: {  	[tilespmem:s23], [sflag:$0x2] =	stream.indirect.gather [hbm4b:s7+s9], $0x1, s25, s9, $0xb8;
	[tilespmem:$0xEA00] =	vst v63  }
0x82: {  	s20 =	sld [smem:$0x7ED]  }
0x83: {  	[tilespmem:s2], [sflag:$0x2] =	stream.indirect.gather [hbm4b:s7+s9], $0x1, s26, s9, $0xb8;
	[tilespmem:$0xEA00] =	vst v63  }
0x84: {  	s21 =	sld [smem:$0x7EE]  }
0x85: {  	[tilespmem:s20], [sflag:$0x2] =	stream.indirect.gather [hbm4b:s7+s9], $0x1, s29, s9, $0xb8;
	[tilespmem:$0xEA00] =	vst v63  }
0x86: {  	s22 =	sld [smem:$0x7EF]  }
0x87: {  	[tilespmem:s21], [sflag:$0x2] =	stream.indirect.gather [hbm4b:s7+s9], $0x1, s15, s9, $0xb8;
	[tilespmem:$0xEA00] =	vst v63  }
0x88: {  	s23 =	sld [smem:$0x7F0]  }
0x89: {  	[tilespmem:s22], [sflag:$0x2] =	stream.indirect.gather [hbm4b:s7+s9], $0x1, s4, s9, $0xb8;
	[tilespmem:$0xEA00] =	vst v63  }
0x8a: {  	s24 =	sld [smem:$0x7F1]  }
0x8b: {  	[tilespmem:s23], [sflag:$0x2] =	stream.indirect.gather [hbm4b:s7+s9], $0x1, s5, s9, $0xb8;
	[tilespmem:$0xEA00] =	vst v63  }
0x8c: {  	s25 =	sld [smem:$0x7F2]  }
0x8d: {  	[tilespmem:s24], [sflag:$0x2] =	stream.indirect.gather [hbm4b:s7+s9], $0x1, s16, s9, $0xb8;
	[tilespmem:$0xEA00] =	vst v63  }
0x8e: {  	s26 =	sld [smem:$0x7F3]  }
0x8f: {  	[tilespmem:s25], [sflag:$0x2] =	stream.indirect.gather [hbm4b:s7+s9], $0x1, s28, s9, $0xb8;
	[tilespmem:$0xEA00] =	vst v63  }
0x90: {  	s29 =	sld [smem:$0x7F4]  }
0x91: {  	[tilespmem:s26], [sflag:$0x2] =	stream.indirect.gather [hbm4b:s7+s9], $0x1, s14, s9, $0xb8;
	[tilespmem:$0xEA00] =	vst v63  }
0x92: {  	s2 =	sld [smem:$0x7F5]  }
0x93: {  	[tilespmem:s29], [sflag:$0x2] =	stream.indirect.gather [hbm4b:s7+s9], $0x1, s13, s9, $0xb8;
	[tilespmem:$0xEA00] =	vst v63  }
0x94: {  	s4 =	sld [smem:$0x7F6]  }
0x95: {  	[tilespmem:s2], [sflag:$0x2] =	stream.indirect.gather [hbm4b:s7+s9], $0x1, s1, s9, $0xb8;
	[tilespmem:$0xEA00] =	vst v63  }
0x96: {  	s5 =	sld [smem:$0x7F7]  }
0x97: {  	[tilespmem:s4], [sflag:$0x2] =	stream.indirect.gather [hbm4b:s7+s9], $0x1, s30, s9, $0xb8;
	[tilespmem:$0xEA00] =	vst v63  }
0x98: {  	s14 =	simm.s32 $0x980;
	s13 =	sld [smem:$0x7F8]  }
0x99: {  	[tilespmem:s5], [sflag:$0x2] =	stream.indirect.gather [hbm4b:s7+s9], $0x1, s14, s9, $0xb8;
	[tilespmem:$0xEA00] =	vst v63  }
0x9a: {  	s15 =	sld [smem:$0x7F9];
	s16 =	simm.s32 $0xA00  }
0x9b: {  	[tilespmem:s13], [sflag:$0x2] =	stream.indirect.gather [hbm4b:s7+s9], $0x1, s16, s9, $0xb8;
	[tilespmem:$0xEA00] =	vst v63  }
0x9c: {  	s20 =	sld [smem:$0x7FA]  }
0x9d: {  	[tilespmem:s15], [sflag:$0x2] =	stream.indirect.gather [hbm4b:s7+s9], $0x1, s31, s9, $0xb8;
	[tilespmem:$0xEA00] =	vst v63  }
0x9e: {  	s21 =	sld [smem:$0x7FB]  }
0x9f: {  	[tilespmem:s20], [sflag:$0x2] =	stream.indirect.gather [hbm4b:s7+s9], $0x1, s17, s9, $0xb8;
	[tilespmem:$0xEA00] =	vst v63  }
0xa0: {  	s22 =	sld [smem:$0x7FC]  }
0xa1: {  	[tilespmem:s21], [sflag:$0x2] =	stream.indirect.gather [hbm4b:s7+s9], $0x1, s0, s9, $0xb8;
	[tilespmem:$0xEA00] =	vst v63  }
0xa2: {  	s23 =	sld [smem:$0x7FD]  }
0xa3: {  	[tilespmem:s22], [sflag:$0x2] =	stream.indirect.gather [hbm4b:s7+s9], $0x1, s18, s9, $0xb8;
	[tilespmem:$0xEA00] =	vst v63  }
0xa4: {  	_ = 	snop  }
0xa5: {  	[tilespmem:s23], [sflag:$0x2] =	stream.indirect.gather [hbm4b:s7+s9], $0x1, s19, s9, $0xb8;
	[tilespmem:$0xEA00] =	vst v63  }
0xa6: {  	_ =	swait.ge [sflag:s8], $0x800  }
0xa7: {  	[sflag:s8] =	ssyncset.done $0x0  }
0xa8: {  	[sflag:s8] =	ssyncadd.s32 $0xFFFFF800  }
0xa9: {  	_ =	swait.ge [sflag:s8], $0x800  }
0xaa: {  	[sflag:s8] =	ssyncset.done $0x0  }
0xab: {  	[sflag:s8] =	ssyncadd.s32 $0xFFFFF800  }
0xac: {  	_ =	swait.ge [sflag:s8], $0x800  }
0xad: {  	[sflag:s8] =	ssyncset.done $0x0  }
0xae: {  	[sflag:s8] =	ssyncadd.s32 $0xFFFFF800  }
0xaf: {  	_ =	swait.ge [sflag:s8], $0x800  }
0xb0: {  	[sflag:s8] =	ssyncset.done $0x0  }
0xb1: {  	[sflag:s8] =	ssyncadd.s32 $0xFFFFF800  }
0xb2: {  	_ =	swait.ge [sflag:s8], $0x800  }
0xb3: {  	[sflag:s8] =	ssyncset.done $0x0  }
0xb4: {  	[sflag:s8] =	ssyncadd.s32 $0xFFFFF800  }
0xb5: {  	_ =	swait.ge [sflag:s8], $0x800  }
0xb6: {  	[sflag:s8] =	ssyncset.done $0x0  }
0xb7: {  	[sflag:s8] =	ssyncadd.s32 $0xFFFFF800  }
0xb8: {  	_ =	swait.ge [sflag:s8], $0x800  }
0xb9: {  	[sflag:s8] =	ssyncset.done $0x0  }
0xba: {  	[sflag:s8] =	ssyncadd.s32 $0xFFFFF800  }
0xbb: {  	_ =	swait.ge [sflag:s8], $0x800  }
0xbc: {  	[sflag:s8] =	ssyncset.done $0x0  }
0xbd: {  	[sflag:s8] =	ssyncadd.s32 $0xFFFFF800  }
0xbe: {  	_ =	swait.ge [sflag:s8], $0x800  }
0xbf: {  	[sflag:s8] =	ssyncset.done $0x0  }
0xc0: {  	[sflag:s8] =	ssyncadd.s32 $0xFFFFF800  }
0xc1: {  	_ =	swait.ge [sflag:s8], $0x800  }
0xc2: {  	[sflag:s8] =	ssyncset.done $0x0  }
0xc3: {  	[sflag:s8] =	ssyncadd.s32 $0xFFFFF800  }
0xc4: {  	_ =	swait.ge [sflag:s8], $0x800  }
0xc5: {  	[sflag:s8] =	ssyncset.done $0x0  }
0xc6: {  	[sflag:s8] =	ssyncadd.s32 $0xFFFFF800  }
0xc7: {  	_ =	swait.ge [sflag:s8], $0x800  }
0xc8: {  	[sflag:s8] =	ssyncset.done $0x0  }
0xc9: {  	[sflag:s8] =	ssyncadd.s32 $0xFFFFF800  }
0xca: {  	_ =	swait.ge [sflag:s8], $0x800  }
0xcb: {  	[sflag:s8] =	ssyncset.done $0x0  }
0xcc: {  	[sflag:s8] =	ssyncadd.s32 $0xFFFFF800  }
0xcd: {  	_ =	swait.ge [sflag:s8], $0x800  }
0xce: {  	[sflag:s8] =	ssyncset.done $0x0  }
0xcf: {  	[sflag:s8] =	ssyncadd.s32 $0xFFFFF800  }
0xd0: {  	_ =	swait.ge [sflag:s8], $0x800  }
0xd1: {  	[sflag:s8] =	ssyncset.done $0x0  }
0xd2: {  	[sflag:s8] =	ssyncadd.s32 $0xFFFFF800  }
0xd3: {  	_ =	swait.ge [sflag:s8], $0x800  }
0xd4: {  	[sflag:s8] =	ssyncset.done $0x0  }
0xd5: {  	[sflag:s8] =	ssyncadd.s32 $0xFFFFF800  }
0xd6: {  	_ =	swait.ge [sflag:s8], $0x800  }
0xd7: {  	[sflag:s8] =	ssyncset.done $0x0  }
0xd8: {  	[sflag:s8] =	ssyncadd.s32 $0xFFFFF800  }
0xd9: {  	_ =	swait.ge [sflag:s8], $0x800  }
0xda: {  	[sflag:s8] =	ssyncset.done $0x0  }
0xdb: {  	[sflag:s8] =	ssyncadd.s32 $0xFFFFF800  }
0xdc: {  	_ =	swait.ge [sflag:s8], $0x800  }
0xdd: {  	[sflag:s8] =	ssyncset.done $0x0  }
0xde: {  	[sflag:s8] =	ssyncadd.s32 $0xFFFFF800  }
0xdf: {  	_ =	swait.ge [sflag:s8], $0x800  }
0xe0: {  	[sflag:s8] =	ssyncset.done $0x0  }
0xe1: {  	[sflag:s8] =	ssyncadd.s32 $0xFFFFF800  }
0xe2: {  	_ =	swait.ge [sflag:s8], $0x800  }
0xe3: {  	[sflag:s8] =	ssyncset.done $0x0  }
0xe4: {  	[sflag:s8] =	ssyncadd.s32 $0xFFFFF800  }
0xe5: {  	_ =	swait.ge [sflag:s8], $0x800  }
0xe6: {  	[sflag:s8] =	ssyncset.done $0x0  }
0xe7: {  	[sflag:s8] =	ssyncadd.s32 $0xFFFFF800  }
0xe8: {  	_ =	swait.ge [sflag:s8], $0x800  }
0xe9: {  	[sflag:s8] =	ssyncset.done $0x0  }
0xea: {  	[sflag:s8] =	ssyncadd.s32 $0xFFFFF800  }
0xeb: {  	_ =	swait.ge [sflag:s8], $0x800  }
0xec: {  	[sflag:s8] =	ssyncset.done $0x0  }
0xed: {  	[sflag:s8] =	ssyncadd.s32 $0xFFFFF800  }
0xee: {  	_ =	swait.ge [sflag:s8], $0x800  }
0xef: {  	[sflag:s8] =	ssyncset.done $0x0  }
0xf0: {  	[sflag:s8] =	ssyncadd.s32 $0xFFFFF800  }
0xf1: {  	_ =	swait.ge [sflag:s8], $0x800  }
0xf2: {  	[sflag:s8] =	ssyncset.done $0x0  }
0xf3: {  	[sflag:s8] =	ssyncadd.s32 $0xFFFFF800  }
0xf4: {  	_ =	swait.ge [sflag:s6], $0x80  }
0xf5: {  	[sflag:s6] =	ssyncset.done $0x0  }
0xf6: {  	[sflag:s6] =	ssyncadd.s32 $0xFFFFFF80  }
0xf7: {  	_ =	swait.ge [sflag:s6], $0x80  }
0xf8: {  	[sflag:s6] =	ssyncset.done $0x0  }
0xf9: {  	[sflag:s6] =	ssyncadd.s32 $0xFFFFFF80  }
0xfa: {  	_ =	swait.ge [sflag:s6], $0x80  }
0xfb: {  	[sflag:s6] =	ssyncset.done $0x0  }
0xfc: {  	[sflag:s6] =	ssyncadd.s32 $0xFFFFFF80  }
0xfd: {  	_ =	swait.ge [sflag:s6], $0x80  }
0xfe: {  	[sflag:s6] =	ssyncset.done $0x0  }
0xff: {  	[sflag:s6] =	ssyncadd.s32 $0xFFFFFF80  }
0x100: {  	_ =	swait.ge [sflag:s6], $0x80  }
0x101: {  	[sflag:s6] =	ssyncset.done $0x0  }
0x102: {  	[sflag:s6] =	ssyncadd.s32 $0xFFFFFF80  }
0x103: {  	_ =	swait.ge [sflag:s6], $0x80  }
0x104: {  	[sflag:s6] =	ssyncset.done $0x0  }
0x105: {  	[sflag:s6] =	ssyncadd.s32 $0xFFFFFF80  }
0x106: {  	_ =	swait.ge [sflag:s6], $0x80  }
0x107: {  	[sflag:s6] =	ssyncset.done $0x0  }
0x108: {  	[sflag:s6] =	ssyncadd.s32 $0xFFFFFF80  }
0x109: {  	_ =	swait.ge [sflag:s6], $0x80  }
0x10a: {  	[sflag:s6] =	ssyncset.done $0x0  }
0x10b: {  	[sflag:s6] =	ssyncadd.s32 $0xFFFFFF80  }
0x10c: {  	_ =	swait.ge [sflag:s6], $0x80  }
0x10d: {  	[sflag:s6] =	ssyncset.done $0x0  }
0x10e: {  	[sflag:s6] =	ssyncadd.s32 $0xFFFFFF80  }
0x10f: {  	_ =	swait.ge [sflag:s6], $0x80  }
0x110: {  	[sflag:s6] =	ssyncset.done $0x0  }
0x111: {  	[sflag:s6] =	ssyncadd.s32 $0xFFFFFF80  }
0x112: {  	_ =	swait.ge [sflag:s6], $0x80  }
0x113: {  	[sflag:s6] =	ssyncset.done $0x0  }
0x114: {  	[sflag:s6] =	ssyncadd.s32 $0xFFFFFF80  }
0x115: {  	_ =	swait.ge [sflag:s6], $0x80  }
0x116: {  	[sflag:s6] =	ssyncset.done $0x0  }
0x117: {  	[sflag:s6] =	ssyncadd.s32 $0xFFFFFF80  }
0x118: {  	_ =	swait.ge [sflag:s6], $0x80  }
0x119: {  	[sflag:s6] =	ssyncset.done $0x0  }
0x11a: {  	[sflag:s6] =	ssyncadd.s32 $0xFFFFFF80  }
0x11b: {  	_ =	swait.ge [sflag:s6], $0x80  }
0x11c: {  	[sflag:s6] =	ssyncset.done $0x0  }
0x11d: {  	[sflag:s6] =	ssyncadd.s32 $0xFFFFFF80  }
0x11e: {  	_ =	swait.ge [sflag:s6], $0x80  }
0x11f: {  	[sflag:s6] =	ssyncset.done $0x0  }
0x120: {  	[sflag:s6] =	ssyncadd.s32 $0xFFFFFF80  }
0x121: {  	_ =	swait.ge [sflag:s6], $0x80  }
0x122: {  	[sflag:s6] =	ssyncset.done $0x0  }
0x123: {  	[sflag:s6] =	ssyncadd.s32 $0xFFFFFF80  }
0x124: {  	_ =	swait.ge [sflag:s6], $0x80  }
0x125: {  	[sflag:s6] =	ssyncset.done $0x0  }
0x126: {  	[sflag:s6] =	ssyncadd.s32 $0xFFFFFF80  }
0x127: {  	_ =	swait.ge [sflag:s6], $0x80  }
0x128: {  	[sflag:s6] =	ssyncset.done $0x0  }
0x129: {  	[sflag:s6] =	ssyncadd.s32 $0xFFFFFF80  }
0x12a: {  	_ =	swait.ge [sflag:s6], $0x80  }
0x12b: {  	[sflag:s6] =	ssyncset.done $0x0  }
0x12c: {  	[sflag:s6] =	ssyncadd.s32 $0xFFFFFF80  }
0x12d: {  	_ =	swait.ge [sflag:s6], $0x80  }
0x12e: {  	[sflag:s6] =	ssyncset.done $0x0  }
0x12f: {  	[sflag:s6] =	ssyncadd.s32 $0xFFFFFF80  }
0x130: {  	_ =	swait.ge [sflag:s6], $0x80  }
0x131: {  	[sflag:s6] =	ssyncset.done $0x0  }
0x132: {  	[sflag:s6] =	ssyncadd.s32 $0xFFFFFF80  }
0x133: {  	_ =	swait.ge [sflag:s6], $0x80  }
0x134: {  	[sflag:s6] =	ssyncset.done $0x0  }
0x135: {  	[sflag:s6] =	ssyncadd.s32 $0xFFFFFF80  }
0x136: {  	_ =	swait.ge [sflag:s6], $0x80  }
0x137: {  	[sflag:s6] =	ssyncset.done $0x0  }
0x138: {  	[sflag:s6] =	ssyncadd.s32 $0xFFFFFF80  }
0x139: {  	_ =	swait.ge [sflag:s6], $0x80  }
0x13a: {  	[sflag:s6] =	ssyncset.done $0x0  }
0x13b: {  	[sflag:s6] =	ssyncadd.s32 $0xFFFFFF80  }
0x13c: {  	_ =	swait.ge [sflag:s6], $0x80  }
0x13d: {  	[sflag:s6] =	ssyncset.done $0x0  }
0x13e: {  	[sflag:s6] =	ssyncadd.s32 $0xFFFFFF80  }
0x13f: {  	_ =	swait.ge [sflag:s6], $0x80  }
0x140: {  	s25 =	simm.s32 $0xD00;
	[sflag:s6] =	ssyncset.done $0x0  }
0x141: {  	s26 =	simm.s32 $0x0;
	s24 =	rddreg [dreg:$0x3];
	[sflag:s6] =	ssyncadd.s32 $0xFFFFFF80  }
0x142: {  	[hbm4b:s24+s26] =	stream.linear.scatter [tilespmem:s25], [sflag:$0x3], $0xD000, $0x38;
	[tilespmem:$0xEA00] =	vst v63  }
0x143: {  	_ =	swait.ge [sflag:s3], $0xD000  }
0x144: {  	s31 =	sld [smem:$0x7E6];
	_ =	sdelay $0x2  }
0x145: {  	p1 =	sne.s32 s31, $0x1  }
.Ltmp1:
0x146: {  	s29 =	simm.s32 $0xDD00;
	[sflag:s3] =	ssyncset.done $0x0;
	(pc) =	sbr.rel @!p1 .LBB2_6-.Ltmp1, $4  }
0x147: {  	s30 =	simm.s32 $0x0;
	s28 =	rddreg [dreg:$0x4];
	[sflag:s3] =	ssyncadd.s32 $0xFFFF3000  }
0x148: {  	[hbm4b:s28+s30] =	stream.linear.scatter [tilespmem:s29], [sflag:$0x3], $0xD00, $0x38;
	[tilespmem:$0xEA00] =	vst v63  }
0x149: {  	p0 =	por $0x1, $0x1;
	s2 =	simm.s32 $0x0;
	_ =	swait.ge [sflag:s3], $0xD00  }
0x14a: {  	s11 =	sadd.s32 $0xFFFFFFFF, s31;
	s12 =	rddreg [dreg:$0x2];
	[sflag:s3] =	ssyncset.done $0x0  }
0x14b: {  	s21 =	simm.s32 $0x100  }
0x14c: {  	s22 =	simm.s32 $0x180;
	s23 =	simm.s32 $0x200;
	s24 =	simm.s32 $0x280  }
0x14d: {  	s25 =	simm.s32 $0x300;
	s26 =	simm.s32 $0x380;
	s29 =	simm.s32 $0x400  }
0x14e: {  	s31 =	simm.s32 $0x480;
	s15 =	simm.s32 $0x500;
	s4 =	simm.s32 $0x580  }
0x14f: {  	s5 =	simm.s32 $0x600;
	s16 =	simm.s32 $0x680;
	s28 =	simm.s32 $0x700  }
0x150: {  	s14 =	simm.s32 $0x780;
	s30 =	simm.s32 $0x900;
	s18 =	simm.s32 $0xA80  }
0x151: {  	s17 =	simm.s32 $0xB00;
	s19 =	simm.s32 $0xC00;
	s20 =	simm.s32 $0xC80  }
.LBB2_3:
0x152: {  	[sflag:s3] =	ssyncadd.s32 $0xFFFFF300  }
0x153: {  	[tilespmem:s2], [sflag:$0x3] =	stream.linear.gather [hbm4b:s12+s2], $0xD00, $0x38;
	[tilespmem:$0xEA00] =	vst v63  }
0x154: {  	_ =	swait.ge [sflag:s3], $0xD00  }
0x155: {  	[sflag:s3] =	ssyncset.done $0x0  }
0x156: {  	s0 =	simm.s32 $0xD00;
	[sflag:s3] =	ssyncadd.s32 $0xFFFFF300  }
0x157: {  	[tilespmem:s0], [sflag:$0x1] =	stream.indirect.gather [hbm4b:s10+s9], $0x10, s2, s9, $0xb8;
	[tilespmem:$0xEA00] =	vst v63  }
0x158: {  	s3 =	rddreg [dreg:$0x5]  }
0x159: {  	[tilespmem:s3], [sflag:$0x1] =	stream.indirect.gather [hbm4b:s10+s9], $0x10, s9, s9, $0xb8;
	[tilespmem:$0xEA00] =	vst v63  }
0x15a: {  	s13 =	rddreg [dreg:$0x6]  }
0x15b: {  	[tilespmem:s13], [sflag:$0x1] =	stream.indirect.gather [hbm4b:s10+s9], $0x10, s21, s9, $0xb8;
	[tilespmem:$0xEA00] =	vst v63  }
0x15c: {  	s0 =	rddreg [dreg:$0x7]  }
0x15d: {  	[tilespmem:s0], [sflag:$0x1] =	stream.indirect.gather [hbm4b:s10+s9], $0x10, s22, s9, $0xb8;
	[tilespmem:$0xEA00] =	vst v63  }
0x15e: {  	s1 =	rddreg [dreg:$0x8]  }
0x15f: {  	[tilespmem:s1], [sflag:$0x1] =	stream.indirect.gather [hbm4b:s10+s9], $0x10, s23, s9, $0xb8;
	[tilespmem:$0xEA00] =	vst v63  }
0x160: {  	s2 =	rddreg [dreg:$0x9]  }
0x161: {  	[tilespmem:s2], [sflag:$0x1] =	stream.indirect.gather [hbm4b:s10+s9], $0x10, s24, s9, $0xb8;
	[tilespmem:$0xEA00] =	vst v63  }
0x162: {  	s3 =	rddreg [dreg:$0xa]  }
0x163: {  	[tilespmem:s3], [sflag:$0x1] =	stream.indirect.gather [hbm4b:s10+s9], $0x10, s25, s9, $0xb8;
	[tilespmem:$0xEA00] =	vst v63  }
0x164: {  	s0 =	rddreg [dreg:$0xb]  }
0x165: {  	[tilespmem:s0], [sflag:$0x1] =	stream.indirect.gather [hbm4b:s10+s9], $0x10, s26, s9, $0xb8;
	[tilespmem:$0xEA00] =	vst v63  }
0x166: {  	s1 =	rddreg [dreg:$0xc]  }
0x167: {  	[tilespmem:s1], [sflag:$0x1] =	stream.indirect.gather [hbm4b:s10+s9], $0x10, s29, s9, $0xb8;
	[tilespmem:$0xEA00] =	vst v63  }
0x168: {  	s2 =	rddreg [dreg:$0xd]  }
0x169: {  	[tilespmem:s2], [sflag:$0x1] =	stream.indirect.gather [hbm4b:s10+s9], $0x10, s31, s9, $0xb8;
	[tilespmem:$0xEA00] =	vst v63  }
0x16a: {  	s3 =	rddreg [dreg:$0xe]  }
0x16b: {  	[tilespmem:s3], [sflag:$0x1] =	stream.indirect.gather [hbm4b:s10+s9], $0x10, s15, s9, $0xb8;
	[tilespmem:$0xEA00] =	vst v63  }
0x16c: {  	s0 =	rddreg [dreg:$0xf]  }
0x16d: {  	[tilespmem:s0], [sflag:$0x1] =	stream.indirect.gather [hbm4b:s10+s9], $0x10, s4, s9, $0xb8;
	[tilespmem:$0xEA00] =	vst v63  }
0x16e: {  	s1 =	rddreg [dreg:$0x10]  }
0x16f: {  	[tilespmem:s1], [sflag:$0x1] =	stream.indirect.gather [hbm4b:s10+s9], $0x10, s5, s9, $0xb8;
	[tilespmem:$0xEA00] =	vst v63  }
0x170: {  	s2 =	rddreg [dreg:$0x11]  }
0x171: {  	[tilespmem:s2], [sflag:$0x1] =	stream.indirect.gather [hbm4b:s10+s9], $0x10, s16, s9, $0xb8;
	[tilespmem:$0xEA00] =	vst v63  }
0x172: {  	s3 =	rddreg [dreg:$0x12]  }
0x173: {  	[tilespmem:s3], [sflag:$0x1] =	stream.indirect.gather [hbm4b:s10+s9], $0x10, s28, s9, $0xb8;
	[tilespmem:$0xEA00] =	vst v63  }
0x174: {  	s0 =	rddreg [dreg:$0x13]  }
0x175: {  	[tilespmem:s0], [sflag:$0x1] =	stream.indirect.gather [hbm4b:s10+s9], $0x10, s14, s9, $0xb8;
	[tilespmem:$0xEA00] =	vst v63  }
0x176: {  	s1 =	rddreg [dreg:$0x14];
	s3 =	simm.s32 $0x800  }
0x177: {  	[tilespmem:s1], [sflag:$0x1] =	stream.indirect.gather [hbm4b:s10+s9], $0x10, s3, s9, $0xb8;
	[tilespmem:$0xEA00] =	vst v63  }
0x178: {  	s2 =	rddreg [dreg:$0x15];
	s1 =	simm.s32 $0x880  }
0x179: {  	[tilespmem:s2], [sflag:$0x1] =	stream.indirect.gather [hbm4b:s10+s9], $0x10, s1, s9, $0xb8;
	[tilespmem:$0xEA00] =	vst v63  }
0x17a: {  	s0 =	rddreg [dreg:$0x16]  }
0x17b: {  	[tilespmem:s0], [sflag:$0x1] =	stream.indirect.gather [hbm4b:s10+s9], $0x10, s30, s9, $0xb8;
	[tilespmem:$0xEA00] =	vst v63  }
0x17c: {  	s3 =	simm.s32 $0x980;
	s2 =	rddreg [dreg:$0x17]  }
0x17d: {  	[tilespmem:s2], [sflag:$0x1] =	stream.indirect.gather [hbm4b:s10+s9], $0x10, s3, s9, $0xb8;
	[tilespmem:$0xEA00] =	vst v63  }
0x17e: {  	s0 =	rddreg [dreg:$0x18];
	s2 =	simm.s32 $0xA00  }
0x17f: {  	[tilespmem:s0], [sflag:$0x1] =	stream.indirect.gather [hbm4b:s10+s9], $0x10, s2, s9, $0xb8;
	[tilespmem:$0xEA00] =	vst v63  }
0x180: {  	s12 =	rddreg [dreg:$0x19]  }
0x181: {  	[tilespmem:s12], [sflag:$0x1] =	stream.indirect.gather [hbm4b:s10+s9], $0x10, s18, s9, $0xb8;
	[tilespmem:$0xEA00] =	vst v63  }
0x182: {  	s0 =	rddreg [dreg:$0x1a]  }
0x183: {  	[tilespmem:s0], [sflag:$0x1] =	stream.indirect.gather [hbm4b:s10+s9], $0x10, s17, s9, $0xb8;
	[tilespmem:$0xEA00] =	vst v63  }
0x184: {  	s12 =	rddreg [dreg:$0x1b];
	s0 =	simm.s32 $0xB80  }
0x185: {  	[tilespmem:s12], [sflag:$0x1] =	stream.indirect.gather [hbm4b:s10+s9], $0x10, s0, s9, $0xb8;
	[tilespmem:$0xEA00] =	vst v63  }
0x186: {  	s13 =	rddreg [dreg:$0x1c]  }
0x187: {  	[tilespmem:s13], [sflag:$0x1] =	stream.indirect.gather [hbm4b:s10+s9], $0x10, s19, s9, $0xb8;
	[tilespmem:$0xEA00] =	vst v63  }
0x188: {  	s0 =	rddreg [dreg:$0x1d]  }
0x189: {  	[tilespmem:s0], [sflag:$0x1] =	stream.indirect.gather [hbm4b:s10+s9], $0x10, s20, s9, $0xb8;
	[tilespmem:$0xEA00] =	vst v63  }
0x18a: {  	s12 =	rddreg [dreg:$0x1e];
	s13 =	simm.s32 $0x0;
	s0 =	simm.s32 $0xDD00  }
0x18b: {  	[tilespmem:s0], [sflag:$0x2] =	stream.indirect.gather [hbm4b:s7+s9], $0x1, s13, s9, $0xb8;
	[tilespmem:$0xEA00] =	vst v63  }
0x18c: {  	s13 =	rddreg [dreg:$0x1f]  }
0x18d: {  	[tilespmem:s12], [sflag:$0x2] =	stream.indirect.gather [hbm4b:s7+s9], $0x1, s9, s9, $0xb8;
	[tilespmem:$0xEA00] =	vst v63  }
0x18e: {  	s0 =	sld [smem:$0x7E7]  }
0x18f: {  	[tilespmem:s13], [sflag:$0x2] =	stream.indirect.gather [hbm4b:s7+s9], $0x1, s21, s9, $0xb8;
	[tilespmem:$0xEA00] =	vst v63  }
0x190: {  	s13 =	sld [smem:$0x7E8]  }
0x191: {  	[tilespmem:s0], [sflag:$0x2] =	stream.indirect.gather [hbm4b:s7+s9], $0x1, s22, s9, $0xb8;
	[tilespmem:$0xEA00] =	vst v63  }
0x192: {  	s0 =	sld [smem:$0x7E9]  }
0x193: {  	[tilespmem:s13], [sflag:$0x2] =	stream.indirect.gather [hbm4b:s7+s9], $0x1, s23, s9, $0xb8;
	[tilespmem:$0xEA00] =	vst v63  }
0x194: {  	s13 =	sld [smem:$0x7EA]  }
0x195: {  	[tilespmem:s0], [sflag:$0x2] =	stream.indirect.gather [hbm4b:s7+s9], $0x1, s24, s9, $0xb8;
	[tilespmem:$0xEA00] =	vst v63  }
0x196: {  	s0 =	sld [smem:$0x7EB]  }
0x197: {  	[tilespmem:s13], [sflag:$0x2] =	stream.indirect.gather [hbm4b:s7+s9], $0x1, s25, s9, $0xb8;
	[tilespmem:$0xEA00] =	vst v63  }
0x198: {  	s13 =	sld [smem:$0x7EC]  }
0x199: {  	[tilespmem:s0], [sflag:$0x2] =	stream.indirect.gather [hbm4b:s7+s9], $0x1, s26, s9, $0xb8;
	[tilespmem:$0xEA00] =	vst v63  }
0x19a: {  	s0 =	sld [smem:$0x7ED]  }
0x19b: {  	[tilespmem:s13], [sflag:$0x2] =	stream.indirect.gather [hbm4b:s7+s9], $0x1, s29, s9, $0xb8;
	[tilespmem:$0xEA00] =	vst v63  }
0x19c: {  	s13 =	sld [smem:$0x7EE]  }
0x19d: {  	[tilespmem:s0], [sflag:$0x2] =	stream.indirect.gather [hbm4b:s7+s9], $0x1, s31, s9, $0xb8;
	[tilespmem:$0xEA00] =	vst v63  }
0x19e: {  	s0 =	sld [smem:$0x7EF]  }
0x19f: {  	[tilespmem:s13], [sflag:$0x2] =	stream.indirect.gather [hbm4b:s7+s9], $0x1, s15, s9, $0xb8;
	[tilespmem:$0xEA00] =	vst v63  }
0x1a0: {  	s13 =	sld [smem:$0x7F0]  }
0x1a1: {  	[tilespmem:s0], [sflag:$0x2] =	stream.indirect.gather [hbm4b:s7+s9], $0x1, s4, s9, $0xb8;
	[tilespmem:$0xEA00] =	vst v63  }
0x1a2: {  	s0 =	sld [smem:$0x7F1]  }
0x1a3: {  	[tilespmem:s13], [sflag:$0x2] =	stream.indirect.gather [hbm4b:s7+s9], $0x1, s5, s9, $0xb8;
	[tilespmem:$0xEA00] =	vst v63  }
0x1a4: {  	s13 =	sld [smem:$0x7F2]  }
0x1a5: {  	[tilespmem:s0], [sflag:$0x2] =	stream.indirect.gather [hbm4b:s7+s9], $0x1, s16, s9, $0xb8;
	[tilespmem:$0xEA00] =	vst v63  }
0x1a6: {  	s0 =	sld [smem:$0x7F3]  }
0x1a7: {  	[tilespmem:s13], [sflag:$0x2] =	stream.indirect.gather [hbm4b:s7+s9], $0x1, s28, s9, $0xb8;
	[tilespmem:$0xEA00] =	vst v63  }
0x1a8: {  	s13 =	sld [smem:$0x7F4]  }
0x1a9: {  	[tilespmem:s0], [sflag:$0x2] =	stream.indirect.gather [hbm4b:s7+s9], $0x1, s14, s9, $0xb8;
	[tilespmem:$0xEA00] =	vst v63  }
0x1aa: {  	s12 =	sld [smem:$0x7F5];
	s0 =	simm.s32 $0x800  }
0x1ab: {  	[tilespmem:s13], [sflag:$0x2] =	stream.indirect.gather [hbm4b:s7+s9], $0x1, s0, s9, $0xb8;
	[tilespmem:$0xEA00] =	vst v63  }
0x1ac: {  	s0 =	sld [smem:$0x7F6]  }
0x1ad: {  	[tilespmem:s12], [sflag:$0x2] =	stream.indirect.gather [hbm4b:s7+s9], $0x1, s1, s9, $0xb8;
	[tilespmem:$0xEA00] =	vst v63  }
0x1ae: {  	s1 =	sld [smem:$0x7F7]  }
0x1af: {  	[tilespmem:s0], [sflag:$0x2] =	stream.indirect.gather [hbm4b:s7+s9], $0x1, s30, s9, $0xb8;
	[tilespmem:$0xEA00] =	vst v63  }
0x1b0: {  	s0 =	sld [smem:$0x7F8]  }
0x1b1: {  	[tilespmem:s1], [sflag:$0x2] =	stream.indirect.gather [hbm4b:s7+s9], $0x1, s3, s9, $0xb8;
	[tilespmem:$0xEA00] =	vst v63  }
0x1b2: {  	s1 =	sld [smem:$0x7F9]  }
0x1b3: {  	[tilespmem:s0], [sflag:$0x2] =	stream.indirect.gather [hbm4b:s7+s9], $0x1, s2, s9, $0xb8;
	[tilespmem:$0xEA00] =	vst v63  }
0x1b4: {  	s2 =	sld [smem:$0x7FA]  }
0x1b5: {  	[tilespmem:s1], [sflag:$0x2] =	stream.indirect.gather [hbm4b:s7+s9], $0x1, s18, s9, $0xb8;
	[tilespmem:$0xEA00] =	vst v63  }
0x1b6: {  	s0 =	sld [smem:$0x7FB]  }
0x1b7: {  	[tilespmem:s2], [sflag:$0x2] =	stream.indirect.gather [hbm4b:s7+s9], $0x1, s17, s9, $0xb8;
	[tilespmem:$0xEA00] =	vst v63  }
0x1b8: {  	s1 =	sld [smem:$0x7FC];
	s2 =	simm.s32 $0xB80  }
0x1b9: {  	[tilespmem:s0], [sflag:$0x2] =	stream.indirect.gather [hbm4b:s7+s9], $0x1, s2, s9, $0xb8;
	[tilespmem:$0xEA00] =	vst v63  }
0x1ba: {  	s0 =	sld [smem:$0x7FD]  }
0x1bb: {  	[tilespmem:s1], [sflag:$0x2] =	stream.indirect.gather [hbm4b:s7+s9], $0x1, s19, s9, $0xb8;
	[tilespmem:$0xEA00] =	vst v63  }
0x1bc: {  	_ = 	snop  }
0x1bd: {  	[tilespmem:s0], [sflag:$0x2] =	stream.indirect.gather [hbm4b:s7+s9], $0x1, s20, s9, $0xb8;
	[tilespmem:$0xEA00] =	vst v63  }
0x1be: {  	_ =	swait.ge [sflag:s8], $0x800  }
0x1bf: {  	[sflag:s8] =	ssyncset.done $0x0  }
0x1c0: {  	[sflag:s8] =	ssyncadd.s32 $0xFFFFF800  }
0x1c1: {  	_ =	swait.ge [sflag:s8], $0x800  }
0x1c2: {  	[sflag:s8] =	ssyncset.done $0x0  }
0x1c3: {  	[sflag:s8] =	ssyncadd.s32 $0xFFFFF800  }
0x1c4: {  	_ =	swait.ge [sflag:s8], $0x800  }
0x1c5: {  	[sflag:s8] =	ssyncset.done $0x0  }
0x1c6: {  	[sflag:s8] =	ssyncadd.s32 $0xFFFFF800  }
0x1c7: {  	_ =	swait.ge [sflag:s8], $0x800  }
0x1c8: {  	[sflag:s8] =	ssyncset.done $0x0  }
0x1c9: {  	[sflag:s8] =	ssyncadd.s32 $0xFFFFF800  }
0x1ca: {  	_ =	swait.ge [sflag:s8], $0x800  }
0x1cb: {  	[sflag:s8] =	ssyncset.done $0x0  }
0x1cc: {  	[sflag:s8] =	ssyncadd.s32 $0xFFFFF800  }
0x1cd: {  	_ =	swait.ge [sflag:s8], $0x800  }
0x1ce: {  	[sflag:s8] =	ssyncset.done $0x0  }
0x1cf: {  	[sflag:s8] =	ssyncadd.s32 $0xFFFFF800  }
0x1d0: {  	_ =	swait.ge [sflag:s8], $0x800  }
0x1d1: {  	[sflag:s8] =	ssyncset.done $0x0  }
0x1d2: {  	[sflag:s8] =	ssyncadd.s32 $0xFFFFF800  }
0x1d3: {  	_ =	swait.ge [sflag:s8], $0x800  }
0x1d4: {  	[sflag:s8] =	ssyncset.done $0x0  }
0x1d5: {  	[sflag:s8] =	ssyncadd.s32 $0xFFFFF800  }
0x1d6: {  	_ =	swait.ge [sflag:s8], $0x800  }
0x1d7: {  	[sflag:s8] =	ssyncset.done $0x0  }
0x1d8: {  	[sflag:s8] =	ssyncadd.s32 $0xFFFFF800  }
0x1d9: {  	_ =	swait.ge [sflag:s8], $0x800  }
0x1da: {  	[sflag:s8] =	ssyncset.done $0x0  }
0x1db: {  	[sflag:s8] =	ssyncadd.s32 $0xFFFFF800  }
0x1dc: {  	_ =	swait.ge [sflag:s8], $0x800  }
0x1dd: {  	[sflag:s8] =	ssyncset.done $0x0  }
0x1de: {  	[sflag:s8] =	ssyncadd.s32 $0xFFFFF800  }
0x1df: {  	_ =	swait.ge [sflag:s8], $0x800  }
0x1e0: {  	[sflag:s8] =	ssyncset.done $0x0  }
0x1e1: {  	[sflag:s8] =	ssyncadd.s32 $0xFFFFF800  }
0x1e2: {  	_ =	swait.ge [sflag:s8], $0x800  }
0x1e3: {  	[sflag:s8] =	ssyncset.done $0x0  }
0x1e4: {  	[sflag:s8] =	ssyncadd.s32 $0xFFFFF800  }
0x1e5: {  	_ =	swait.ge [sflag:s8], $0x800  }
0x1e6: {  	[sflag:s8] =	ssyncset.done $0x0  }
0x1e7: {  	[sflag:s8] =	ssyncadd.s32 $0xFFFFF800  }
0x1e8: {  	_ =	swait.ge [sflag:s8], $0x800  }
0x1e9: {  	[sflag:s8] =	ssyncset.done $0x0  }
0x1ea: {  	[sflag:s8] =	ssyncadd.s32 $0xFFFFF800  }
0x1eb: {  	_ =	swait.ge [sflag:s8], $0x800  }
0x1ec: {  	[sflag:s8] =	ssyncset.done $0x0  }
0x1ed: {  	[sflag:s8] =	ssyncadd.s32 $0xFFFFF800  }
0x1ee: {  	_ =	swait.ge [sflag:s8], $0x800  }
0x1ef: {  	[sflag:s8] =	ssyncset.done $0x0  }
0x1f0: {  	[sflag:s8] =	ssyncadd.s32 $0xFFFFF800  }
0x1f1: {  	_ =	swait.ge [sflag:s8], $0x800  }
0x1f2: {  	[sflag:s8] =	ssyncset.done $0x0  }
0x1f3: {  	[sflag:s8] =	ssyncadd.s32 $0xFFFFF800  }
0x1f4: {  	_ =	swait.ge [sflag:s8], $0x800  }
0x1f5: {  	[sflag:s8] =	ssyncset.done $0x0  }
0x1f6: {  	[sflag:s8] =	ssyncadd.s32 $0xFFFFF800  }
0x1f7: {  	_ =	swait.ge [sflag:s8], $0x800  }
0x1f8: {  	[sflag:s8] =	ssyncset.done $0x0  }
0x1f9: {  	[sflag:s8] =	ssyncadd.s32 $0xFFFFF800  }
0x1fa: {  	_ =	swait.ge [sflag:s8], $0x800  }
0x1fb: {  	[sflag:s8] =	ssyncset.done $0x0  }
0x1fc: {  	[sflag:s8] =	ssyncadd.s32 $0xFFFFF800  }
0x1fd: {  	_ =	swait.ge [sflag:s8], $0x800  }
0x1fe: {  	[sflag:s8] =	ssyncset.done $0x0  }
0x1ff: {  	[sflag:s8] =	ssyncadd.s32 $0xFFFFF800  }
0x200: {  	_ =	swait.ge [sflag:s8], $0x800  }
0x201: {  	[sflag:s8] =	ssyncset.done $0x0  }
0x202: {  	[sflag:s8] =	ssyncadd.s32 $0xFFFFF800  }
0x203: {  	_ =	swait.ge [sflag:s8], $0x800  }
0x204: {  	[sflag:s8] =	ssyncset.done $0x0  }
0x205: {  	[sflag:s8] =	ssyncadd.s32 $0xFFFFF800  }
0x206: {  	_ =	swait.ge [sflag:s8], $0x800  }
0x207: {  	[sflag:s8] =	ssyncset.done $0x0  }
0x208: {  	[sflag:s8] =	ssyncadd.s32 $0xFFFFF800  }
0x209: {  	_ =	swait.ge [sflag:s8], $0x800  }
0x20a: {  	[sflag:s8] =	ssyncset.done $0x0  }
0x20b: {  	[sflag:s8] =	ssyncadd.s32 $0xFFFFF800  }
0x20c: {  	_ =	swait.ge [sflag:s6], $0x80  }
0x20d: {  	[sflag:s6] =	ssyncset.done $0x0  }
0x20e: {  	[sflag:s6] =	ssyncadd.s32 $0xFFFFFF80  }
0x20f: {  	_ =	swait.ge [sflag:s6], $0x80  }
0x210: {  	[sflag:s6] =	ssyncset.done $0x0  }
0x211: {  	[sflag:s6] =	ssyncadd.s32 $0xFFFFFF80  }
0x212: {  	_ =	swait.ge [sflag:s6], $0x80  }
0x213: {  	[sflag:s6] =	ssyncset.done $0x0  }
0x214: {  	[sflag:s6] =	ssyncadd.s32 $0xFFFFFF80  }
0x215: {  	_ =	swait.ge [sflag:s6], $0x80  }
0x216: {  	[sflag:s6] =	ssyncset.done $0x0  }
0x217: {  	[sflag:s6] =	ssyncadd.s32 $0xFFFFFF80  }
0x218: {  	_ =	swait.ge [sflag:s6], $0x80  }
0x219: {  	[sflag:s6] =	ssyncset.done $0x0  }
0x21a: {  	[sflag:s6] =	ssyncadd.s32 $0xFFFFFF80  }
0x21b: {  	_ =	swait.ge [sflag:s6], $0x80  }
0x21c: {  	[sflag:s6] =	ssyncset.done $0x0  }
0x21d: {  	[sflag:s6] =	ssyncadd.s32 $0xFFFFFF80  }
0x21e: {  	_ =	swait.ge [sflag:s6], $0x80  }
0x21f: {  	[sflag:s6] =	ssyncset.done $0x0  }
0x220: {  	[sflag:s6] =	ssyncadd.s32 $0xFFFFFF80  }
0x221: {  	_ =	swait.ge [sflag:s6], $0x80  }
0x222: {  	[sflag:s6] =	ssyncset.done $0x0  }
0x223: {  	[sflag:s6] =	ssyncadd.s32 $0xFFFFFF80  }
0x224: {  	_ =	swait.ge [sflag:s6], $0x80  }
0x225: {  	[sflag:s6] =	ssyncset.done $0x0  }
0x226: {  	[sflag:s6] =	ssyncadd.s32 $0xFFFFFF80  }
0x227: {  	_ =	swait.ge [sflag:s6], $0x80  }
0x228: {  	[sflag:s6] =	ssyncset.done $0x0  }
0x229: {  	[sflag:s6] =	ssyncadd.s32 $0xFFFFFF80  }
0x22a: {  	_ =	swait.ge [sflag:s6], $0x80  }
0x22b: {  	[sflag:s6] =	ssyncset.done $0x0  }
0x22c: {  	[sflag:s6] =	ssyncadd.s32 $0xFFFFFF80  }
0x22d: {  	_ =	swait.ge [sflag:s6], $0x80  }
0x22e: {  	[sflag:s6] =	ssyncset.done $0x0  }
0x22f: {  	[sflag:s6] =	ssyncadd.s32 $0xFFFFFF80  }
0x230: {  	_ =	swait.ge [sflag:s6], $0x80  }
0x231: {  	[sflag:s6] =	ssyncset.done $0x0  }
0x232: {  	[sflag:s6] =	ssyncadd.s32 $0xFFFFFF80  }
0x233: {  	_ =	swait.ge [sflag:s6], $0x80  }
0x234: {  	[sflag:s6] =	ssyncset.done $0x0  }
0x235: {  	[sflag:s6] =	ssyncadd.s32 $0xFFFFFF80  }
0x236: {  	_ =	swait.ge [sflag:s6], $0x80  }
0x237: {  	[sflag:s6] =	ssyncset.done $0x0  }
0x238: {  	[sflag:s6] =	ssyncadd.s32 $0xFFFFFF80  }
0x239: {  	_ =	swait.ge [sflag:s6], $0x80  }
0x23a: {  	[sflag:s6] =	ssyncset.done $0x0  }
0x23b: {  	[sflag:s6] =	ssyncadd.s32 $0xFFFFFF80  }
0x23c: {  	_ =	swait.ge [sflag:s6], $0x80  }
0x23d: {  	[sflag:s6] =	ssyncset.done $0x0  }
0x23e: {  	[sflag:s6] =	ssyncadd.s32 $0xFFFFFF80  }
0x23f: {  	_ =	swait.ge [sflag:s6], $0x80  }
0x240: {  	[sflag:s6] =	ssyncset.done $0x0  }
0x241: {  	[sflag:s6] =	ssyncadd.s32 $0xFFFFFF80  }
0x242: {  	_ =	swait.ge [sflag:s6], $0x80  }
0x243: {  	[sflag:s6] =	ssyncset.done $0x0  }
0x244: {  	[sflag:s6] =	ssyncadd.s32 $0xFFFFFF80  }
0x245: {  	_ =	swait.ge [sflag:s6], $0x80  }
0x246: {  	[sflag:s6] =	ssyncset.done $0x0  }
0x247: {  	[sflag:s6] =	ssyncadd.s32 $0xFFFFFF80  }
0x248: {  	_ =	swait.ge [sflag:s6], $0x80  }
0x249: {  	[sflag:s6] =	ssyncset.done $0x0  }
0x24a: {  	[sflag:s6] =	ssyncadd.s32 $0xFFFFFF80  }
0x24b: {  	_ =	swait.ge [sflag:s6], $0x80  }
0x24c: {  	[sflag:s6] =	ssyncset.done $0x0  }
0x24d: {  	[sflag:s6] =	ssyncadd.s32 $0xFFFFFF80  }
0x24e: {  	_ =	swait.ge [sflag:s6], $0x80  }
0x24f: {  	[sflag:s6] =	ssyncset.done $0x0  }
0x250: {  	[sflag:s6] =	ssyncadd.s32 $0xFFFFFF80  }
0x251: {  	_ =	swait.ge [sflag:s6], $0x80  }
0x252: {  	[sflag:s6] =	ssyncset.done $0x0  }
0x253: {  	[sflag:s6] =	ssyncadd.s32 $0xFFFFFF80  }
0x254: {  	_ =	swait.ge [sflag:s6], $0x80  }
0x255: {  	[sflag:s6] =	ssyncset.done $0x0  }
0x256: {  	[sflag:s6] =	ssyncadd.s32 $0xFFFFFF80  }
0x257: {  	_ =	swait.ge [sflag:s6], $0x80  }
0x258: {  	s13 =	simm.s32 $0xD00;
	s3 =	simm.s32 $0x3;
	[sflag:s6] =	ssyncset.done $0x0  }
0x259: {  	s2 =	simm.s32 $0x0;
	s1 =	rddreg [dreg:$0x3];
	[sflag:s6] =	ssyncadd.s32 $0xFFFFFF80  }
0x25a: {  	[hbm4b:s1+s2] =	stream.linear.scatter [tilespmem:s13], [sflag:$0x3], $0xD000, $0x38;
	[tilespmem:$0xEA00] =	vst v63  }
0x25b: {  	p1 =	sne.s32 s11, $0x1;
	_ =	swait.ge [sflag:s3], $0xD000  }
.Ltmp2:
0x25c: {  	s2 =	simm.s32 $0x0;
	[sflag:s3] =	ssyncset.done $0x0;
	(pc) =	sbr.rel @p1 .LBB2_3-.Ltmp2, $4  }
0x25d: {  	s13 =	simm.s32 $0xDD00;
	s1 =	rddreg [dreg:$0x4];
	[sflag:s3] =	ssyncadd.s32 $0xFFFF3000  }
0x25e: {  	[hbm4b:s1+s2] =	stream.linear.scatter [tilespmem:s13], [sflag:$0x3], $0xD00, $0x38;
	[tilespmem:$0xEA00] =	vst v63  }
0x25f: {  	s11 =	sadd.s32 $0xFFFFFFFF, s11;
	_ =	swait.ge [sflag:s3], $0xD00  }
0x260: {  	s2 =	simm.s32 $0x0;
	s12 =	rddreg [dreg:$0x2];
	[sflag:s3] =	ssyncset.done $0x0  }
0x261: {  	s13 =	simm.s32 $0x800  }
.LBB2_5:
0x262: {  	[sflag:s3] =	ssyncadd.s32 @p0 $0xFFFFF300  }
0x263: {  	[tilespmem:s2], [sflag:$0x3] =	stream.linear.gather [hbm4b:s12+s2], $0xD00, $0x38;
	[tilespmem:$0xEA00] =	vst v63  }
0x264: {  	_ =	swait.ge [sflag:s3], $0xD00  }
0x265: {  	[sflag:s3] =	ssyncset.done $0x0  }
0x266: {  	s0 =	simm.s32 $0xD00;
	[sflag:s3] =	ssyncadd.s32 $0xFFFFF300  }
0x267: {  	[tilespmem:s0], [sflag:$0x1] =	stream.indirect.gather [hbm4b:s10+s9], $0x10, s2, s9, $0xb8;
	[tilespmem:$0xEA00] =	vst v63  }
0x268: {  	s11 =	rddreg [dreg:$0x5]  }
0x269: {  	[tilespmem:s11], [sflag:$0x1] =	stream.indirect.gather [hbm4b:s10+s9], $0x10, s9, s9, $0xb8;
	[tilespmem:$0xEA00] =	vst v63  }
0x26a: {  	s15 =	simm.s32 $0x100;
	s20 =	rddreg [dreg:$0x6]  }
0x26b: {  	[tilespmem:s20], [sflag:$0x1] =	stream.indirect.gather [hbm4b:s10+s9], $0x10, s15, s9, $0xb8;
	[tilespmem:$0xEA00] =	vst v63  }
0x26c: {  	s16 =	simm.s32 $0x180;
	s21 =	rddreg [dreg:$0x7]  }
0x26d: {  	[tilespmem:s21], [sflag:$0x1] =	stream.indirect.gather [hbm4b:s10+s9], $0x10, s16, s9, $0xb8;
	[tilespmem:$0xEA00] =	vst v63  }
0x26e: {  	s17 =	simm.s32 $0x200;
	s22 =	rddreg [dreg:$0x8]  }
0x26f: {  	[tilespmem:s22], [sflag:$0x1] =	stream.indirect.gather [hbm4b:s10+s9], $0x10, s17, s9, $0xb8;
	[tilespmem:$0xEA00] =	vst v63  }
0x270: {  	s18 =	simm.s32 $0x280;
	s23 =	rddreg [dreg:$0x9]  }
0x271: {  	[tilespmem:s23], [sflag:$0x1] =	stream.indirect.gather [hbm4b:s10+s9], $0x10, s18, s9, $0xb8;
	[tilespmem:$0xEA00] =	vst v63  }
0x272: {  	s19 =	simm.s32 $0x300;
	s24 =	rddreg [dreg:$0xa]  }
0x273: {  	[tilespmem:s24], [sflag:$0x1] =	stream.indirect.gather [hbm4b:s10+s9], $0x10, s19, s9, $0xb8;
	[tilespmem:$0xEA00] =	vst v63  }
0x274: {  	s25 =	rddreg [dreg:$0xb];
	s20 =	simm.s32 $0x380  }
0x275: {  	[tilespmem:s25], [sflag:$0x1] =	stream.indirect.gather [hbm4b:s10+s9], $0x10, s20, s9, $0xb8;
	[tilespmem:$0xEA00] =	vst v63  }
0x276: {  	s26 =	rddreg [dreg:$0xc];
	s21 =	simm.s32 $0x400  }
0x277: {  	[tilespmem:s26], [sflag:$0x1] =	stream.indirect.gather [hbm4b:s10+s9], $0x10, s21, s9, $0xb8;
	[tilespmem:$0xEA00] =	vst v63  }
0x278: {  	s28 =	rddreg [dreg:$0xd];
	s22 =	simm.s32 $0x480  }
0x279: {  	[tilespmem:s28], [sflag:$0x1] =	stream.indirect.gather [hbm4b:s10+s9], $0x10, s22, s9, $0xb8;
	[tilespmem:$0xEA00] =	vst v63  }
0x27a: {  	s29 =	rddreg [dreg:$0xe];
	s23 =	simm.s32 $0x500  }
0x27b: {  	[tilespmem:s29], [sflag:$0x1] =	stream.indirect.gather [hbm4b:s10+s9], $0x10, s23, s9, $0xb8;
	[tilespmem:$0xEA00] =	vst v63  }
0x27c: {  	s30 =	rddreg [dreg:$0xf];
	s24 =	simm.s32 $0x580  }
0x27d: {  	[tilespmem:s30], [sflag:$0x1] =	stream.indirect.gather [hbm4b:s10+s9], $0x10, s24, s9, $0xb8;
	[tilespmem:$0xEA00] =	vst v63  }
0x27e: {  	s31 =	rddreg [dreg:$0x10];
	s25 =	simm.s32 $0x600  }
0x27f: {  	[tilespmem:s31], [sflag:$0x1] =	stream.indirect.gather [hbm4b:s10+s9], $0x10, s25, s9, $0xb8;
	[tilespmem:$0xEA00] =	vst v63  }
0x280: {  	s1 =	simm.s32 $0x680;
	s0 =	rddreg [dreg:$0x11]  }
0x281: {  	[tilespmem:s0], [sflag:$0x1] =	stream.indirect.gather [hbm4b:s10+s9], $0x10, s1, s9, $0xb8;
	[tilespmem:$0xEA00] =	vst v63  }
0x282: {  	s4 =	rddreg [dreg:$0x12];
	s30 =	simm.s32 $0x700  }
0x283: {  	[tilespmem:s4], [sflag:$0x1] =	stream.indirect.gather [hbm4b:s10+s9], $0x10, s30, s9, $0xb8;
	[tilespmem:$0xEA00] =	vst v63  }
0x284: {  	s5 =	rddreg [dreg:$0x13];
	s0 =	simm.s32 $0x780  }
0x285: {  	[tilespmem:s5], [sflag:$0x1] =	stream.indirect.gather [hbm4b:s10+s9], $0x10, s0, s9, $0xb8;
	[tilespmem:$0xEA00] =	vst v63  }
0x286: {  	s14 =	rddreg [dreg:$0x14]  }
0x287: {  	[tilespmem:s14], [sflag:$0x1] =	stream.indirect.gather [hbm4b:s10+s9], $0x10, s13, s9, $0xb8;
	[tilespmem:$0xEA00] =	vst v63  }
0x288: {  	s26 =	rddreg [dreg:$0x15];
	s4 =	simm.s32 $0x880  }
0x289: {  	[tilespmem:s26], [sflag:$0x1] =	stream.indirect.gather [hbm4b:s10+s9], $0x10, s4, s9, $0xb8;
	[tilespmem:$0xEA00] =	vst v63  }
0x28a: {  	s28 =	rddreg [dreg:$0x16];
	s5 =	simm.s32 $0x900  }
0x28b: {  	[tilespmem:s28], [sflag:$0x1] =	stream.indirect.gather [hbm4b:s10+s9], $0x10, s5, s9, $0xb8;
	[tilespmem:$0xEA00] =	vst v63  }
0x28c: {  	s29 =	rddreg [dreg:$0x17];
	s26 =	simm.s32 $0x980  }
0x28d: {  	[tilespmem:s29], [sflag:$0x1] =	stream.indirect.gather [hbm4b:s10+s9], $0x10, s26, s9, $0xb8;
	[tilespmem:$0xEA00] =	vst v63  }
0x28e: {  	s31 =	rddreg [dreg:$0x18];
	s14 =	simm.s32 $0xA00  }
0x28f: {  	[tilespmem:s31], [sflag:$0x1] =	stream.indirect.gather [hbm4b:s10+s9], $0x10, s14, s9, $0xb8;
	[tilespmem:$0xEA00] =	vst v63  }
0x290: {  	s13 =	simm.s32 $0xA80;
	s28 =	rddreg [dreg:$0x19]  }
0x291: {  	[tilespmem:s28], [sflag:$0x1] =	stream.indirect.gather [hbm4b:s10+s9], $0x10, s13, s9, $0xb8;
	[tilespmem:$0xEA00] =	vst v63  }
0x292: {  	s29 =	rddreg [dreg:$0x1a];
	s31 =	simm.s32 $0xB00  }
0x293: {  	[tilespmem:s29], [sflag:$0x1] =	stream.indirect.gather [hbm4b:s10+s9], $0x10, s31, s9, $0xb8;
	[tilespmem:$0xEA00] =	vst v63  }
0x294: {  	s26 =	rddreg [dreg:$0x1b];
	s29 =	simm.s32 $0xB80  }
0x295: {  	[tilespmem:s26], [sflag:$0x1] =	stream.indirect.gather [hbm4b:s10+s9], $0x10, s29, s9, $0xb8;
	[tilespmem:$0xEA00] =	vst v63  }
0x296: {  	s28 =	rddreg [dreg:$0x1c];
	s26 =	simm.s32 $0xC00  }
0x297: {  	[tilespmem:s28], [sflag:$0x1] =	stream.indirect.gather [hbm4b:s10+s9], $0x10, s26, s9, $0xb8;
	[tilespmem:$0xEA00] =	vst v63  }
0x298: {  	s11 =	rddreg [dreg:$0x1d];
	s28 =	simm.s32 $0xC80  }
0x299: {  	[tilespmem:s11], [sflag:$0x1] =	stream.indirect.gather [hbm4b:s10+s9], $0x10, s28, s9, $0xb8;
	[tilespmem:$0xEA00] =	vst v63  }
0x29a: {  	s12 =	simm.s32 $0xDD00;
	s10 =	rddreg [dreg:$0x1e]  }
0x29b: {  	[tilespmem:s12], [sflag:$0x2] =	stream.indirect.gather [hbm4b:s7+s9], $0x1, s2, s9, $0xb8;
	[tilespmem:$0xEA00] =	vst v63  }
0x29c: {  	s11 =	rddreg [dreg:$0x1f]  }
0x29d: {  	[tilespmem:s10], [sflag:$0x2] =	stream.indirect.gather [hbm4b:s7+s9], $0x1, s9, s9, $0xb8;
	[tilespmem:$0xEA00] =	vst v63  }
0x29e: {  	s10 =	sld [smem:$0x7E7]  }
0x29f: {  	[tilespmem:s11], [sflag:$0x2] =	stream.indirect.gather [hbm4b:s7+s9], $0x1, s15, s9, $0xb8;
	[tilespmem:$0xEA00] =	vst v63  }
0x2a0: {  	s11 =	sld [smem:$0x7E8]  }
0x2a1: {  	[tilespmem:s10], [sflag:$0x2] =	stream.indirect.gather [hbm4b:s7+s9], $0x1, s16, s9, $0xb8;
	[tilespmem:$0xEA00] =	vst v63  }
0x2a2: {  	s15 =	sld [smem:$0x7E9]  }
0x2a3: {  	[tilespmem:s11], [sflag:$0x2] =	stream.indirect.gather [hbm4b:s7+s9], $0x1, s17, s9, $0xb8;
	[tilespmem:$0xEA00] =	vst v63  }
0x2a4: {  	s16 =	sld [smem:$0x7EA]  }
0x2a5: {  	[tilespmem:s15], [sflag:$0x2] =	stream.indirect.gather [hbm4b:s7+s9], $0x1, s18, s9, $0xb8;
	[tilespmem:$0xEA00] =	vst v63  }
0x2a6: {  	s17 =	sld [smem:$0x7EB]  }
0x2a7: {  	[tilespmem:s16], [sflag:$0x2] =	stream.indirect.gather [hbm4b:s7+s9], $0x1, s19, s9, $0xb8;
	[tilespmem:$0xEA00] =	vst v63  }
0x2a8: {  	s18 =	sld [smem:$0x7EC]  }
0x2a9: {  	[tilespmem:s17], [sflag:$0x2] =	stream.indirect.gather [hbm4b:s7+s9], $0x1, s20, s9, $0xb8;
	[tilespmem:$0xEA00] =	vst v63  }
0x2aa: {  	s19 =	sld [smem:$0x7ED]  }
0x2ab: {  	[tilespmem:s18], [sflag:$0x2] =	stream.indirect.gather [hbm4b:s7+s9], $0x1, s21, s9, $0xb8;
	[tilespmem:$0xEA00] =	vst v63  }
0x2ac: {  	s20 =	sld [smem:$0x7EE]  }
0x2ad: {  	[tilespmem:s19], [sflag:$0x2] =	stream.indirect.gather [hbm4b:s7+s9], $0x1, s22, s9, $0xb8;
	[tilespmem:$0xEA00] =	vst v63  }
0x2ae: {  	s21 =	sld [smem:$0x7EF]  }
0x2af: {  	[tilespmem:s20], [sflag:$0x2] =	stream.indirect.gather [hbm4b:s7+s9], $0x1, s23, s9, $0xb8;
	[tilespmem:$0xEA00] =	vst v63  }
0x2b0: {  	s22 =	sld [smem:$0x7F0]  }
0x2b1: {  	[tilespmem:s21], [sflag:$0x2] =	stream.indirect.gather [hbm4b:s7+s9], $0x1, s24, s9, $0xb8;
	[tilespmem:$0xEA00] =	vst v63  }
0x2b2: {  	s23 =	sld [smem:$0x7F1]  }
0x2b3: {  	[tilespmem:s22], [sflag:$0x2] =	stream.indirect.gather [hbm4b:s7+s9], $0x1, s25, s9, $0xb8;
	[tilespmem:$0xEA00] =	vst v63  }
0x2b4: {  	s24 =	sld [smem:$0x7F2]  }
0x2b5: {  	[tilespmem:s23], [sflag:$0x2] =	stream.indirect.gather [hbm4b:s7+s9], $0x1, s1, s9, $0xb8;
	[tilespmem:$0xEA00] =	vst v63  }
0x2b6: {  	s25 =	sld [smem:$0x7F3]  }
0x2b7: {  	[tilespmem:s24], [sflag:$0x2] =	stream.indirect.gather [hbm4b:s7+s9], $0x1, s30, s9, $0xb8;
	[tilespmem:$0xEA00] =	vst v63  }
0x2b8: {  	s1 =	sld [smem:$0x7F4]  }
0x2b9: {  	[tilespmem:s25], [sflag:$0x2] =	stream.indirect.gather [hbm4b:s7+s9], $0x1, s0, s9, $0xb8;
	[tilespmem:$0xEA00] =	vst v63  }
0x2ba: {  	s15 =	sld [smem:$0x7F5];
	s16 =	simm.s32 $0x800  }
0x2bb: {  	[tilespmem:s1], [sflag:$0x2] =	stream.indirect.gather [hbm4b:s7+s9], $0x1, s16, s9, $0xb8;
	[tilespmem:$0xEA00] =	vst v63  }
0x2bc: {  	s17 =	sld [smem:$0x7F6]  }
0x2bd: {  	[tilespmem:s15], [sflag:$0x2] =	stream.indirect.gather [hbm4b:s7+s9], $0x1, s4, s9, $0xb8;
	[tilespmem:$0xEA00] =	vst v63  }
0x2be: {  	s18 =	sld [smem:$0x7F7]  }
0x2bf: {  	[tilespmem:s17], [sflag:$0x2] =	stream.indirect.gather [hbm4b:s7+s9], $0x1, s5, s9, $0xb8;
	[tilespmem:$0xEA00] =	vst v63  }
0x2c0: {  	s19 =	sld [smem:$0x7F8];
	s20 =	simm.s32 $0x980  }
0x2c1: {  	[tilespmem:s18], [sflag:$0x2] =	stream.indirect.gather [hbm4b:s7+s9], $0x1, s20, s9, $0xb8;
	[tilespmem:$0xEA00] =	vst v63  }
0x2c2: {  	s21 =	sld [smem:$0x7F9]  }
0x2c3: {  	[tilespmem:s19], [sflag:$0x2] =	stream.indirect.gather [hbm4b:s7+s9], $0x1, s14, s9, $0xb8;
	[tilespmem:$0xEA00] =	vst v63  }
0x2c4: {  	s22 =	sld [smem:$0x7FA]  }
0x2c5: {  	[tilespmem:s21], [sflag:$0x2] =	stream.indirect.gather [hbm4b:s7+s9], $0x1, s13, s9, $0xb8;
	[tilespmem:$0xEA00] =	vst v63  }
0x2c6: {  	s23 =	sld [smem:$0x7FB]  }
0x2c7: {  	[tilespmem:s22], [sflag:$0x2] =	stream.indirect.gather [hbm4b:s7+s9], $0x1, s31, s9, $0xb8;
	[tilespmem:$0xEA00] =	vst v63  }
0x2c8: {  	s24 =	sld [smem:$0x7FC]  }
0x2c9: {  	[tilespmem:s23], [sflag:$0x2] =	stream.indirect.gather [hbm4b:s7+s9], $0x1, s29, s9, $0xb8;
	[tilespmem:$0xEA00] =	vst v63  }
0x2ca: {  	s25 =	sld [smem:$0x7FD]  }
0x2cb: {  	[tilespmem:s24], [sflag:$0x2] =	stream.indirect.gather [hbm4b:s7+s9], $0x1, s26, s9, $0xb8;
	[tilespmem:$0xEA00] =	vst v63  }
0x2cc: {  	_ = 	snop  }
0x2cd: {  	[tilespmem:s25], [sflag:$0x2] =	stream.indirect.gather [hbm4b:s7+s9], $0x1, s28, s9, $0xb8;
	[tilespmem:$0xEA00] =	vst v63  }
0x2ce: {  	_ =	swait.ge [sflag:s8], $0x800  }
0x2cf: {  	[sflag:s8] =	ssyncset.done $0x0  }
0x2d0: {  	[sflag:s8] =	ssyncadd.s32 $0xFFFFF800  }
0x2d1: {  	_ =	swait.ge [sflag:s8], $0x800  }
0x2d2: {  	[sflag:s8] =	ssyncset.done $0x0  }
0x2d3: {  	[sflag:s8] =	ssyncadd.s32 $0xFFFFF800  }
0x2d4: {  	_ =	swait.ge [sflag:s8], $0x800  }
0x2d5: {  	[sflag:s8] =	ssyncset.done $0x0  }
0x2d6: {  	[sflag:s8] =	ssyncadd.s32 $0xFFFFF800  }
0x2d7: {  	_ =	swait.ge [sflag:s8], $0x800  }
0x2d8: {  	[sflag:s8] =	ssyncset.done $0x0  }
0x2d9: {  	[sflag:s8] =	ssyncadd.s32 $0xFFFFF800  }
0x2da: {  	_ =	swait.ge [sflag:s8], $0x800  }
0x2db: {  	[sflag:s8] =	ssyncset.done $0x0  }
0x2dc: {  	[sflag:s8] =	ssyncadd.s32 $0xFFFFF800  }
0x2dd: {  	_ =	swait.ge [sflag:s8], $0x800  }
0x2de: {  	[sflag:s8] =	ssyncset.done $0x0  }
0x2df: {  	[sflag:s8] =	ssyncadd.s32 $0xFFFFF800  }
0x2e0: {  	_ =	swait.ge [sflag:s8], $0x800  }
0x2e1: {  	[sflag:s8] =	ssyncset.done $0x0  }
0x2e2: {  	[sflag:s8] =	ssyncadd.s32 $0xFFFFF800  }
0x2e3: {  	_ =	swait.ge [sflag:s8], $0x800  }
0x2e4: {  	[sflag:s8] =	ssyncset.done $0x0  }
0x2e5: {  	[sflag:s8] =	ssyncadd.s32 $0xFFFFF800  }
0x2e6: {  	_ =	swait.ge [sflag:s8], $0x800  }
0x2e7: {  	[sflag:s8] =	ssyncset.done $0x0  }
0x2e8: {  	[sflag:s8] =	ssyncadd.s32 $0xFFFFF800  }
0x2e9: {  	_ =	swait.ge [sflag:s8], $0x800  }
0x2ea: {  	[sflag:s8] =	ssyncset.done $0x0  }
0x2eb: {  	[sflag:s8] =	ssyncadd.s32 $0xFFFFF800  }
0x2ec: {  	_ =	swait.ge [sflag:s8], $0x800  }
0x2ed: {  	[sflag:s8] =	ssyncset.done $0x0  }
0x2ee: {  	[sflag:s8] =	ssyncadd.s32 $0xFFFFF800  }
0x2ef: {  	_ =	swait.ge [sflag:s8], $0x800  }
0x2f0: {  	[sflag:s8] =	ssyncset.done $0x0  }
0x2f1: {  	[sflag:s8] =	ssyncadd.s32 $0xFFFFF800  }
0x2f2: {  	_ =	swait.ge [sflag:s8], $0x800  }
0x2f3: {  	[sflag:s8] =	ssyncset.done $0x0  }
0x2f4: {  	[sflag:s8] =	ssyncadd.s32 $0xFFFFF800  }
0x2f5: {  	_ =	swait.ge [sflag:s8], $0x800  }
0x2f6: {  	[sflag:s8] =	ssyncset.done $0x0  }
0x2f7: {  	[sflag:s8] =	ssyncadd.s32 $0xFFFFF800  }
0x2f8: {  	_ =	swait.ge [sflag:s8], $0x800  }
0x2f9: {  	[sflag:s8] =	ssyncset.done $0x0  }
0x2fa: {  	[sflag:s8] =	ssyncadd.s32 $0xFFFFF800  }
0x2fb: {  	_ =	swait.ge [sflag:s8], $0x800  }
0x2fc: {  	[sflag:s8] =	ssyncset.done $0x0  }
0x2fd: {  	[sflag:s8] =	ssyncadd.s32 $0xFFFFF800  }
0x2fe: {  	_ =	swait.ge [sflag:s8], $0x800  }
0x2ff: {  	[sflag:s8] =	ssyncset.done $0x0  }
0x300: {  	[sflag:s8] =	ssyncadd.s32 $0xFFFFF800  }
0x301: {  	_ =	swait.ge [sflag:s8], $0x800  }
0x302: {  	[sflag:s8] =	ssyncset.done $0x0  }
0x303: {  	[sflag:s8] =	ssyncadd.s32 $0xFFFFF800  }
0x304: {  	_ =	swait.ge [sflag:s8], $0x800  }
0x305: {  	[sflag:s8] =	ssyncset.done $0x0  }
0x306: {  	[sflag:s8] =	ssyncadd.s32 $0xFFFFF800  }
0x307: {  	_ =	swait.ge [sflag:s8], $0x800  }
0x308: {  	[sflag:s8] =	ssyncset.done $0x0  }
0x309: {  	[sflag:s8] =	ssyncadd.s32 $0xFFFFF800  }
0x30a: {  	_ =	swait.ge [sflag:s8], $0x800  }
0x30b: {  	[sflag:s8] =	ssyncset.done $0x0  }
0x30c: {  	[sflag:s8] =	ssyncadd.s32 $0xFFFFF800  }
0x30d: {  	_ =	swait.ge [sflag:s8], $0x800  }
0x30e: {  	[sflag:s8] =	ssyncset.done $0x0  }
0x30f: {  	[sflag:s8] =	ssyncadd.s32 $0xFFFFF800  }
0x310: {  	_ =	swait.ge [sflag:s8], $0x800  }
0x311: {  	[sflag:s8] =	ssyncset.done $0x0  }
0x312: {  	[sflag:s8] =	ssyncadd.s32 $0xFFFFF800  }
0x313: {  	_ =	swait.ge [sflag:s8], $0x800  }
0x314: {  	[sflag:s8] =	ssyncset.done $0x0  }
0x315: {  	[sflag:s8] =	ssyncadd.s32 $0xFFFFF800  }
0x316: {  	_ =	swait.ge [sflag:s8], $0x800  }
0x317: {  	[sflag:s8] =	ssyncset.done $0x0  }
0x318: {  	[sflag:s8] =	ssyncadd.s32 $0xFFFFF800  }
0x319: {  	_ =	swait.ge [sflag:s8], $0x800  }
0x31a: {  	[sflag:s8] =	ssyncset.done $0x0  }
0x31b: {  	[sflag:s8] =	ssyncadd.s32 $0xFFFFF800  }
0x31c: {  	_ =	swait.ge [sflag:s6], $0x80  }
0x31d: {  	[sflag:s6] =	ssyncset.done $0x0  }
0x31e: {  	[sflag:s6] =	ssyncadd.s32 $0xFFFFFF80  }
0x31f: {  	_ =	swait.ge [sflag:s6], $0x80  }
0x320: {  	[sflag:s6] =	ssyncset.done $0x0  }
0x321: {  	[sflag:s6] =	ssyncadd.s32 $0xFFFFFF80  }
0x322: {  	_ =	swait.ge [sflag:s6], $0x80  }
0x323: {  	[sflag:s6] =	ssyncset.done $0x0  }
0x324: {  	[sflag:s6] =	ssyncadd.s32 $0xFFFFFF80  }
0x325: {  	_ =	swait.ge [sflag:s6], $0x80  }
0x326: {  	[sflag:s6] =	ssyncset.done $0x0  }
0x327: {  	[sflag:s6] =	ssyncadd.s32 $0xFFFFFF80  }
0x328: {  	_ =	swait.ge [sflag:s6], $0x80  }
0x329: {  	[sflag:s6] =	ssyncset.done $0x0  }
0x32a: {  	[sflag:s6] =	ssyncadd.s32 $0xFFFFFF80  }
0x32b: {  	_ =	swait.ge [sflag:s6], $0x80  }
0x32c: {  	[sflag:s6] =	ssyncset.done $0x0  }
0x32d: {  	[sflag:s6] =	ssyncadd.s32 $0xFFFFFF80  }
0x32e: {  	_ =	swait.ge [sflag:s6], $0x80  }
0x32f: {  	[sflag:s6] =	ssyncset.done $0x0  }
0x330: {  	[sflag:s6] =	ssyncadd.s32 $0xFFFFFF80  }
0x331: {  	_ =	swait.ge [sflag:s6], $0x80  }
0x332: {  	[sflag:s6] =	ssyncset.done $0x0  }
0x333: {  	[sflag:s6] =	ssyncadd.s32 $0xFFFFFF80  }
0x334: {  	_ =	swait.ge [sflag:s6], $0x80  }
0x335: {  	[sflag:s6] =	ssyncset.done $0x0  }
0x336: {  	[sflag:s6] =	ssyncadd.s32 $0xFFFFFF80  }
0x337: {  	_ =	swait.ge [sflag:s6], $0x80  }
0x338: {  	[sflag:s6] =	ssyncset.done $0x0  }
0x339: {  	[sflag:s6] =	ssyncadd.s32 $0xFFFFFF80  }
0x33a: {  	_ =	swait.ge [sflag:s6], $0x80  }
0x33b: {  	[sflag:s6] =	ssyncset.done $0x0  }
0x33c: {  	[sflag:s6] =	ssyncadd.s32 $0xFFFFFF80  }
0x33d: {  	_ =	swait.ge [sflag:s6], $0x80  }
0x33e: {  	[sflag:s6] =	ssyncset.done $0x0  }
0x33f: {  	[sflag:s6] =	ssyncadd.s32 $0xFFFFFF80  }
0x340: {  	_ =	swait.ge [sflag:s6], $0x80  }
0x341: {  	[sflag:s6] =	ssyncset.done $0x0  }
0x342: {  	[sflag:s6] =	ssyncadd.s32 $0xFFFFFF80  }
0x343: {  	_ =	swait.ge [sflag:s6], $0x80  }
0x344: {  	[sflag:s6] =	ssyncset.done $0x0  }
0x345: {  	[sflag:s6] =	ssyncadd.s32 $0xFFFFFF80  }
0x346: {  	_ =	swait.ge [sflag:s6], $0x80  }
0x347: {  	[sflag:s6] =	ssyncset.done $0x0  }
0x348: {  	[sflag:s6] =	ssyncadd.s32 $0xFFFFFF80  }
0x349: {  	_ =	swait.ge [sflag:s6], $0x80  }
0x34a: {  	[sflag:s6] =	ssyncset.done $0x0  }
0x34b: {  	[sflag:s6] =	ssyncadd.s32 $0xFFFFFF80  }
0x34c: {  	_ =	swait.ge [sflag:s6], $0x80  }
0x34d: {  	[sflag:s6] =	ssyncset.done $0x0  }
0x34e: {  	[sflag:s6] =	ssyncadd.s32 $0xFFFFFF80  }
0x34f: {  	_ =	swait.ge [sflag:s6], $0x80  }
0x350: {  	[sflag:s6] =	ssyncset.done $0x0  }
0x351: {  	[sflag:s6] =	ssyncadd.s32 $0xFFFFFF80  }
0x352: {  	_ =	swait.ge [sflag:s6], $0x80  }
0x353: {  	[sflag:s6] =	ssyncset.done $0x0  }
0x354: {  	[sflag:s6] =	ssyncadd.s32 $0xFFFFFF80  }
0x355: {  	_ =	swait.ge [sflag:s6], $0x80  }
0x356: {  	[sflag:s6] =	ssyncset.done $0x0  }
0x357: {  	[sflag:s6] =	ssyncadd.s32 $0xFFFFFF80  }
0x358: {  	_ =	swait.ge [sflag:s6], $0x80  }
0x359: {  	[sflag:s6] =	ssyncset.done $0x0  }
0x35a: {  	[sflag:s6] =	ssyncadd.s32 $0xFFFFFF80  }
0x35b: {  	_ =	swait.ge [sflag:s6], $0x80  }
0x35c: {  	[sflag:s6] =	ssyncset.done $0x0  }
0x35d: {  	[sflag:s6] =	ssyncadd.s32 $0xFFFFFF80  }
0x35e: {  	_ =	swait.ge [sflag:s6], $0x80  }
0x35f: {  	[sflag:s6] =	ssyncset.done $0x0  }
0x360: {  	[sflag:s6] =	ssyncadd.s32 $0xFFFFFF80  }
0x361: {  	_ =	swait.ge [sflag:s6], $0x80  }
0x362: {  	[sflag:s6] =	ssyncset.done $0x0  }
0x363: {  	[sflag:s6] =	ssyncadd.s32 $0xFFFFFF80  }
0x364: {  	_ =	swait.ge [sflag:s6], $0x80  }
0x365: {  	[sflag:s6] =	ssyncset.done $0x0  }
0x366: {  	[sflag:s6] =	ssyncadd.s32 $0xFFFFFF80  }
0x367: {  	_ =	swait.ge [sflag:s6], $0x80  }
0x368: {  	[sflag:s6] =	ssyncset.done $0x0  }
0x369: {  	s29 =	simm.s32 $0xD00;
	s28 =	rddreg [dreg:$0x3];
	[sflag:s6] =	ssyncadd.s32 $0xFFFFFF80  }
0x36a: {  	[hbm4b:s28+s2] =	stream.linear.scatter [tilespmem:s29], [sflag:$0x3], $0xD000, $0x38;
	[tilespmem:$0xEA00] =	vst v63  }
0x36b: {  	_ =	swait.ge [sflag:s3], $0xD000  }
0x36c: {  	[sflag:s3] =	ssyncset.done $0x0  }
0x36d: {  	s30 =	rddreg [dreg:$0x4];
	[sflag:s3] =	ssyncadd.s32 $0xFFFF3000  }
0x36e: {  	[hbm4b:s30+s2] =	stream.linear.scatter [tilespmem:s12], [sflag:$0x3], $0xD00, $0x38;
	[tilespmem:$0xEA00] =	vst v63  }
0x36f: {  	_ =	swait.ge [sflag:s3], $0xD00  }
0x370: {  	[sflag:s3] =	ssyncset.done $0x0  }
0x371: {  	[sflag:s3] =	ssyncadd.s32 $0xFFFFF300  }
0x372: {  	_ =	sfence.sel $0x180000  }
0x373: {  	[bflag:$0x0] =	sbarrier.arrive $0xFFFF  }
0x374: {  	_ =	strace $0x90000047  }
0x375: {  	s31 =	stileid.u32;
	[bflag:$0x2] =	sbarrier.arrive $0xFFFF  }
0x376: {  	p0 =	sne.s32 s31, $0x0;
	s0 =	rddreg [dreg:$0x1]  }
0x377: {  	s0 =	sadd.s32 @!p0 $0x100000, s0  }
0x378: {  	[sflag:s0] =	ssyncadd.tile.s32 @!p0 $0x1;
	_ =	shalt  }
.LBB2_6:
.Ltmp3:
0x379: {  	(pc) =	sbr.rel .LBB2_5-.Ltmp3, $2  }
0x37a: {  	_ =	sdelay $0x2  }
0x37b: {  	s13 =	simm.s32 $0x800  }
.Lfunc_end2:
_tile_overlayer_lowered:
.L_overlay_start_2:
0x37c: {  	(tag) =	ssettag $0x2  }
0x37d: {  	s0 =	rddreg [dreg:$0x0];
	s2 =	stileid.u32  }
0x37e: {  	s1 =	rddreg [dreg:$0x1];
	p0 =	sne.s32 s2, $0x0  }
0x37f: {  	s3 =	rddreg [dreg:$0x2];
	[bflag:$0x3] =	sbarrier.arrive $0xFFFF;
	s2 =	simm.s32 @!p0 $0x1C03  }
0x380: {  	[timem:s3], [sflag:s2] =	dma.local @!p0 [hbm:s0], s1  }
0x381: {  	s0 =	simm.s32 @!p0 $0x3  }
0x382: {  	_ =	swait.ge @!p0 [sflag:s0], s1  }
0x383: {  	s1 =	ssub.s32 @!p0 $0x0, s1;
	[sflag:s0] =	ssyncset.done @!p0 $0x0  }
0x384: {  	[sflag:s0] =	ssyncadd.s32 @!p0 s1  }
0x385: {  	[bflag:$0x3] =	sbarrier.arrive $0xFFFF  }
0x386: {  	_ =	shalt  }

</sc_bundles>
